<compile_context>
chip_gen: v7x
topology: tpu7x:2x2x1
jax: 0.10.2.dev20260603
libtpu: 0.0.44.dev20260713+nightly
codegen_flags: <defaults>
</compile_context>

<pallas_src>
import functools

import jax
import jax.numpy as jnp
from jax import lax
from jax.experimental import pallas as pl
from jax.experimental.pallas import tpu as pltpu
from jax.experimental.pallas import tpu_sc as plsc

_N = 10000
_E = 320000
_D = 128

_NC = 2
_NS = 16

_CH = 128
_C = 160
_EPAD = _NS * _C * _CH
_NBUF = 2
_SS = 2
_SW = _CH // _SS
_RB = 128
_NPAD = 10240
_NH = _NPAD // _NC
_NHB = _NH // _RB
_AROWS = _NH
_DSPLIT = (_NHB - 1) * _RB


def _deg_body(idxc, ones_hbm, zeros_hbm, deg_out,
              idx_v, ones_v, zeros_v, acc):
    cid = lax.axis_index("c")
    sid = lax.axis_index("s")

    pltpu.sync_copy(ones_hbm, ones_v)
    pltpu.sync_copy(zeros_hbm, zeros_v)

    def zloop(k, carry):
        b = sid + _NS * k

        @pl.when(b < _NHB)
        def _z():
            pltpu.sync_copy(zeros_v, acc.at[pl.ds(b * _CH, _CH)])
        return carry

    lax.fori_loop(0, _NHB // _NS + 1, zloop, 0)
    pltpu.sync_copy(idxc.at[cid].at[sid], idx_v)
    plsc.subcore_barrier()

    def eloop(j, carry):
        pltpu.sync_copy(ones_v, acc.at[idx_v.at[j]], add=True)
        return carry

    lax.fori_loop(0, _C, eloop, 0)
    plsc.subcore_barrier()

    def oloop(k, carry):
        b = sid + _NS * k

        @pl.when(b < _NHB)
        def _o():
            pltpu.sync_copy(acc.at[pl.ds(b * _CH, _CH)],
                            deg_out.at[cid].at[pl.ds(b * _CH, _CH)])
        return carry

    lax.fori_loop(0, _NHB // _NS + 1, oloop, 0)


@functools.cache
def _deg_call():
    mesh = plsc.VectorSubcoreMesh(
        core_axis_name="c", subcore_axis_name="s",
        num_cores=_NC, num_subcores=_NS)
    return pl.kernel(
        _deg_body,
        out_type=jax.ShapeDtypeStruct((_NC, _NH, _D), jnp.float32),
        mesh=mesh,
        scratch_types=[
            pltpu.VMEM((_C, _CH), jnp.int32),
            pltpu.VMEM((_CH, _D), jnp.float32),
            pltpu.VMEM((_CH, _D), jnp.float32),
            pltpu.VMEM_SHARED((_NH, _D), jnp.float32),
        ],
    )


def _agg_body(h_hbm, srcb, dstc, out_hbm,
              src_v, dst_v, rows_v, acc, *sems):
    cid = lax.axis_index("c")
    sid = lax.axis_index("s")

    pltpu.sync_copy(h_hbm.at[pl.ds(_NPAD - _RB, _RB)], rows_v.at[0])

    def zloop(k, carry):
        b = sid + _NS * k

        @pl.when(b < _NHB)
        def _z():
            pltpu.sync_copy(rows_v.at[0], acc.at[pl.ds(b * _RB, _RB)])
        return carry

    lax.fori_loop(0, _NHB // _NS + 1, zloop, 0)
    pltpu.sync_copy(srcb.at[cid].at[sid], src_v)
    pltpu.sync_copy(dstc.at[cid].at[sid], dst_v)
    plsc.subcore_barrier()

    def _fire(j, slot, sem):
        for s in range(_SS):
            pltpu.async_copy(
                h_hbm.at[src_v.at[j].at[pl.ds(s * _SW, _SW)]],
                rows_v.at[slot].at[pl.ds(s * _SW, _SW)], sem)

    def _drain(slot, sem):
        pltpu.make_async_copy(
            h_hbm.at[pl.ds(0, _CH)], rows_v.at[slot], sem).wait()

    for r in range(_NBUF):
        _fire(r, r, sems[r])

    def gloop(g, carry):
        for r in range(_NBUF):
            j = _NBUF * g + r
            _drain(r, sems[r])
            pltpu.sync_copy(rows_v.at[r], acc.at[dst_v.at[j]], add=True)

            @pl.when(j + _NBUF < _C)
            def _next():
                _fire(j + _NBUF, r, sems[r])
        return carry

    lax.fori_loop(0, _C // _NBUF, gloop, 0)
    plsc.subcore_barrier()

    def oloop(k, carry):
        b = sid + _NS * k

        @pl.when(b < _NHB)
        def _o():
            pltpu.sync_copy(acc.at[pl.ds(b * _CH, _CH)],
                            out_hbm.at[cid].at[pl.ds(b * _CH, _CH)])
        return carry

    lax.fori_loop(0, _NHB // _NS + 1, oloop, 0)


@functools.cache
def _agg_call():
    mesh = plsc.VectorSubcoreMesh(
        core_axis_name="c", subcore_axis_name="s",
        num_cores=_NC, num_subcores=_NS)
    return pl.kernel(
        _agg_body,
        out_type=jax.ShapeDtypeStruct((_NC, _NH, _D), jnp.float32),
        mesh=mesh,
        scratch_types=[
            pltpu.VMEM((_C, _CH), jnp.int32),
            pltpu.VMEM((_C, _CH), jnp.int32),
            pltpu.VMEM((_NBUF, _CH, _D), jnp.float32),
            pltpu.VMEM_SHARED((_AROWS, _D), jnp.float32),
        ] + [pltpu.SemaphoreType.DMA] * _NBUF,
    )


def _deg_block(i):
    c = jnp.where(i < _NHB - 1, 1, 0)
    r = jnp.where(i < _NHB - 1, i, jnp.minimum(i - (_NHB - 1), _NHB - 1))
    return (c, r, 0)


def _mm1_body(x_ref, w_ref, od_ref, id_ref, h_ref, ns_ref, nd_ref):
    odeg = od_ref[0][:, :1]
    ideg = id_ref[0][:, :1]
    ns = lax.rsqrt(jnp.maximum(odeg, 1.0))
    nd = lax.rsqrt(jnp.maximum(ideg, 1.0))
    h = jnp.dot(x_ref[...], w_ref[...], preferred_element_type=jnp.float32)
    h_ref[...] = h * ns
    ns_ref[...] = ns
    nd_ref[...] = nd


_mm1 = pl.pallas_call(
    _mm1_body,
    grid=(_NPAD // _RB,),
    in_specs=[
        pl.BlockSpec((_RB, _D), lambda i: (i, 0)),
        pl.BlockSpec((_D, _D), lambda i: (0, 0)),
        pl.BlockSpec((1, _RB, _D), _deg_block),
        pl.BlockSpec((1, _RB, _D), _deg_block),
    ],
    out_specs=[
        pl.BlockSpec((_RB, _D), lambda i: (i, 0)),
        pl.BlockSpec((_RB, 1), lambda i: (i, 0)),
        pl.BlockSpec((_RB, 1), lambda i: (i, 0)),
    ],
    out_shape=[
        jax.ShapeDtypeStruct((_NPAD, _D), jnp.float32),
        jax.ShapeDtypeStruct((_NPAD, 1), jnp.float32),
        jax.ShapeDtypeStruct((_NPAD, 1), jnp.float32),
    ],
)


def _mm2_body(p_ref, nd_ref, b1_ref, ns_ref, w_ref, out_ref):
    i = pl.program_id(0)
    agg = p_ref[0]
    h = jnp.tanh(agg * nd_ref[...] + b1_ref[...])
    rows = i * _RB + lax.broadcasted_iota(jnp.int32, (_RB, 1), 0)
    h = jnp.where(rows < _N, h, 0.0)
    out_ref[...] = jnp.dot(h * ns_ref[...], w_ref[...],
                           preferred_element_type=jnp.float32)


_mm2 = pl.pallas_call(
    _mm2_body,
    grid=(_NPAD // _RB,),
    in_specs=[
        pl.BlockSpec((1, _RB, _D), lambda i: (i // _NHB, i % _NHB, 0)),
        pl.BlockSpec((_RB, 1), lambda i: (i, 0)),
        pl.BlockSpec((_D,), lambda i: (0,)),
        pl.BlockSpec((_RB, 1), lambda i: (i, 0)),
        pl.BlockSpec((_D, _D), lambda i: (0, 0)),
    ],
    out_specs=pl.BlockSpec((_RB, _D), lambda i: (i, 0)),
    out_shape=jax.ShapeDtypeStruct((_NPAD, _D), jnp.float32),
)


def _mm3_body(p_ref, nd_ref, b2_ref, out_ref):
    out_ref[...] = p_ref[0] * nd_ref[...] + b2_ref[...]


_mm3 = pl.pallas_call(
    _mm3_body,
    grid=(_NPAD // _RB,),
    in_specs=[
        pl.BlockSpec((1, _RB, _D), lambda i: (i // _NHB, i % _NHB, 0)),
        pl.BlockSpec((_RB, 1), lambda i: (i, 0)),
        pl.BlockSpec((_D,), lambda i: (0,)),
    ],
    out_specs=pl.BlockSpec((_RB, _D), lambda i: (i, 0)),
    out_shape=jax.ShapeDtypeStruct((_NPAD, _D), jnp.float32),
)


def kernel(graph, x, W1, b1, W2, b2):
    src = graph[0].astype(jnp.int32)
    dst = graph[1].astype(jnp.int32)
    zrow = _N + (jnp.arange(_EPAD, dtype=jnp.int32) % (_NPAD - _N))
    padv = zrow[_E:]
    dstp = jnp.concatenate([dst, jnp.full((_EPAD - _E,), _N, jnp.int32)])
    srcp = jnp.concatenate([src, padv])

    def _local(idx, c):
        return idx - c * _NH

    def _owned(idx, c):
        loc = _local(idx, c)
        return (loc >= 0) & (loc < _NH)

    src_halves, dst_halves = [], []
    for c in range(_NC):
        own_d = _owned(dstp, c)
        src_halves.append(
            jnp.where(own_d, srcp, zrow).reshape(_NS, _C, _CH))
        dst_halves.append(
            jnp.where(own_d, _local(dstp, c),
                      zrow - _N).reshape(_NS, _C, _CH))
    srcc = jnp.stack(src_halves)
    dstc = jnp.stack(dst_halves)

    pos = jnp.arange(_EPAD, dtype=jnp.int32)
    dump0 = 5012 + pos % (_NH - 5012)
    dump1 = _DSPLIT + pos % (_NH - _DSPLIT)

    def _deg_idx(idx):
        c0 = jnp.where(idx >= _DSPLIT, idx - _DSPLIT, dump0)
        c1 = jnp.where(idx < _DSPLIT, idx, dump1)
        return jnp.stack([c0.reshape(_NS, _C, _CH),
                          c1.reshape(_NS, _C, _CH)])

    sdegc = _deg_idx(srcp)
    ddegc = _deg_idx(dstp)
    xp = jnp.pad(x, ((0, _NPAD - _N), (0, 0)))
    onesf = jnp.ones((_CH, _D), jnp.float32)
    zerosf = jnp.zeros((_CH, _D), jnp.float32)

    od = _deg_call()(sdegc, onesf, zerosf)
    idg = _deg_call()(ddegc, onesf, zerosf)
    h1, ns, nd = _mm1(xp, W1, od, idg)
    p1 = _agg_call()(h1, srcc, dstc)
    h2 = _mm2(p1, nd, b1, ns, W2)
    p2 = _agg_call()(h2, srcc, dstc)
    out = _mm3(p2, nd, b2)
    return out[:_N]

# --- scband reference (transcript-rebuilt; emitter-appended) ---
"""Pipeline reference for scband-gnn-dgl-26456998543861 (READ-ONLY COPY).

The authoritative reference and input builder live on the scoring server;
editing this copy changes nothing except your own understanding.
"""

import jax, jax.numpy as jnp
import numpy as np

N = 10000
E = 320000
D = 128


def setup_inputs(seed: int = 0) -> dict:
    key = jax.random.key(seed)
    k1, k2, k3, k4 = jax.random.split(key, 4)
    x = jax.random.normal(k1, (N, D), dtype=jnp.float32)
    graph = jax.random.randint(k2, (2, E), 0, N, dtype=jnp.int64)
    # DGL GraphConv weights (glorot-ish scale) for 2 layers: in->hid, hid->out
    W1 = jax.random.normal(k3, (D, D), dtype=jnp.float32) * (1.0 / np.sqrt(D))
    b1 = jnp.zeros((D,), dtype=jnp.float32)
    W2 = jax.random.normal(k4, (D, D), dtype=jnp.float32) * (1.0 / np.sqrt(D))
    b2 = jnp.zeros((D,), dtype=jnp.float32)
    return {"graph": graph, "x": x, "W1": W1, "b1": b1, "W2": W2, "b2": b2}


def _graph_conv(x, src, dst, W, b):
    # DGL GraphConv with norm='both':
    # h = D_dst^{-1/2} * A^T * (D_src^{-1/2} * x) @ W + b
    out_deg = jnp.zeros((N,), dtype=jnp.float32).at[src].add(1.0)
    in_deg = jnp.zeros((N,), dtype=jnp.float32).at[dst].add(1.0)
    norm_src = jnp.power(jnp.clip(out_deg, 1.0, None), -0.5)
    norm_dst = jnp.power(jnp.clip(in_deg, 1.0, None), -0.5)
    h = x * norm_src[:, None]
    h = h @ W
    msg = jnp.take(h, src, axis=0)
    agg = jnp.zeros((N, W.shape[1]), dtype=h.dtype).at[dst].add(msg)
    return agg * norm_dst[:, None] + b


def reference(graph, x, W1, b1, W2, b2):
    src = graph[0]
    dst = graph[1]
    h = jnp.tanh(_graph_conv(x, src, dst, W1, b1))
    out = _graph_conv(h, src, dst, W2, b2)
    return out

if __name__ == "__main__":
    import jax
    _d = setup_inputs()
    print(jax.jit(kernel)(*tuple(_d.values())))

</pallas_src>

<mosaic_0001>
#map = affine_map<(d0, d1) -> (0, 0, 0, 0)>
#map1 = affine_map<(d0, d1) -> (0, 0)>
#map2 = affine_map<(d0, d1) -> (0, 0, 0)>
module attributes {stable_mosaic.version = 14 : i64} {
  func.func @_deg_body(%arg0: i32, %arg1: i32, %arg2: memref<2x16x160x128xi32, #tpu.memory_space<hbm>>, %arg3: memref<128x128xf32, #tpu.memory_space<hbm>>, %arg4: memref<128x128xf32, #tpu.memory_space<hbm>>, %arg5: memref<2x5120x128xf32, #tpu.memory_space<hbm>>, %arg6: memref<160x128xi32, #tpu.memory_space<vmem>>, %arg7: memref<128x128xf32, #tpu.memory_space<vmem>>, %arg8: memref<128x128xf32, #tpu.memory_space<vmem>>, %arg9: memref<5120x128xf32, #tpu.memory_space<vmem_shared>>) attributes {dimension_semantics = [#tpu.dimension_semantics<core_parallel>, #tpu.dimension_semantics<subcore_parallel>], iteration_bounds = array<i64: 2, 16>, scalar_prefetch = 0 : i64, scratch_operands = 4 : i64, tpu.core_type = #tpu.core_type<sc_vector_subcore>, window_params = [{transform_indices = #map}, {transform_indices = #map1}, {transform_indices = #map1}, {transform_indices = #map2}]} {
    "tpu.region"() ({
      %run_scoped3A = tpu.sem_alloc : memref<!tpu.dma_semaphore, #tpu.memory_space<semaphore_mem>>
      tpu.enqueue_dma source(%arg3 : memref<128x128xf32, #tpu.memory_space<hbm>>) target(%arg7 : memref<128x128xf32, #tpu.memory_space<vmem>>) target_semaphore(%run_scoped3A : memref<!tpu.dma_semaphore, #tpu.memory_space<semaphore_mem>>)
      tpu.wait_dma2 semaphore(%run_scoped3A : memref<!tpu.dma_semaphore, #tpu.memory_space<semaphore_mem>>) src(%arg3 : memref<128x128xf32, #tpu.memory_space<hbm>>) dst(%arg7 : memref<128x128xf32, #tpu.memory_space<vmem>>)
      tpu.yield
    }) : () -> ()
    "tpu.region"() ({
      %run_scoped3A = tpu.sem_alloc : memref<!tpu.dma_semaphore, #tpu.memory_space<semaphore_mem>>
      tpu.enqueue_dma source(%arg4 : memref<128x128xf32, #tpu.memory_space<hbm>>) target(%arg8 : memref<128x128xf32, #tpu.memory_space<vmem>>) target_semaphore(%run_scoped3A : memref<!tpu.dma_semaphore, #tpu.memory_space<semaphore_mem>>)
      tpu.wait_dma2 semaphore(%run_scoped3A : memref<!tpu.dma_semaphore, #tpu.memory_space<semaphore_mem>>) src(%arg4 : memref<128x128xf32, #tpu.memory_space<hbm>>) dst(%arg8 : memref<128x128xf32, #tpu.memory_space<vmem>>)
      tpu.yield
    }) : () -> ()
    %scan3A = arith.constant 0 : i32
    %scan3A_0 = arith.constant 0 : i32
    %scan3A_1 = arith.constant 3 : i32
    %scan3A_2 = arith.addi %scan3A_0, %scan3A_1 : i32
    %scan3A_3 = arith.constant 1 : i32
    scf.for %scan3A_18 = %scan3A_0 to %scan3A_2 step %scan3A_3  : i32 {
      %mul3A = arith.constant 16 : i32
      %mul3A_19 = arith.muli %mul3A, %scan3A_18 : i32
      %add3A = arith.addi %arg1, %mul3A_19 : i32
      %lt3A = arith.constant 40 : i32
      %lt3A_20 = arith.cmpi slt, %add3A, %lt3A : i32
      %convert_element_type3A = arith.extui %lt3A_20 : i1 to i32
      %cond3A = arith.constant 0 : i32
      %cond3A_21 = arith.cmpi ne, %convert_element_type3A, %cond3A : i32
      scf.if %cond3A_21 {
        %mul3A_22 = arith.constant 128 : i32
        %mul3A_23 = arith.muli %add3A, %mul3A_22 : i32
        "tpu.region"() ({
          %run_scoped3A = tpu.sem_alloc : memref<!tpu.dma_semaphore, #tpu.memory_space<semaphore_mem>>
          %dma_start3A = arith.constant 0 : i32
          %dma_start3A_24 = tpu.memref_slice %arg9[%mul3A_23, %dma_start3A] : memref<5120x128xf32, #tpu.memory_space<vmem_shared>> -> memref<128x128xf32, #tpu.memory_space<vmem_shared>>
          %dma_start3A_25 = arith.constant 0 : i32
          %dma_start3A_26 = tpu.memref_slice %arg9[%mul3A_23, %dma_start3A_25] : memref<5120x128xf32, #tpu.memory_space<vmem_shared>> -> memref<128x128xf32, #tpu.memory_space<vmem_shared>>
          tpu.enqueue_dma source(%arg8 : memref<128x128xf32, #tpu.memory_space<vmem>>) target(%dma_start3A_26 : memref<128x128xf32, #tpu.memory_space<vmem_shared>>) target_semaphore(%run_scoped3A : memref<!tpu.dma_semaphore, #tpu.memory_space<semaphore_mem>>)
          %dma_wait3A = arith.constant 0 : i32
          %dma_wait3A_27 = tpu.memref_slice %arg9[%mul3A_23, %dma_wait3A] : memref<5120x128xf32, #tpu.memory_space<vmem_shared>> -> memref<128x128xf32, #tpu.memory_space<vmem_shared>>
          %dma_wait3A_28 = arith.constant 0 : i32
          %dma_wait3A_29 = tpu.memref_slice %arg9[%mul3A_23, %dma_wait3A_28] : memref<5120x128xf32, #tpu.memory_space<vmem_shared>> -> memref<128x128xf32, #tpu.memory_space<vmem_shared>>
          tpu.wait_dma2 semaphore(%run_scoped3A : memref<!tpu.dma_semaphore, #tpu.memory_space<semaphore_mem>>) src(%arg8 : memref<128x128xf32, #tpu.memory_space<vmem>>) dst(%dma_wait3A_29 : memref<128x128xf32, #tpu.memory_space<vmem_shared>>)
          tpu.yield
        }) : () -> ()
      } else {
      }
    }
    %scan3A_4 = arith.constant 3 : i32
    "tpu.region"() ({
      %run_scoped3A = tpu.sem_alloc : memref<!tpu.dma_semaphore, #tpu.memory_space<semaphore_mem>>
      %dma_start3A = arith.constant 0 : i32
      %dma_start3A_18 = arith.constant 0 : i32
      %dma_start3A_19 = arith.constant 0 : i32
      %dma_start3A_20 = tpu.memref_slice %arg2[%arg0, %dma_start3A, %dma_start3A_18, %dma_start3A_19] : memref<2x16x160x128xi32, #tpu.memory_space<hbm>> -> memref<1x16x160x128xi32, #tpu.memory_space<hbm>>
      %dma_start3A_21 = tpu.memref_squeeze %dma_start3A_20 : memref<1x16x160x128xi32, #tpu.memory_space<hbm>> -> memref<16x160x128xi32, #tpu.memory_space<hbm>>
      %dma_start3A_22 = arith.constant 0 : i32
      %dma_start3A_23 = arith.constant 0 : i32
      %dma_start3A_24 = tpu.memref_slice %dma_start3A_21[%arg1, %dma_start3A_22, %dma_start3A_23] : memref<16x160x128xi32, #tpu.memory_space<hbm>> -> memref<1x160x128xi32, #tpu.memory_space<hbm>>
      %dma_start3A_25 = tpu.memref_squeeze %dma_start3A_24 : memref<1x160x128xi32, #tpu.memory_space<hbm>> -> memref<160x128xi32, #tpu.memory_space<hbm>>
      %dma_start3A_26 = arith.constant 0 : i32
      %dma_start3A_27 = arith.constant 0 : i32
      %dma_start3A_28 = arith.constant 0 : i32
      %dma_start3A_29 = tpu.memref_slice %arg2[%arg0, %dma_start3A_26, %dma_start3A_27, %dma_start3A_28] : memref<2x16x160x128xi32, #tpu.memory_space<hbm>> -> memref<1x16x160x128xi32, #tpu.memory_space<hbm>>
      %dma_start3A_30 = tpu.memref_squeeze %dma_start3A_29 : memref<1x16x160x128xi32, #tpu.memory_space<hbm>> -> memref<16x160x128xi32, #tpu.memory_space<hbm>>
      %dma_start3A_31 = arith.constant 0 : i32
      %dma_start3A_32 = arith.constant 0 : i32
      %dma_start3A_33 = tpu.memref_slice %dma_start3A_30[%arg1, %dma_start3A_31, %dma_start3A_32] : memref<16x160x128xi32, #tpu.memory_space<hbm>> -> memref<1x160x128xi32, #tpu.memory_space<hbm>>
      %dma_start3A_34 = tpu.memref_squeeze %dma_start3A_33 : memref<1x160x128xi32, #tpu.memory_space<hbm>> -> memref<160x128xi32, #tpu.memory_space<hbm>>
      tpu.enqueue_dma source(%dma_start3A_34 : memref<160x128xi32, #tpu.memory_space<hbm>>) target(%arg6 : memref<160x128xi32, #tpu.memory_space<vmem>>) target_semaphore(%run_scoped3A : memref<!tpu.dma_semaphore, #tpu.memory_space<semaphore_mem>>)
      %dma_wait3A = arith.constant 0 : i32
      %dma_wait3A_35 = arith.constant 0 : i32
      %dma_wait3A_36 = arith.constant 0 : i32
      %dma_wait3A_37 = tpu.memref_slice %arg2[%arg0, %dma_wait3A, %dma_wait3A_35, %dma_wait3A_36] : memref<2x16x160x128xi32, #tpu.memory_space<hbm>> -> memref<1x16x160x128xi32, #tpu.memory_space<hbm>>
      %dma_wait3A_38 = tpu.memref_squeeze %dma_wait3A_37 : memref<1x16x160x128xi32, #tpu.memory_space<hbm>> -> memref<16x160x128xi32, #tpu.memory_space<hbm>>
      %dma_wait3A_39 = arith.constant 0 : i32
      %dma_wait3A_40 = arith.constant 0 : i32
      %dma_wait3A_41 = tpu.memref_slice %dma_wait3A_38[%arg1, %dma_wait3A_39, %dma_wait3A_40] : memref<16x160x128xi32, #tpu.memory_space<hbm>> -> memref<1x160x128xi32, #tpu.memory_space<hbm>>
      %dma_wait3A_42 = tpu.memref_squeeze %dma_wait3A_41 : memref<1x160x128xi32, #tpu.memory_space<hbm>> -> memref<160x128xi32, #tpu.memory_space<hbm>>
      %dma_wait3A_43 = arith.constant 0 : i32
      %dma_wait3A_44 = arith.constant 0 : i32
      %dma_wait3A_45 = arith.constant 0 : i32
      %dma_wait3A_46 = tpu.memref_slice %arg2[%arg0, %dma_wait3A_43, %dma_wait3A_44, %dma_wait3A_45] : memref<2x16x160x128xi32, #tpu.memory_space<hbm>> -> memref<1x16x160x128xi32, #tpu.memory_space<hbm>>
      %dma_wait3A_47 = tpu.memref_squeeze %dma_wait3A_46 : memref<1x16x160x128xi32, #tpu.memory_space<hbm>> -> memref<16x160x128xi32, #tpu.memory_space<hbm>>
      %dma_wait3A_48 = arith.constant 0 : i32
      %dma_wait3A_49 = arith.constant 0 : i32
      %dma_wait3A_50 = tpu.memref_slice %dma_wait3A_47[%arg1, %dma_wait3A_48, %dma_wait3A_49] : memref<16x160x128xi32, #tpu.memory_space<hbm>> -> memref<1x160x128xi32, #tpu.memory_space<hbm>>
      %dma_wait3A_51 = tpu.memref_squeeze %dma_wait3A_50 : memref<1x160x128xi32, #tpu.memory_space<hbm>> -> memref<160x128xi32, #tpu.memory_space<hbm>>
      tpu.wait_dma2 semaphore(%run_scoped3A : memref<!tpu.dma_semaphore, #tpu.memory_space<semaphore_mem>>) src(%dma_wait3A_51 : memref<160x128xi32, #tpu.memory_space<hbm>>) dst(%arg6 : memref<160x128xi32, #tpu.memory_space<vmem>>)
      tpu.yield
    }) : () -> ()
    %barrier3A = arith.constant 0 : index
    tpu.barrier barrier_id(%barrier3A)
    %scan3A_5 = arith.constant 0 : i32
    %scan3A_6 = arith.constant 0 : i32
    %scan3A_7 = arith.constant 160 : i32
    %scan3A_8 = arith.addi %scan3A_6, %scan3A_7 : i32
    %scan3A_9 = arith.constant 1 : i32
    scf.for %scan3A_18 = %scan3A_6 to %scan3A_8 step %scan3A_9  : i32 {
      "tpu.region"() ({
        %run_scoped3A = tpu.sem_alloc : memref<!tpu.dma_semaphore, #tpu.memory_space<semaphore_mem>>
        %dma_start3A = arith.constant 0 : i32
        %dma_start3A_19 = tpu.memref_slice %arg6[%scan3A_18, %dma_start3A] : memref<160x128xi32, #tpu.memory_space<vmem>> -> memref<1x128xi32, #tpu.memory_space<vmem>>
        %dma_start3A_20 = tpu.memref_squeeze %dma_start3A_19 : memref<1x128xi32, #tpu.memory_space<vmem>> -> memref<128xi32, #tpu.memory_space<vmem>>
        %dma_start3A_21 = arith.constant 0 : i32
        %dma_start3A_22 = arith.constant 0 : i32
        %dma_start3A_23 = tpu.memref_slice %arg9[%dma_start3A_21, %dma_start3A_22] : memref<5120x128xf32, #tpu.memory_space<vmem_shared>> -> memref<5120x128xf32, #tpu.memory_space<vmem_shared>>
        tpu.enqueue_indirect_dma source(%arg7 : memref<128x128xf32, #tpu.memory_space<vmem>>) target(%dma_start3A_23 : memref<5120x128xf32, #tpu.memory_space<vmem_shared>>) offsets(%dma_start3A_20 : memref<128xi32, #tpu.memory_space<vmem>>) semaphore(%run_scoped3A : memref<!tpu.dma_semaphore, #tpu.memory_space<semaphore_mem>>) {add = true}
        %dma_wait3A = arith.constant 0 : i32
        %dma_wait3A_24 = tpu.memref_slice %arg6[%scan3A_18, %dma_wait3A] : memref<160x128xi32, #tpu.memory_space<vmem>> -> memref<1x128xi32, #tpu.memory_space<vmem>>
        %dma_wait3A_25 = tpu.memref_squeeze %dma_wait3A_24 : memref<1x128xi32, #tpu.memory_space<vmem>> -> memref<128xi32, #tpu.memory_space<vmem>>
        %dma_wait3A_26 = arith.constant 0 : i32
        %dma_wait3A_27 = arith.constant 0 : i32
        %dma_wait3A_28 = tpu.memref_slice %arg9[%dma_wait3A_26, %dma_wait3A_27] : memref<5120x128xf32, #tpu.memory_space<vmem_shared>> -> memref<5120x128xf32, #tpu.memory_space<vmem_shared>>
        tpu.wait_indirect_dma semaphore(%run_scoped3A : memref<!tpu.dma_semaphore, #tpu.memory_space<semaphore_mem>>) src(%arg7 : memref<128x128xf32, #tpu.memory_space<vmem>>) dst(%dma_wait3A_28 : memref<5120x128xf32, #tpu.memory_space<vmem_shared>>)
        tpu.yield
      }) : () -> ()
    }
    %scan3A_10 = arith.constant 160 : i32
    %barrier3A_11 = arith.constant 0 : index
    tpu.barrier barrier_id(%barrier3A_11)
    %scan3A_12 = arith.constant 0 : i32
    %scan3A_13 = arith.constant 0 : i32
    %scan3A_14 = arith.constant 3 : i32
    %scan3A_15 = arith.addi %scan3A_13, %scan3A_14 : i32
    %scan3A_16 = arith.constant 1 : i32
    scf.for %scan3A_18 = %scan3A_13 to %scan3A_15 step %scan3A_16  : i32 {
      %mul3A = arith.constant 16 : i32
      %mul3A_19 = arith.muli %mul3A, %scan3A_18 : i32
      %add3A = arith.addi %arg1, %mul3A_19 : i32
      %lt3A = arith.constant 40 : i32
      %lt3A_20 = arith.cmpi slt, %add3A, %lt3A : i32
      %convert_element_type3A = arith.extui %lt3A_20 : i1 to i32
      %cond3A = arith.constant 0 : i32
      %cond3A_21 = arith.cmpi ne, %convert_element_type3A, %cond3A : i32
      scf.if %cond3A_21 {
        %mul3A_22 = arith.constant 128 : i32
        %mul3A_23 = arith.muli %add3A, %mul3A_22 : i32
        %mul3A_24 = arith.constant 128 : i32
        %mul3A_25 = arith.muli %add3A, %mul3A_24 : i32
        "tpu.region"() ({
          %run_scoped3A = tpu.sem_alloc : memref<!tpu.dma_semaphore, #tpu.memory_space<semaphore_mem>>
          %dma_start3A = arith.constant 0 : i32
          %dma_start3A_26 = arith.constant 0 : i32
          %dma_start3A_27 = tpu.memref_slice %arg5[%arg0, %dma_start3A, %dma_start3A_26] : memref<2x5120x128xf32, #tpu.memory_space<hbm>> -> memref<1x5120x128xf32, #tpu.memory_space<hbm>>
          %dma_start3A_28 = tpu.memref_squeeze %dma_start3A_27 : memref<1x5120x128xf32, #tpu.memory_space<hbm>> -> memref<5120x128xf32, #tpu.memory_space<hbm>>
          %dma_start3A_29 = arith.constant 0 : i32
          %dma_start3A_30 = tpu.memref_slice %dma_start3A_28[%mul3A_25, %dma_start3A_29] : memref<5120x128xf32, #tpu.memory_space<hbm>> -> memref<128x128xf32, #tpu.memory_space<hbm>>
          %dma_start3A_31 = arith.constant 0 : i32
          %dma_start3A_32 = tpu.memref_slice %arg9[%mul3A_23, %dma_start3A_31] : memref<5120x128xf32, #tpu.memory_space<vmem_shared>> -> memref<128x128xf32, #tpu.memory_space<vmem_shared>>
          tpu.enqueue_dma source(%dma_start3A_32 : memref<128x128xf32, #tpu.memory_space<vmem_shared>>) target(%dma_start3A_30 : memref<128x128xf32, #tpu.memory_space<hbm>>) target_semaphore(%run_scoped3A : memref<!tpu.dma_semaphore, #tpu.memory_space<semaphore_mem>>)
          %dma_wait3A = arith.constant 0 : i32
          %dma_wait3A_33 = arith.constant 0 : i32
          %dma_wait3A_34 = tpu.memref_slice %arg5[%arg0, %dma_wait3A, %dma_wait3A_33] : memref<2x5120x128xf32, #tpu.memory_space<hbm>> -> memref<1x5120x128xf32, #tpu.memory_space<hbm>>
          %dma_wait3A_35 = tpu.memref_squeeze %dma_wait3A_34 : memref<1x5120x128xf32, #tpu.memory_space<hbm>> -> memref<5120x128xf32, #tpu.memory_space<hbm>>
          %dma_wait3A_36 = arith.constant 0 : i32
          %dma_wait3A_37 = tpu.memref_slice %dma_wait3A_35[%mul3A_25, %dma_wait3A_36] : memref<5120x128xf32, #tpu.memory_space<hbm>> -> memref<128x128xf32, #tpu.memory_space<hbm>>
          %dma_wait3A_38 = arith.constant 0 : i32
          %dma_wait3A_39 = tpu.memref_slice %arg9[%mul3A_23, %dma_wait3A_38] : memref<5120x128xf32, #tpu.memory_space<vmem_shared>> -> memref<128x128xf32, #tpu.memory_space<vmem_shared>>
          tpu.wait_dma2 semaphore(%run_scoped3A : memref<!tpu.dma_semaphore, #tpu.memory_space<semaphore_mem>>) src(%dma_wait3A_39 : memref<128x128xf32, #tpu.memory_space<vmem_shared>>) dst(%dma_wait3A_37 : memref<128x128xf32, #tpu.memory_space<hbm>>)
          tpu.yield
        }) : () -> ()
      } else {
      }
    }
    %scan3A_17 = arith.constant 3 : i32
    return
  }
}

#map = affine_map<(d0, d1) -> (0, 0)>
#map1 = affine_map<(d0, d1) -> (0, 0, 0, 0)>
#map2 = affine_map<(d0, d1) -> (0, 0, 0)>
module attributes {stable_mosaic.version = 14 : i64} {
  func.func @_agg_body(%arg0: i32, %arg1: i32, %arg2: memref<10240x128xf32, #tpu.memory_space<hbm>>, %arg3: memref<2x16x160x128xi32, #tpu.memory_space<hbm>>, %arg4: memref<2x16x160x128xi32, #tpu.memory_space<hbm>>, %arg5: memref<2x5120x128xf32, #tpu.memory_space<hbm>>, %arg6: memref<160x128xi32, #tpu.memory_space<vmem>>, %arg7: memref<160x128xi32, #tpu.memory_space<vmem>>, %arg8: memref<2x128x128xf32, #tpu.memory_space<vmem>>, %arg9: memref<5120x128xf32, #tpu.memory_space<vmem_shared>>, %arg10: memref<!tpu.dma_semaphore, #tpu.memory_space<semaphore_mem>>, %arg11: memref<!tpu.dma_semaphore, #tpu.memory_space<semaphore_mem>>) attributes {dimension_semantics = [#tpu.dimension_semantics<core_parallel>, #tpu.dimension_semantics<subcore_parallel>], iteration_bounds = array<i64: 2, 16>, scalar_prefetch = 0 : i64, scratch_operands = 6 : i64, tpu.core_type = #tpu.core_type<sc_vector_subcore>, window_params = [{transform_indices = #map}, {transform_indices = #map1}, {transform_indices = #map1}, {transform_indices = #map2}]} {
    %run_scoped3A = arith.constant 0 : i32
    "tpu.region"() ({
      %run_scoped3A_85 = tpu.sem_alloc : memref<!tpu.dma_semaphore, #tpu.memory_space<semaphore_mem>>
      %dma_start3A_86 = arith.constant 0 : i32
      %dma_start3A_87 = arith.constant 0 : i32
      %dma_start3A_88 = tpu.memref_slice %arg8[%run_scoped3A, %dma_start3A_86, %dma_start3A_87] : memref<2x128x128xf32, #tpu.memory_space<vmem>> -> memref<1x128x128xf32, #tpu.memory_space<vmem>>
      %dma_start3A_89 = tpu.memref_squeeze %dma_start3A_88 : memref<1x128x128xf32, #tpu.memory_space<vmem>> -> memref<128x128xf32, #tpu.memory_space<vmem>>
      %dma_start3A_90 = arith.constant 10112 : i32
      %dma_start3A_91 = arith.constant 0 : i32
      %dma_start3A_92 = tpu.memref_slice %arg2[%dma_start3A_90, %dma_start3A_91] : memref<10240x128xf32, #tpu.memory_space<hbm>> -> memref<128x128xf32, #tpu.memory_space<hbm>>
      %dma_start3A_93 = arith.constant 0 : i32
      %dma_start3A_94 = arith.constant 0 : i32
      %dma_start3A_95 = tpu.memref_slice %arg8[%run_scoped3A, %dma_start3A_93, %dma_start3A_94] : memref<2x128x128xf32, #tpu.memory_space<vmem>> -> memref<1x128x128xf32, #tpu.memory_space<vmem>>
      %dma_start3A_96 = tpu.memref_squeeze %dma_start3A_95 : memref<1x128x128xf32, #tpu.memory_space<vmem>> -> memref<128x128xf32, #tpu.memory_space<vmem>>
      %dma_start3A_97 = arith.constant 10112 : i32
      %dma_start3A_98 = arith.constant 0 : i32
      %dma_start3A_99 = tpu.memref_slice %arg2[%dma_start3A_97, %dma_start3A_98] : memref<10240x128xf32, #tpu.memory_space<hbm>> -> memref<128x128xf32, #tpu.memory_space<hbm>>
      tpu.enqueue_dma source(%dma_start3A_99 : memref<128x128xf32, #tpu.memory_space<hbm>>) target(%dma_start3A_96 : memref<128x128xf32, #tpu.memory_space<vmem>>) target_semaphore(%run_scoped3A_85 : memref<!tpu.dma_semaphore, #tpu.memory_space<semaphore_mem>>)
      %dma_wait3A = arith.constant 0 : i32
      %dma_wait3A_100 = arith.constant 0 : i32
      %dma_wait3A_101 = tpu.memref_slice %arg8[%run_scoped3A, %dma_wait3A, %dma_wait3A_100] : memref<2x128x128xf32, #tpu.memory_space<vmem>> -> memref<1x128x128xf32, #tpu.memory_space<vmem>>
      %dma_wait3A_102 = tpu.memref_squeeze %dma_wait3A_101 : memref<1x128x128xf32, #tpu.memory_space<vmem>> -> memref<128x128xf32, #tpu.memory_space<vmem>>
      %dma_wait3A_103 = arith.constant 10112 : i32
      %dma_wait3A_104 = arith.constant 0 : i32
      %dma_wait3A_105 = tpu.memref_slice %arg2[%dma_wait3A_103, %dma_wait3A_104] : memref<10240x128xf32, #tpu.memory_space<hbm>> -> memref<128x128xf32, #tpu.memory_space<hbm>>
      %dma_wait3A_106 = arith.constant 0 : i32
      %dma_wait3A_107 = arith.constant 0 : i32
      %dma_wait3A_108 = tpu.memref_slice %arg8[%run_scoped3A, %dma_wait3A_106, %dma_wait3A_107] : memref<2x128x128xf32, #tpu.memory_space<vmem>> -> memref<1x128x128xf32, #tpu.memory_space<vmem>>
      %dma_wait3A_109 = tpu.memref_squeeze %dma_wait3A_108 : memref<1x128x128xf32, #tpu.memory_space<vmem>> -> memref<128x128xf32, #tpu.memory_space<vmem>>
      %dma_wait3A_110 = arith.constant 10112 : i32
      %dma_wait3A_111 = arith.constant 0 : i32
      %dma_wait3A_112 = tpu.memref_slice %arg2[%dma_wait3A_110, %dma_wait3A_111] : memref<10240x128xf32, #tpu.memory_space<hbm>> -> memref<128x128xf32, #tpu.memory_space<hbm>>
      tpu.wait_dma2 semaphore(%run_scoped3A_85 : memref<!tpu.dma_semaphore, #tpu.memory_space<semaphore_mem>>) src(%dma_wait3A_112 : memref<128x128xf32, #tpu.memory_space<hbm>>) dst(%dma_wait3A_109 : memref<128x128xf32, #tpu.memory_space<vmem>>)
      tpu.yield
    }) : () -> ()
    %scan3A = arith.constant 0 : i32
    %scan3A_0 = arith.constant 0 : i32
    %scan3A_1 = arith.constant 3 : i32
    %scan3A_2 = arith.addi %scan3A_0, %scan3A_1 : i32
    %scan3A_3 = arith.constant 1 : i32
    scf.for %scan3A_85 = %scan3A_0 to %scan3A_2 step %scan3A_3  : i32 {
      %mul3A = arith.constant 16 : i32
      %mul3A_86 = arith.muli %mul3A, %scan3A_85 : i32
      %add3A = arith.addi %arg1, %mul3A_86 : i32
      %lt3A = arith.constant 40 : i32
      %lt3A_87 = arith.cmpi slt, %add3A, %lt3A : i32
      %convert_element_type3A = arith.extui %lt3A_87 : i1 to i32
      %cond3A = arith.constant 0 : i32
      %cond3A_88 = arith.cmpi ne, %convert_element_type3A, %cond3A : i32
      scf.if %cond3A_88 {
        %mul3A_89 = arith.constant 128 : i32
        %mul3A_90 = arith.muli %add3A, %mul3A_89 : i32
        %run_scoped3A_91 = arith.constant 0 : i32
        "tpu.region"() ({
          %run_scoped3A_92 = tpu.sem_alloc : memref<!tpu.dma_semaphore, #tpu.memory_space<semaphore_mem>>
          %dma_start3A_93 = arith.constant 0 : i32
          %dma_start3A_94 = arith.constant 0 : i32
          %dma_start3A_95 = tpu.memref_slice %arg8[%run_scoped3A_91, %dma_start3A_93, %dma_start3A_94] : memref<2x128x128xf32, #tpu.memory_space<vmem>> -> memref<1x128x128xf32, #tpu.memory_space<vmem>>
          %dma_start3A_96 = tpu.memref_squeeze %dma_start3A_95 : memref<1x128x128xf32, #tpu.memory_space<vmem>> -> memref<128x128xf32, #tpu.memory_space<vmem>>
          %dma_start3A_97 = arith.constant 0 : i32
          %dma_start3A_98 = tpu.memref_slice %arg9[%mul3A_90, %dma_start3A_97] : memref<5120x128xf32, #tpu.memory_space<vmem_shared>> -> memref<128x128xf32, #tpu.memory_space<vmem_shared>>
          %dma_start3A_99 = arith.constant 0 : i32
          %dma_start3A_100 = tpu.memref_slice %arg9[%mul3A_90, %dma_start3A_99] : memref<5120x128xf32, #tpu.memory_space<vmem_shared>> -> memref<128x128xf32, #tpu.memory_space<vmem_shared>>
          %dma_start3A_101 = arith.constant 0 : i32
          %dma_start3A_102 = arith.constant 0 : i32
          %dma_start3A_103 = tpu.memref_slice %arg8[%run_scoped3A_91, %dma_start3A_101, %dma_start3A_102] : memref<2x128x128xf32, #tpu.memory_space<vmem>> -> memref<1x128x128xf32, #tpu.memory_space<vmem>>
          %dma_start3A_104 = tpu.memref_squeeze %dma_start3A_103 : memref<1x128x128xf32, #tpu.memory_space<vmem>> -> memref<128x128xf32, #tpu.memory_space<vmem>>
          tpu.enqueue_dma source(%dma_start3A_104 : memref<128x128xf32, #tpu.memory_space<vmem>>) target(%dma_start3A_100 : memref<128x128xf32, #tpu.memory_space<vmem_shared>>) target_semaphore(%run_scoped3A_92 : memref<!tpu.dma_semaphore, #tpu.memory_space<semaphore_mem>>)
          %dma_wait3A = arith.constant 0 : i32
          %dma_wait3A_105 = arith.constant 0 : i32
          %dma_wait3A_106 = tpu.memref_slice %arg8[%run_scoped3A_91, %dma_wait3A, %dma_wait3A_105] : memref<2x128x128xf32, #tpu.memory_space<vmem>> -> memref<1x128x128xf32, #tpu.memory_space<vmem>>
          %dma_wait3A_107 = tpu.memref_squeeze %dma_wait3A_106 : memref<1x128x128xf32, #tpu.memory_space<vmem>> -> memref<128x128xf32, #tpu.memory_space<vmem>>
          %dma_wait3A_108 = arith.constant 0 : i32
          %dma_wait3A_109 = tpu.memref_slice %arg9[%mul3A_90, %dma_wait3A_108] : memref<5120x128xf32, #tpu.memory_space<vmem_shared>> -> memref<128x128xf32, #tpu.memory_space<vmem_shared>>
          %dma_wait3A_110 = arith.constant 0 : i32
          %dma_wait3A_111 = tpu.memref_slice %arg9[%mul3A_90, %dma_wait3A_110] : memref<5120x128xf32, #tpu.memory_space<vmem_shared>> -> memref<128x128xf32, #tpu.memory_space<vmem_shared>>
          %dma_wait3A_112 = arith.constant 0 : i32
          %dma_wait3A_113 = arith.constant 0 : i32
          %dma_wait3A_114 = tpu.memref_slice %arg8[%run_scoped3A_91, %dma_wait3A_112, %dma_wait3A_113] : memref<2x128x128xf32, #tpu.memory_space<vmem>> -> memref<1x128x128xf32, #tpu.memory_space<vmem>>
          %dma_wait3A_115 = tpu.memref_squeeze %dma_wait3A_114 : memref<1x128x128xf32, #tpu.memory_space<vmem>> -> memref<128x128xf32, #tpu.memory_space<vmem>>
          tpu.wait_dma2 semaphore(%run_scoped3A_92 : memref<!tpu.dma_semaphore, #tpu.memory_space<semaphore_mem>>) src(%dma_wait3A_115 : memref<128x128xf32, #tpu.memory_space<vmem>>) dst(%dma_wait3A_111 : memref<128x128xf32, #tpu.memory_space<vmem_shared>>)
          tpu.yield
        }) : () -> ()
      } else {
      }
    }
    %scan3A_4 = arith.constant 3 : i32
    "tpu.region"() ({
      %run_scoped3A_85 = tpu.sem_alloc : memref<!tpu.dma_semaphore, #tpu.memory_space<semaphore_mem>>
      %dma_start3A_86 = arith.constant 0 : i32
      %dma_start3A_87 = arith.constant 0 : i32
      %dma_start3A_88 = arith.constant 0 : i32
      %dma_start3A_89 = tpu.memref_slice %arg3[%arg0, %dma_start3A_86, %dma_start3A_87, %dma_start3A_88] : memref<2x16x160x128xi32, #tpu.memory_space<hbm>> -> memref<1x16x160x128xi32, #tpu.memory_space<hbm>>
      %dma_start3A_90 = tpu.memref_squeeze %dma_start3A_89 : memref<1x16x160x128xi32, #tpu.memory_space<hbm>> -> memref<16x160x128xi32, #tpu.memory_space<hbm>>
      %dma_start3A_91 = arith.constant 0 : i32
      %dma_start3A_92 = arith.constant 0 : i32
      %dma_start3A_93 = tpu.memref_slice %dma_start3A_90[%arg1, %dma_start3A_91, %dma_start3A_92] : memref<16x160x128xi32, #tpu.memory_space<hbm>> -> memref<1x160x128xi32, #tpu.memory_space<hbm>>
      %dma_start3A_94 = tpu.memref_squeeze %dma_start3A_93 : memref<1x160x128xi32, #tpu.memory_space<hbm>> -> memref<160x128xi32, #tpu.memory_space<hbm>>
      %dma_start3A_95 = arith.constant 0 : i32
      %dma_start3A_96 = arith.constant 0 : i32
      %dma_start3A_97 = arith.constant 0 : i32
      %dma_start3A_98 = tpu.memref_slice %arg3[%arg0, %dma_start3A_95, %dma_start3A_96, %dma_start3A_97] : memref<2x16x160x128xi32, #tpu.memory_space<hbm>> -> memref<1x16x160x128xi32, #tpu.memory_space<hbm>>
      %dma_start3A_99 = tpu.memref_squeeze %dma_start3A_98 : memref<1x16x160x128xi32, #tpu.memory_space<hbm>> -> memref<16x160x128xi32, #tpu.memory_space<hbm>>
      %dma_start3A_100 = arith.constant 0 : i32
      %dma_start3A_101 = arith.constant 0 : i32
      %dma_start3A_102 = tpu.memref_slice %dma_start3A_99[%arg1, %dma_start3A_100, %dma_start3A_101] : memref<16x160x128xi32, #tpu.memory_space<hbm>> -> memref<1x160x128xi32, #tpu.memory_space<hbm>>
      %dma_start3A_103 = tpu.memref_squeeze %dma_start3A_102 : memref<1x160x128xi32, #tpu.memory_space<hbm>> -> memref<160x128xi32, #tpu.memory_space<hbm>>
      tpu.enqueue_dma source(%dma_start3A_103 : memref<160x128xi32, #tpu.memory_space<hbm>>) target(%arg6 : memref<160x128xi32, #tpu.memory_space<vmem>>) target_semaphore(%run_scoped3A_85 : memref<!tpu.dma_semaphore, #tpu.memory_space<semaphore_mem>>)
      %dma_wait3A = arith.constant 0 : i32
      %dma_wait3A_104 = arith.constant 0 : i32
      %dma_wait3A_105 = arith.constant 0 : i32
      %dma_wait3A_106 = tpu.memref_slice %arg3[%arg0, %dma_wait3A, %dma_wait3A_104, %dma_wait3A_105] : memref<2x16x160x128xi32, #tpu.memory_space<hbm>> -> memref<1x16x160x128xi32, #tpu.memory_space<hbm>>
      %dma_wait3A_107 = tpu.memref_squeeze %dma_wait3A_106 : memref<1x16x160x128xi32, #tpu.memory_space<hbm>> -> memref<16x160x128xi32, #tpu.memory_space<hbm>>
      %dma_wait3A_108 = arith.constant 0 : i32
      %dma_wait3A_109 = arith.constant 0 : i32
      %dma_wait3A_110 = tpu.memref_slice %dma_wait3A_107[%arg1, %dma_wait3A_108, %dma_wait3A_109] : memref<16x160x128xi32, #tpu.memory_space<hbm>> -> memref<1x160x128xi32, #tpu.memory_space<hbm>>
      %dma_wait3A_111 = tpu.memref_squeeze %dma_wait3A_110 : memref<1x160x128xi32, #tpu.memory_space<hbm>> -> memref<160x128xi32, #tpu.memory_space<hbm>>
      %dma_wait3A_112 = arith.constant 0 : i32
      %dma_wait3A_113 = arith.constant 0 : i32
      %dma_wait3A_114 = arith.constant 0 : i32
      %dma_wait3A_115 = tpu.memref_slice %arg3[%arg0, %dma_wait3A_112, %dma_wait3A_113, %dma_wait3A_114] : memref<2x16x160x128xi32, #tpu.memory_space<hbm>> -> memref<1x16x160x128xi32, #tpu.memory_space<hbm>>
      %dma_wait3A_116 = tpu.memref_squeeze %dma_wait3A_115 : memref<1x16x160x128xi32, #tpu.memory_space<hbm>> -> memref<16x160x128xi32, #tpu.memory_space<hbm>>
      %dma_wait3A_117 = arith.constant 0 : i32
      %dma_wait3A_118 = arith.constant 0 : i32
      %dma_wait3A_119 = tpu.memref_slice %dma_wait3A_116[%arg1, %dma_wait3A_117, %dma_wait3A_118] : memref<16x160x128xi32, #tpu.memory_space<hbm>> -> memref<1x160x128xi32, #tpu.memory_space<hbm>>
      %dma_wait3A_120 = tpu.memref_squeeze %dma_wait3A_119 : memref<1x160x128xi32, #tpu.memory_space<hbm>> -> memref<160x128xi32, #tpu.memory_space<hbm>>
      tpu.wait_dma2 semaphore(%run_scoped3A_85 : memref<!tpu.dma_semaphore, #tpu.memory_space<semaphore_mem>>) src(%dma_wait3A_120 : memref<160x128xi32, #tpu.memory_space<hbm>>) dst(%arg6 : memref<160x128xi32, #tpu.memory_space<vmem>>)
      tpu.yield
    }) : () -> ()
    "tpu.region"() ({
      %run_scoped3A_85 = tpu.sem_alloc : memref<!tpu.dma_semaphore, #tpu.memory_space<semaphore_mem>>
      %dma_start3A_86 = arith.constant 0 : i32
      %dma_start3A_87 = arith.constant 0 : i32
      %dma_start3A_88 = arith.constant 0 : i32
      %dma_start3A_89 = tpu.memref_slice %arg4[%arg0, %dma_start3A_86, %dma_start3A_87, %dma_start3A_88] : memref<2x16x160x128xi32, #tpu.memory_space<hbm>> -> memref<1x16x160x128xi32, #tpu.memory_space<hbm>>
      %dma_start3A_90 = tpu.memref_squeeze %dma_start3A_89 : memref<1x16x160x128xi32, #tpu.memory_space<hbm>> -> memref<16x160x128xi32, #tpu.memory_space<hbm>>
      %dma_start3A_91 = arith.constant 0 : i32
      %dma_start3A_92 = arith.constant 0 : i32
      %dma_start3A_93 = tpu.memref_slice %dma_start3A_90[%arg1, %dma_start3A_91, %dma_start3A_92] : memref<16x160x128xi32, #tpu.memory_space<hbm>> -> memref<1x160x128xi32, #tpu.memory_space<hbm>>
      %dma_start3A_94 = tpu.memref_squeeze %dma_start3A_93 : memref<1x160x128xi32, #tpu.memory_space<hbm>> -> memref<160x128xi32, #tpu.memory_space<hbm>>
      %dma_start3A_95 = arith.constant 0 : i32
      %dma_start3A_96 = arith.constant 0 : i32
      %dma_start3A_97 = arith.constant 0 : i32
      %dma_start3A_98 = tpu.memref_slice %arg4[%arg0, %dma_start3A_95, %dma_start3A_96, %dma_start3A_97] : memref<2x16x160x128xi32, #tpu.memory_space<hbm>> -> memref<1x16x160x128xi32, #tpu.memory_space<hbm>>
      %dma_start3A_99 = tpu.memref_squeeze %dma_start3A_98 : memref<1x16x160x128xi32, #tpu.memory_space<hbm>> -> memref<16x160x128xi32, #tpu.memory_space<hbm>>
      %dma_start3A_100 = arith.constant 0 : i32
      %dma_start3A_101 = arith.constant 0 : i32
      %dma_start3A_102 = tpu.memref_slice %dma_start3A_99[%arg1, %dma_start3A_100, %dma_start3A_101] : memref<16x160x128xi32, #tpu.memory_space<hbm>> -> memref<1x160x128xi32, #tpu.memory_space<hbm>>
      %dma_start3A_103 = tpu.memref_squeeze %dma_start3A_102 : memref<1x160x128xi32, #tpu.memory_space<hbm>> -> memref<160x128xi32, #tpu.memory_space<hbm>>
      tpu.enqueue_dma source(%dma_start3A_103 : memref<160x128xi32, #tpu.memory_space<hbm>>) target(%arg7 : memref<160x128xi32, #tpu.memory_space<vmem>>) target_semaphore(%run_scoped3A_85 : memref<!tpu.dma_semaphore, #tpu.memory_space<semaphore_mem>>)
      %dma_wait3A = arith.constant 0 : i32
      %dma_wait3A_104 = arith.constant 0 : i32
      %dma_wait3A_105 = arith.constant 0 : i32
      %dma_wait3A_106 = tpu.memref_slice %arg4[%arg0, %dma_wait3A, %dma_wait3A_104, %dma_wait3A_105] : memref<2x16x160x128xi32, #tpu.memory_space<hbm>> -> memref<1x16x160x128xi32, #tpu.memory_space<hbm>>
      %dma_wait3A_107 = tpu.memref_squeeze %dma_wait3A_106 : memref<1x16x160x128xi32, #tpu.memory_space<hbm>> -> memref<16x160x128xi32, #tpu.memory_space<hbm>>
      %dma_wait3A_108 = arith.constant 0 : i32
      %dma_wait3A_109 = arith.constant 0 : i32
      %dma_wait3A_110 = tpu.memref_slice %dma_wait3A_107[%arg1, %dma_wait3A_108, %dma_wait3A_109] : memref<16x160x128xi32, #tpu.memory_space<hbm>> -> memref<1x160x128xi32, #tpu.memory_space<hbm>>
      %dma_wait3A_111 = tpu.memref_squeeze %dma_wait3A_110 : memref<1x160x128xi32, #tpu.memory_space<hbm>> -> memref<160x128xi32, #tpu.memory_space<hbm>>
      %dma_wait3A_112 = arith.constant 0 : i32
      %dma_wait3A_113 = arith.constant 0 : i32
      %dma_wait3A_114 = arith.constant 0 : i32
      %dma_wait3A_115 = tpu.memref_slice %arg4[%arg0, %dma_wait3A_112, %dma_wait3A_113, %dma_wait3A_114] : memref<2x16x160x128xi32, #tpu.memory_space<hbm>> -> memref<1x16x160x128xi32, #tpu.memory_space<hbm>>
      %dma_wait3A_116 = tpu.memref_squeeze %dma_wait3A_115 : memref<1x16x160x128xi32, #tpu.memory_space<hbm>> -> memref<16x160x128xi32, #tpu.memory_space<hbm>>
      %dma_wait3A_117 = arith.constant 0 : i32
      %dma_wait3A_118 = arith.constant 0 : i32
      %dma_wait3A_119 = tpu.memref_slice %dma_wait3A_116[%arg1, %dma_wait3A_117, %dma_wait3A_118] : memref<16x160x128xi32, #tpu.memory_space<hbm>> -> memref<1x160x128xi32, #tpu.memory_space<hbm>>
      %dma_wait3A_120 = tpu.memref_squeeze %dma_wait3A_119 : memref<1x160x128xi32, #tpu.memory_space<hbm>> -> memref<160x128xi32, #tpu.memory_space<hbm>>
      tpu.wait_dma2 semaphore(%run_scoped3A_85 : memref<!tpu.dma_semaphore, #tpu.memory_space<semaphore_mem>>) src(%dma_wait3A_120 : memref<160x128xi32, #tpu.memory_space<hbm>>) dst(%arg7 : memref<160x128xi32, #tpu.memory_space<vmem>>)
      tpu.yield
    }) : () -> ()
    %barrier3A = arith.constant 0 : index
    tpu.barrier barrier_id(%barrier3A)
    %dma_start3A = arith.constant 0 : i32
    %dma_start3A_5 = arith.constant 0 : i32
    %dma_start3A_6 = arith.constant 0 : i32
    %dma_start3A_7 = arith.constant 0 : i32
    %dma_start3A_8 = tpu.memref_slice %arg8[%dma_start3A_5, %dma_start3A_6, %dma_start3A_7] : memref<2x128x128xf32, #tpu.memory_space<vmem>> -> memref<1x128x128xf32, #tpu.memory_space<vmem>>
    %dma_start3A_9 = tpu.memref_squeeze %dma_start3A_8 : memref<1x128x128xf32, #tpu.memory_space<vmem>> -> memref<128x128xf32, #tpu.memory_space<vmem>>
    %dma_start3A_10 = arith.constant 0 : i32
    %dma_start3A_11 = arith.constant 0 : i32
    %dma_start3A_12 = tpu.memref_slice %dma_start3A_9[%dma_start3A_10, %dma_start3A_11] : memref<128x128xf32, #tpu.memory_space<vmem>> -> memref<64x128xf32, #tpu.memory_space<vmem>>
    %dma_start3A_13 = arith.constant 0 : i32
    %dma_start3A_14 = tpu.memref_slice %arg6[%dma_start3A, %dma_start3A_13] : memref<160x128xi32, #tpu.memory_space<vmem>> -> memref<1x128xi32, #tpu.memory_space<vmem>>
    %dma_start3A_15 = tpu.memref_squeeze %dma_start3A_14 : memref<1x128xi32, #tpu.memory_space<vmem>> -> memref<128xi32, #tpu.memory_space<vmem>>
    %dma_start3A_16 = arith.constant 0 : i32
    %dma_start3A_17 = tpu.memref_slice %dma_start3A_15[%dma_start3A_16] : memref<128xi32, #tpu.memory_space<vmem>> -> memref<64xi32, #tpu.memory_space<vmem>>
    %dma_start3A_18 = arith.constant 0 : i32
    %dma_start3A_19 = arith.constant 0 : i32
    %dma_start3A_20 = tpu.memref_slice %arg2[%dma_start3A_18, %dma_start3A_19] : memref<10240x128xf32, #tpu.memory_space<hbm>> -> memref<10240x128xf32, #tpu.memory_space<hbm>>
    tpu.enqueue_indirect_dma source(%dma_start3A_20 : memref<10240x128xf32, #tpu.memory_space<hbm>>) target(%dma_start3A_12 : memref<64x128xf32, #tpu.memory_space<vmem>>) offsets(%dma_start3A_17 : memref<64xi32, #tpu.memory_space<vmem>>) semaphore(%arg10 : memref<!tpu.dma_semaphore, #tpu.memory_space<semaphore_mem>>)
    %dma_start3A_21 = arith.constant 0 : i32
    %dma_start3A_22 = arith.constant 0 : i32
    %dma_start3A_23 = arith.constant 0 : i32
    %dma_start3A_24 = arith.constant 0 : i32
    %dma_start3A_25 = tpu.memref_slice %arg8[%dma_start3A_22, %dma_start3A_23, %dma_start3A_24] : memref<2x128x128xf32, #tpu.memory_space<vmem>> -> memref<1x128x128xf32, #tpu.memory_space<vmem>>
    %dma_start3A_26 = tpu.memref_squeeze %dma_start3A_25 : memref<1x128x128xf32, #tpu.memory_space<vmem>> -> memref<128x128xf32, #tpu.memory_space<vmem>>
    %dma_start3A_27 = arith.constant 64 : i32
    %dma_start3A_28 = arith.constant 0 : i32
    %dma_start3A_29 = tpu.memref_slice %dma_start3A_26[%dma_start3A_27, %dma_start3A_28] : memref<128x128xf32, #tpu.memory_space<vmem>> -> memref<64x128xf32, #tpu.memory_space<vmem>>
    %dma_start3A_30 = arith.constant 0 : i32
    %dma_start3A_31 = tpu.memref_slice %arg6[%dma_start3A_21, %dma_start3A_30] : memref<160x128xi32, #tpu.memory_space<vmem>> -> memref<1x128xi32, #tpu.memory_space<vmem>>
    %dma_start3A_32 = tpu.memref_squeeze %dma_start3A_31 : memref<1x128xi32, #tpu.memory_space<vmem>> -> memref<128xi32, #tpu.memory_space<vmem>>
    %dma_start3A_33 = arith.constant 64 : i32
    %dma_start3A_34 = tpu.memref_slice %dma_start3A_32[%dma_start3A_33] : memref<128xi32, #tpu.memory_space<vmem>> -> memref<64xi32, #tpu.memory_space<vmem>>
    %dma_start3A_35 = arith.constant 0 : i32
    %dma_start3A_36 = arith.constant 0 : i32
    %dma_start3A_37 = tpu.memref_slice %arg2[%dma_start3A_35, %dma_start3A_36] : memref<10240x128xf32, #tpu.memory_space<hbm>> -> memref<10240x128xf32, #tpu.memory_space<hbm>>
    tpu.enqueue_indirect_dma source(%dma_start3A_37 : memref<10240x128xf32, #tpu.memory_space<hbm>>) target(%dma_start3A_29 : memref<64x128xf32, #tpu.memory_space<vmem>>) offsets(%dma_start3A_34 : memref<64xi32, #tpu.memory_space<vmem>>) semaphore(%arg10 : memref<!tpu.dma_semaphore, #tpu.memory_space<semaphore_mem>>)
    %dma_start3A_38 = arith.constant 1 : i32
    %dma_start3A_39 = arith.constant 1 : i32
    %dma_start3A_40 = arith.constant 0 : i32
    %dma_start3A_41 = arith.constant 0 : i32
    %dma_start3A_42 = tpu.memref_slice %arg8[%dma_start3A_39, %dma_start3A_40, %dma_start3A_41] : memref<2x128x128xf32, #tpu.memory_space<vmem>> -> memref<1x128x128xf32, #tpu.memory_space<vmem>>
    %dma_start3A_43 = tpu.memref_squeeze %dma_start3A_42 : memref<1x128x128xf32, #tpu.memory_space<vmem>> -> memref<128x128xf32, #tpu.memory_space<vmem>>
    %dma_start3A_44 = arith.constant 0 : i32
    %dma_start3A_45 = arith.constant 0 : i32
    %dma_start3A_46 = tpu.memref_slice %dma_start3A_43[%dma_start3A_44, %dma_start3A_45] : memref<128x128xf32, #tpu.memory_space<vmem>> -> memref<64x128xf32, #tpu.memory_space<vmem>>
    %dma_start3A_47 = arith.constant 0 : i32
    %dma_start3A_48 = tpu.memref_slice %arg6[%dma_start3A_38, %dma_start3A_47] : memref<160x128xi32, #tpu.memory_space<vmem>> -> memref<1x128xi32, #tpu.memory_space<vmem>>
    %dma_start3A_49 = tpu.memref_squeeze %dma_start3A_48 : memref<1x128xi32, #tpu.memory_space<vmem>> -> memref<128xi32, #tpu.memory_space<vmem>>
    %dma_start3A_50 = arith.constant 0 : i32
    %dma_start3A_51 = tpu.memref_slice %dma_start3A_49[%dma_start3A_50] : memref<128xi32, #tpu.memory_space<vmem>> -> memref<64xi32, #tpu.memory_space<vmem>>
    %dma_start3A_52 = arith.constant 0 : i32
    %dma_start3A_53 = arith.constant 0 : i32
    %dma_start3A_54 = tpu.memref_slice %arg2[%dma_start3A_52, %dma_start3A_53] : memref<10240x128xf32, #tpu.memory_space<hbm>> -> memref<10240x128xf32, #tpu.memory_space<hbm>>
    tpu.enqueue_indirect_dma source(%dma_start3A_54 : memref<10240x128xf32, #tpu.memory_space<hbm>>) target(%dma_start3A_46 : memref<64x128xf32, #tpu.memory_space<vmem>>) offsets(%dma_start3A_51 : memref<64xi32, #tpu.memory_space<vmem>>) semaphore(%arg11 : memref<!tpu.dma_semaphore, #tpu.memory_space<semaphore_mem>>)
    %dma_start3A_55 = arith.constant 1 : i32
    %dma_start3A_56 = arith.constant 1 : i32
    %dma_start3A_57 = arith.constant 0 : i32
    %dma_start3A_58 = arith.constant 0 : i32
    %dma_start3A_59 = tpu.memref_slice %arg8[%dma_start3A_56, %dma_start3A_57, %dma_start3A_58] : memref<2x128x128xf32, #tpu.memory_space<vmem>> -> memref<1x128x128xf32, #tpu.memory_space<vmem>>
    %dma_start3A_60 = tpu.memref_squeeze %dma_start3A_59 : memref<1x128x128xf32, #tpu.memory_space<vmem>> -> memref<128x128xf32, #tpu.memory_space<vmem>>
    %dma_start3A_61 = arith.constant 64 : i32
    %dma_start3A_62 = arith.constant 0 : i32
    %dma_start3A_63 = tpu.memref_slice %dma_start3A_60[%dma_start3A_61, %dma_start3A_62] : memref<128x128xf32, #tpu.memory_space<vmem>> -> memref<64x128xf32, #tpu.memory_space<vmem>>
    %dma_start3A_64 = arith.constant 0 : i32
    %dma_start3A_65 = tpu.memref_slice %arg6[%dma_start3A_55, %dma_start3A_64] : memref<160x128xi32, #tpu.memory_space<vmem>> -> memref<1x128xi32, #tpu.memory_space<vmem>>
    %dma_start3A_66 = tpu.memref_squeeze %dma_start3A_65 : memref<1x128xi32, #tpu.memory_space<vmem>> -> memref<128xi32, #tpu.memory_space<vmem>>
    %dma_start3A_67 = arith.constant 64 : i32
    %dma_start3A_68 = tpu.memref_slice %dma_start3A_66[%dma_start3A_67] : memref<128xi32, #tpu.memory_space<vmem>> -> memref<64xi32, #tpu.memory_space<vmem>>
    %dma_start3A_69 = arith.constant 0 : i32
    %dma_start3A_70 = arith.constant 0 : i32
    %dma_start3A_71 = tpu.memref_slice %arg2[%dma_start3A_69, %dma_start3A_70] : memref<10240x128xf32, #tpu.memory_space<hbm>> -> memref<10240x128xf32, #tpu.memory_space<hbm>>
    tpu.enqueue_indirect_dma source(%dma_start3A_71 : memref<10240x128xf32, #tpu.memory_space<hbm>>) target(%dma_start3A_63 : memref<64x128xf32, #tpu.memory_space<vmem>>) offsets(%dma_start3A_68 : memref<64xi32, #tpu.memory_space<vmem>>) semaphore(%arg11 : memref<!tpu.dma_semaphore, #tpu.memory_space<semaphore_mem>>)
    %scan3A_72 = arith.constant 0 : i32
    %scan3A_73 = arith.constant 0 : i32
    %scan3A_74 = arith.constant 80 : i32
    %scan3A_75 = arith.addi %scan3A_73, %scan3A_74 : i32
    %scan3A_76 = arith.constant 1 : i32
    scf.for %scan3A_85 = %scan3A_73 to %scan3A_75 step %scan3A_76  : i32 {
      %mul3A = arith.constant 2 : i32
      %mul3A_86 = arith.muli %mul3A, %scan3A_85 : i32
      %add3A = arith.constant 0 : i32
      %add3A_87 = arith.addi %mul3A_86, %add3A : i32
      %dma_wait3A = arith.constant 0 : i32
      %dma_wait3A_88 = arith.constant 0 : i32
      %dma_wait3A_89 = arith.constant 0 : i32
      %dma_wait3A_90 = tpu.memref_slice %arg8[%dma_wait3A, %dma_wait3A_88, %dma_wait3A_89] : memref<2x128x128xf32, #tpu.memory_space<vmem>> -> memref<1x128x128xf32, #tpu.memory_space<vmem>>
      %dma_wait3A_91 = tpu.memref_squeeze %dma_wait3A_90 : memref<1x128x128xf32, #tpu.memory_space<vmem>> -> memref<128x128xf32, #tpu.memory_space<vmem>>
      %dma_wait3A_92 = arith.constant 0 : i32
      %dma_wait3A_93 = arith.constant 0 : i32
      %dma_wait3A_94 = tpu.memref_slice %arg2[%dma_wait3A_92, %dma_wait3A_93] : memref<10240x128xf32, #tpu.memory_space<hbm>> -> memref<128x128xf32, #tpu.memory_space<hbm>>
      %dma_wait3A_95 = arith.constant 0 : i32
      %dma_wait3A_96 = arith.constant 0 : i32
      %dma_wait3A_97 = tpu.memref_slice %arg8[%dma_wait3A, %dma_wait3A_95, %dma_wait3A_96] : memref<2x128x128xf32, #tpu.memory_space<vmem>> -> memref<1x128x128xf32, #tpu.memory_space<vmem>>
      %dma_wait3A_98 = tpu.memref_squeeze %dma_wait3A_97 : memref<1x128x128xf32, #tpu.memory_space<vmem>> -> memref<128x128xf32, #tpu.memory_space<vmem>>
      %dma_wait3A_99 = arith.constant 0 : i32
      %dma_wait3A_100 = arith.constant 0 : i32
      %dma_wait3A_101 = tpu.memref_slice %arg2[%dma_wait3A_99, %dma_wait3A_100] : memref<10240x128xf32, #tpu.memory_space<hbm>> -> memref<128x128xf32, #tpu.memory_space<hbm>>
      tpu.wait_dma2 semaphore(%arg10 : memref<!tpu.dma_semaphore, #tpu.memory_space<semaphore_mem>>) src(%dma_wait3A_101 : memref<128x128xf32, #tpu.memory_space<hbm>>) dst(%dma_wait3A_98 : memref<128x128xf32, #tpu.memory_space<vmem>>)
      %run_scoped3A_102 = arith.constant 0 : i32
      "tpu.region"() ({
        %run_scoped3A_134 = tpu.sem_alloc : memref<!tpu.dma_semaphore, #tpu.memory_space<semaphore_mem>>
        %dma_start3A_135 = arith.constant 0 : i32
        %dma_start3A_136 = arith.constant 0 : i32
        %dma_start3A_137 = tpu.memref_slice %arg8[%run_scoped3A_102, %dma_start3A_135, %dma_start3A_136] : memref<2x128x128xf32, #tpu.memory_space<vmem>> -> memref<1x128x128xf32, #tpu.memory_space<vmem>>
        %dma_start3A_138 = tpu.memref_squeeze %dma_start3A_137 : memref<1x128x128xf32, #tpu.memory_space<vmem>> -> memref<128x128xf32, #tpu.memory_space<vmem>>
        %dma_start3A_139 = arith.constant 0 : i32
        %dma_start3A_140 = tpu.memref_slice %arg7[%add3A_87, %dma_start3A_139] : memref<160x128xi32, #tpu.memory_space<vmem>> -> memref<1x128xi32, #tpu.memory_space<vmem>>
        %dma_start3A_141 = tpu.memref_squeeze %dma_start3A_140 : memref<1x128xi32, #tpu.memory_space<vmem>> -> memref<128xi32, #tpu.memory_space<vmem>>
        %dma_start3A_142 = arith.constant 0 : i32
        %dma_start3A_143 = arith.constant 0 : i32
        %dma_start3A_144 = tpu.memref_slice %arg9[%dma_start3A_142, %dma_start3A_143] : memref<5120x128xf32, #tpu.memory_space<vmem_shared>> -> memref<5120x128xf32, #tpu.memory_space<vmem_shared>>
        tpu.enqueue_indirect_dma source(%dma_start3A_138 : memref<128x128xf32, #tpu.memory_space<vmem>>) target(%dma_start3A_144 : memref<5120x128xf32, #tpu.memory_space<vmem_shared>>) offsets(%dma_start3A_141 : memref<128xi32, #tpu.memory_space<vmem>>) semaphore(%run_scoped3A_134 : memref<!tpu.dma_semaphore, #tpu.memory_space<semaphore_mem>>) {add = true}
        %dma_wait3A_145 = arith.constant 0 : i32
        %dma_wait3A_146 = arith.constant 0 : i32
        %dma_wait3A_147 = tpu.memref_slice %arg8[%run_scoped3A_102, %dma_wait3A_145, %dma_wait3A_146] : memref<2x128x128xf32, #tpu.memory_space<vmem>> -> memref<1x128x128xf32, #tpu.memory_space<vmem>>
        %dma_wait3A_148 = tpu.memref_squeeze %dma_wait3A_147 : memref<1x128x128xf32, #tpu.memory_space<vmem>> -> memref<128x128xf32, #tpu.memory_space<vmem>>
        %dma_wait3A_149 = arith.constant 0 : i32
        %dma_wait3A_150 = tpu.memref_slice %arg7[%add3A_87, %dma_wait3A_149] : memref<160x128xi32, #tpu.memory_space<vmem>> -> memref<1x128xi32, #tpu.memory_space<vmem>>
        %dma_wait3A_151 = tpu.memref_squeeze %dma_wait3A_150 : memref<1x128xi32, #tpu.memory_space<vmem>> -> memref<128xi32, #tpu.memory_space<vmem>>
        %dma_wait3A_152 = arith.constant 0 : i32
        %dma_wait3A_153 = arith.constant 0 : i32
        %dma_wait3A_154 = tpu.memref_slice %arg9[%dma_wait3A_152, %dma_wait3A_153] : memref<5120x128xf32, #tpu.memory_space<vmem_shared>> -> memref<5120x128xf32, #tpu.memory_space<vmem_shared>>
        tpu.wait_indirect_dma semaphore(%run_scoped3A_134 : memref<!tpu.dma_semaphore, #tpu.memory_space<semaphore_mem>>) src(%dma_wait3A_148 : memref<128x128xf32, #tpu.memory_space<vmem>>) dst(%dma_wait3A_154 : memref<5120x128xf32, #tpu.memory_space<vmem_shared>>)
        tpu.yield
      }) : () -> ()
      %add3A_103 = arith.constant 2 : i32
      %add3A_104 = arith.addi %add3A_87, %add3A_103 : i32
      %lt3A = arith.constant 160 : i32
      %lt3A_105 = arith.cmpi slt, %add3A_104, %lt3A : i32
      %convert_element_type3A = arith.extui %lt3A_105 : i1 to i32
      %cond3A = arith.constant 0 : i32
      %cond3A_106 = arith.cmpi ne, %convert_element_type3A, %cond3A : i32
      scf.if %cond3A_106 {
        %add3A_134 = arith.constant 2 : i32
        %add3A_135 = arith.addi %add3A_87, %add3A_134 : i32
        %dma_start3A_136 = arith.constant 0 : i32
        %dma_start3A_137 = arith.constant 0 : i32
        %dma_start3A_138 = arith.constant 0 : i32
        %dma_start3A_139 = tpu.memref_slice %arg8[%dma_start3A_136, %dma_start3A_137, %dma_start3A_138] : memref<2x128x128xf32, #tpu.memory_space<vmem>> -> memref<1x128x128xf32, #tpu.memory_space<vmem>>
        %dma_start3A_140 = tpu.memref_squeeze %dma_start3A_139 : memref<1x128x128xf32, #tpu.memory_space<vmem>> -> memref<128x128xf32, #tpu.memory_space<vmem>>
        %dma_start3A_141 = arith.constant 0 : i32
        %dma_start3A_142 = arith.constant 0 : i32
        %dma_start3A_143 = tpu.memref_slice %dma_start3A_140[%dma_start3A_141, %dma_start3A_142] : memref<128x128xf32, #tpu.memory_space<vmem>> -> memref<64x128xf32, #tpu.memory_space<vmem>>
        %dma_start3A_144 = arith.constant 0 : i32
        %dma_start3A_145 = tpu.memref_slice %arg6[%add3A_135, %dma_start3A_144] : memref<160x128xi32, #tpu.memory_space<vmem>> -> memref<1x128xi32, #tpu.memory_space<vmem>>
        %dma_start3A_146 = tpu.memref_squeeze %dma_start3A_145 : memref<1x128xi32, #tpu.memory_space<vmem>> -> memref<128xi32, #tpu.memory_space<vmem>>
        %dma_start3A_147 = arith.constant 0 : i32
        %dma_start3A_148 = tpu.memref_slice %dma_start3A_146[%dma_start3A_147] : memref<128xi32, #tpu.memory_space<vmem>> -> memref<64xi32, #tpu.memory_space<vmem>>
        %dma_start3A_149 = arith.constant 0 : i32
        %dma_start3A_150 = arith.constant 0 : i32
        %dma_start3A_151 = tpu.memref_slice %arg2[%dma_start3A_149, %dma_start3A_150] : memref<10240x128xf32, #tpu.memory_space<hbm>> -> memref<10240x128xf32, #tpu.memory_space<hbm>>
        tpu.enqueue_indirect_dma source(%dma_start3A_151 : memref<10240x128xf32, #tpu.memory_space<hbm>>) target(%dma_start3A_143 : memref<64x128xf32, #tpu.memory_space<vmem>>) offsets(%dma_start3A_148 : memref<64xi32, #tpu.memory_space<vmem>>) semaphore(%arg10 : memref<!tpu.dma_semaphore, #tpu.memory_space<semaphore_mem>>)
        %dma_start3A_152 = arith.constant 0 : i32
        %dma_start3A_153 = arith.constant 0 : i32
        %dma_start3A_154 = arith.constant 0 : i32
        %dma_start3A_155 = tpu.memref_slice %arg8[%dma_start3A_152, %dma_start3A_153, %dma_start3A_154] : memref<2x128x128xf32, #tpu.memory_space<vmem>> -> memref<1x128x128xf32, #tpu.memory_space<vmem>>
        %dma_start3A_156 = tpu.memref_squeeze %dma_start3A_155 : memref<1x128x128xf32, #tpu.memory_space<vmem>> -> memref<128x128xf32, #tpu.memory_space<vmem>>
        %dma_start3A_157 = arith.constant 64 : i32
        %dma_start3A_158 = arith.constant 0 : i32
        %dma_start3A_159 = tpu.memref_slice %dma_start3A_156[%dma_start3A_157, %dma_start3A_158] : memref<128x128xf32, #tpu.memory_space<vmem>> -> memref<64x128xf32, #tpu.memory_space<vmem>>
        %dma_start3A_160 = arith.constant 0 : i32
        %dma_start3A_161 = tpu.memref_slice %arg6[%add3A_135, %dma_start3A_160] : memref<160x128xi32, #tpu.memory_space<vmem>> -> memref<1x128xi32, #tpu.memory_space<vmem>>
        %dma_start3A_162 = tpu.memref_squeeze %dma_start3A_161 : memref<1x128xi32, #tpu.memory_space<vmem>> -> memref<128xi32, #tpu.memory_space<vmem>>
        %dma_start3A_163 = arith.constant 64 : i32
        %dma_start3A_164 = tpu.memref_slice %dma_start3A_162[%dma_start3A_163] : memref<128xi32, #tpu.memory_space<vmem>> -> memref<64xi32, #tpu.memory_space<vmem>>
        %dma_start3A_165 = arith.constant 0 : i32
        %dma_start3A_166 = arith.constant 0 : i32
        %dma_start3A_167 = tpu.memref_slice %arg2[%dma_start3A_165, %dma_start3A_166] : memref<10240x128xf32, #tpu.memory_space<hbm>> -> memref<10240x128xf32, #tpu.memory_space<hbm>>
        tpu.enqueue_indirect_dma source(%dma_start3A_167 : memref<10240x128xf32, #tpu.memory_space<hbm>>) target(%dma_start3A_159 : memref<64x128xf32, #tpu.memory_space<vmem>>) offsets(%dma_start3A_164 : memref<64xi32, #tpu.memory_space<vmem>>) semaphore(%arg10 : memref<!tpu.dma_semaphore, #tpu.memory_space<semaphore_mem>>)
      } else {
      }
      %mul3A_107 = arith.constant 2 : i32
      %mul3A_108 = arith.muli %mul3A_107, %scan3A_85 : i32
      %add3A_109 = arith.constant 1 : i32
      %add3A_110 = arith.addi %mul3A_108, %add3A_109 : i32
      %dma_wait3A_111 = arith.constant 1 : i32
      %dma_wait3A_112 = arith.constant 0 : i32
      %dma_wait3A_113 = arith.constant 0 : i32
      %dma_wait3A_114 = tpu.memref_slice %arg8[%dma_wait3A_111, %dma_wait3A_112, %dma_wait3A_113] : memref<2x128x128xf32, #tpu.memory_space<vmem>> -> memref<1x128x128xf32, #tpu.memory_space<vmem>>
      %dma_wait3A_115 = tpu.memref_squeeze %dma_wait3A_114 : memref<1x128x128xf32, #tpu.memory_space<vmem>> -> memref<128x128xf32, #tpu.memory_space<vmem>>
      %dma_wait3A_116 = arith.constant 0 : i32
      %dma_wait3A_117 = arith.constant 0 : i32
      %dma_wait3A_118 = tpu.memref_slice %arg2[%dma_wait3A_116, %dma_wait3A_117] : memref<10240x128xf32, #tpu.memory_space<hbm>> -> memref<128x128xf32, #tpu.memory_space<hbm>>
      %dma_wait3A_119 = arith.constant 0 : i32
      %dma_wait3A_120 = arith.constant 0 : i32
      %dma_wait3A_121 = tpu.memref_slice %arg8[%dma_wait3A_111, %dma_wait3A_119, %dma_wait3A_120] : memref<2x128x128xf32, #tpu.memory_space<vmem>> -> memref<1x128x128xf32, #tpu.memory_space<vmem>>
      %dma_wait3A_122 = tpu.memref_squeeze %dma_wait3A_121 : memref<1x128x128xf32, #tpu.memory_space<vmem>> -> memref<128x128xf32, #tpu.memory_space<vmem>>
      %dma_wait3A_123 = arith.constant 0 : i32
      %dma_wait3A_124 = arith.constant 0 : i32
      %dma_wait3A_125 = tpu.memref_slice %arg2[%dma_wait3A_123, %dma_wait3A_124] : memref<10240x128xf32, #tpu.memory_space<hbm>> -> memref<128x128xf32, #tpu.memory_space<hbm>>
      tpu.wait_dma2 semaphore(%arg11 : memref<!tpu.dma_semaphore, #tpu.memory_space<semaphore_mem>>) src(%dma_wait3A_125 : memref<128x128xf32, #tpu.memory_space<hbm>>) dst(%dma_wait3A_122 : memref<128x128xf32, #tpu.memory_space<vmem>>)
      %run_scoped3A_126 = arith.constant 1 : i32
      "tpu.region"() ({
        %run_scoped3A_134 = tpu.sem_alloc : memref<!tpu.dma_semaphore, #tpu.memory_space<semaphore_mem>>
        %dma_start3A_135 = arith.constant 0 : i32
        %dma_start3A_136 = arith.constant 0 : i32
        %dma_start3A_137 = tpu.memref_slice %arg8[%run_scoped3A_126, %dma_start3A_135, %dma_start3A_136] : memref<2x128x128xf32, #tpu.memory_space<vmem>> -> memref<1x128x128xf32, #tpu.memory_space<vmem>>
        %dma_start3A_138 = tpu.memref_squeeze %dma_start3A_137 : memref<1x128x128xf32, #tpu.memory_space<vmem>> -> memref<128x128xf32, #tpu.memory_space<vmem>>
        %dma_start3A_139 = arith.constant 0 : i32
        %dma_start3A_140 = tpu.memref_slice %arg7[%add3A_110, %dma_start3A_139] : memref<160x128xi32, #tpu.memory_space<vmem>> -> memref<1x128xi32, #tpu.memory_space<vmem>>
        %dma_start3A_141 = tpu.memref_squeeze %dma_start3A_140 : memref<1x128xi32, #tpu.memory_space<vmem>> -> memref<128xi32, #tpu.memory_space<vmem>>
        %dma_start3A_142 = arith.constant 0 : i32
        %dma_start3A_143 = arith.constant 0 : i32
        %dma_start3A_144 = tpu.memref_slice %arg9[%dma_start3A_142, %dma_start3A_143] : memref<5120x128xf32, #tpu.memory_space<vmem_shared>> -> memref<5120x128xf32, #tpu.memory_space<vmem_shared>>
        tpu.enqueue_indirect_dma source(%dma_start3A_138 : memref<128x128xf32, #tpu.memory_space<vmem>>) target(%dma_start3A_144 : memref<5120x128xf32, #tpu.memory_space<vmem_shared>>) offsets(%dma_start3A_141 : memref<128xi32, #tpu.memory_space<vmem>>) semaphore(%run_scoped3A_134 : memref<!tpu.dma_semaphore, #tpu.memory_space<semaphore_mem>>) {add = true}
        %dma_wait3A_145 = arith.constant 0 : i32
        %dma_wait3A_146 = arith.constant 0 : i32
        %dma_wait3A_147 = tpu.memref_slice %arg8[%run_scoped3A_126, %dma_wait3A_145, %dma_wait3A_146] : memref<2x128x128xf32, #tpu.memory_space<vmem>> -> memref<1x128x128xf32, #tpu.memory_space<vmem>>
        %dma_wait3A_148 = tpu.memref_squeeze %dma_wait3A_147 : memref<1x128x128xf32, #tpu.memory_space<vmem>> -> memref<128x128xf32, #tpu.memory_space<vmem>>
        %dma_wait3A_149 = arith.constant 0 : i32
        %dma_wait3A_150 = tpu.memref_slice %arg7[%add3A_110, %dma_wait3A_149] : memref<160x128xi32, #tpu.memory_space<vmem>> -> memref<1x128xi32, #tpu.memory_space<vmem>>
        %dma_wait3A_151 = tpu.memref_squeeze %dma_wait3A_150 : memref<1x128xi32, #tpu.memory_space<vmem>> -> memref<128xi32, #tpu.memory_space<vmem>>
        %dma_wait3A_152 = arith.constant 0 : i32
        %dma_wait3A_153 = arith.constant 0 : i32
        %dma_wait3A_154 = tpu.memref_slice %arg9[%dma_wait3A_152, %dma_wait3A_153] : memref<5120x128xf32, #tpu.memory_space<vmem_shared>> -> memref<5120x128xf32, #tpu.memory_space<vmem_shared>>
        tpu.wait_indirect_dma semaphore(%run_scoped3A_134 : memref<!tpu.dma_semaphore, #tpu.memory_space<semaphore_mem>>) src(%dma_wait3A_148 : memref<128x128xf32, #tpu.memory_space<vmem>>) dst(%dma_wait3A_154 : memref<5120x128xf32, #tpu.memory_space<vmem_shared>>)
        tpu.yield
      }) : () -> ()
      %add3A_127 = arith.constant 2 : i32
      %add3A_128 = arith.addi %add3A_110, %add3A_127 : i32
      %lt3A_129 = arith.constant 160 : i32
      %lt3A_130 = arith.cmpi slt, %add3A_128, %lt3A_129 : i32
      %convert_element_type3A_131 = arith.extui %lt3A_130 : i1 to i32
      %cond3A_132 = arith.constant 0 : i32
      %cond3A_133 = arith.cmpi ne, %convert_element_type3A_131, %cond3A_132 : i32
      scf.if %cond3A_133 {
        %add3A_134 = arith.constant 2 : i32
        %add3A_135 = arith.addi %add3A_110, %add3A_134 : i32
        %dma_start3A_136 = arith.constant 1 : i32
        %dma_start3A_137 = arith.constant 0 : i32
        %dma_start3A_138 = arith.constant 0 : i32
        %dma_start3A_139 = tpu.memref_slice %arg8[%dma_start3A_136, %dma_start3A_137, %dma_start3A_138] : memref<2x128x128xf32, #tpu.memory_space<vmem>> -> memref<1x128x128xf32, #tpu.memory_space<vmem>>
        %dma_start3A_140 = tpu.memref_squeeze %dma_start3A_139 : memref<1x128x128xf32, #tpu.memory_space<vmem>> -> memref<128x128xf32, #tpu.memory_space<vmem>>
        %dma_start3A_141 = arith.constant 0 : i32
        %dma_start3A_142 = arith.constant 0 : i32
        %dma_start3A_143 = tpu.memref_slice %dma_start3A_140[%dma_start3A_141, %dma_start3A_142] : memref<128x128xf32, #tpu.memory_space<vmem>> -> memref<64x128xf32, #tpu.memory_space<vmem>>
        %dma_start3A_144 = arith.constant 0 : i32
        %dma_start3A_145 = tpu.memref_slice %arg6[%add3A_135, %dma_start3A_144] : memref<160x128xi32, #tpu.memory_space<vmem>> -> memref<1x128xi32, #tpu.memory_space<vmem>>
        %dma_start3A_146 = tpu.memref_squeeze %dma_start3A_145 : memref<1x128xi32, #tpu.memory_space<vmem>> -> memref<128xi32, #tpu.memory_space<vmem>>
        %dma_start3A_147 = arith.constant 0 : i32
        %dma_start3A_148 = tpu.memref_slice %dma_start3A_146[%dma_start3A_147] : memref<128xi32, #tpu.memory_space<vmem>> -> memref<64xi32, #tpu.memory_space<vmem>>
        %dma_start3A_149 = arith.constant 0 : i32
        %dma_start3A_150 = arith.constant 0 : i32
        %dma_start3A_151 = tpu.memref_slice %arg2[%dma_start3A_149, %dma_start3A_150] : memref<10240x128xf32, #tpu.memory_space<hbm>> -> memref<10240x128xf32, #tpu.memory_space<hbm>>
        tpu.enqueue_indirect_dma source(%dma_start3A_151 : memref<10240x128xf32, #tpu.memory_space<hbm>>) target(%dma_start3A_143 : memref<64x128xf32, #tpu.memory_space<vmem>>) offsets(%dma_start3A_148 : memref<64xi32, #tpu.memory_space<vmem>>) semaphore(%arg11 : memref<!tpu.dma_semaphore, #tpu.memory_space<semaphore_mem>>)
        %dma_start3A_152 = arith.constant 1 : i32
        %dma_start3A_153 = arith.constant 0 : i32
        %dma_start3A_154 = arith.constant 0 : i32
        %dma_start3A_155 = tpu.memref_slice %arg8[%dma_start3A_152, %dma_start3A_153, %dma_start3A_154] : memref<2x128x128xf32, #tpu.memory_space<vmem>> -> memref<1x128x128xf32, #tpu.memory_space<vmem>>
        %dma_start3A_156 = tpu.memref_squeeze %dma_start3A_155 : memref<1x128x128xf32, #tpu.memory_space<vmem>> -> memref<128x128xf32, #tpu.memory_space<vmem>>
        %dma_start3A_157 = arith.constant 64 : i32
        %dma_start3A_158 = arith.constant 0 : i32
        %dma_start3A_159 = tpu.memref_slice %dma_start3A_156[%dma_start3A_157, %dma_start3A_158] : memref<128x128xf32, #tpu.memory_space<vmem>> -> memref<64x128xf32, #tpu.memory_space<vmem>>
        %dma_start3A_160 = arith.constant 0 : i32
        %dma_start3A_161 = tpu.memref_slice %arg6[%add3A_135, %dma_start3A_160] : memref<160x128xi32, #tpu.memory_space<vmem>> -> memref<1x128xi32, #tpu.memory_space<vmem>>
        %dma_start3A_162 = tpu.memref_squeeze %dma_start3A_161 : memref<1x128xi32, #tpu.memory_space<vmem>> -> memref<128xi32, #tpu.memory_space<vmem>>
        %dma_start3A_163 = arith.constant 64 : i32
        %dma_start3A_164 = tpu.memref_slice %dma_start3A_162[%dma_start3A_163] : memref<128xi32, #tpu.memory_space<vmem>> -> memref<64xi32, #tpu.memory_space<vmem>>
        %dma_start3A_165 = arith.constant 0 : i32
        %dma_start3A_166 = arith.constant 0 : i32
        %dma_start3A_167 = tpu.memref_slice %arg2[%dma_start3A_165, %dma_start3A_166] : memref<10240x128xf32, #tpu.memory_space<hbm>> -> memref<10240x128xf32, #tpu.memory_space<hbm>>
        tpu.enqueue_indirect_dma source(%dma_start3A_167 : memref<10240x128xf32, #tpu.memory_space<hbm>>) target(%dma_start3A_159 : memref<64x128xf32, #tpu.memory_space<vmem>>) offsets(%dma_start3A_164 : memref<64xi32, #tpu.memory_space<vmem>>) semaphore(%arg11 : memref<!tpu.dma_semaphore, #tpu.memory_space<semaphore_mem>>)
      } else {
      }
    }
    %scan3A_77 = arith.constant 80 : i32
    %barrier3A_78 = arith.constant 0 : index
    tpu.barrier barrier_id(%barrier3A_78)
    %scan3A_79 = arith.constant 0 : i32
    %scan3A_80 = arith.constant 0 : i32
    %scan3A_81 = arith.constant 3 : i32
    %scan3A_82 = arith.addi %scan3A_80, %scan3A_81 : i32
    %scan3A_83 = arith.constant 1 : i32
    scf.for %scan3A_85 = %scan3A_80 to %scan3A_82 step %scan3A_83  : i32 {
      %mul3A = arith.constant 16 : i32
      %mul3A_86 = arith.muli %mul3A, %scan3A_85 : i32
      %add3A = arith.addi %arg1, %mul3A_86 : i32
      %lt3A = arith.constant 40 : i32
      %lt3A_87 = arith.cmpi slt, %add3A, %lt3A : i32
      %convert_element_type3A = arith.extui %lt3A_87 : i1 to i32
      %cond3A = arith.constant 0 : i32
      %cond3A_88 = arith.cmpi ne, %convert_element_type3A, %cond3A : i32
      scf.if %cond3A_88 {
        %mul3A_89 = arith.constant 128 : i32
        %mul3A_90 = arith.muli %add3A, %mul3A_89 : i32
        %mul3A_91 = arith.constant 128 : i32
        %mul3A_92 = arith.muli %add3A, %mul3A_91 : i32
        "tpu.region"() ({
          %run_scoped3A_93 = tpu.sem_alloc : memref<!tpu.dma_semaphore, #tpu.memory_space<semaphore_mem>>
          %dma_start3A_94 = arith.constant 0 : i32
          %dma_start3A_95 = arith.constant 0 : i32
          %dma_start3A_96 = tpu.memref_slice %arg5[%arg0, %dma_start3A_94, %dma_start3A_95] : memref<2x5120x128xf32, #tpu.memory_space<hbm>> -> memref<1x5120x128xf32, #tpu.memory_space<hbm>>
          %dma_start3A_97 = tpu.memref_squeeze %dma_start3A_96 : memref<1x5120x128xf32, #tpu.memory_space<hbm>> -> memref<5120x128xf32, #tpu.memory_space<hbm>>
          %dma_start3A_98 = arith.constant 0 : i32
          %dma_start3A_99 = tpu.memref_slice %dma_start3A_97[%mul3A_92, %dma_start3A_98] : memref<5120x128xf32, #tpu.memory_space<hbm>> -> memref<128x128xf32, #tpu.memory_space<hbm>>
          %dma_start3A_100 = arith.constant 0 : i32
          %dma_start3A_101 = tpu.memref_slice %arg9[%mul3A_90, %dma_start3A_100] : memref<5120x128xf32, #tpu.memory_space<vmem_shared>> -> memref<128x128xf32, #tpu.memory_space<vmem_shared>>
          tpu.enqueue_dma source(%dma_start3A_101 : memref<128x128xf32, #tpu.memory_space<vmem_shared>>) target(%dma_start3A_99 : memref<128x128xf32, #tpu.memory_space<hbm>>) target_semaphore(%run_scoped3A_93 : memref<!tpu.dma_semaphore, #tpu.memory_space<semaphore_mem>>)
          %dma_wait3A = arith.constant 0 : i32
          %dma_wait3A_102 = arith.constant 0 : i32
          %dma_wait3A_103 = tpu.memref_slice %arg5[%arg0, %dma_wait3A, %dma_wait3A_102] : memref<2x5120x128xf32, #tpu.memory_space<hbm>> -> memref<1x5120x128xf32, #tpu.memory_space<hbm>>
          %dma_wait3A_104 = tpu.memref_squeeze %dma_wait3A_103 : memref<1x5120x128xf32, #tpu.memory_space<hbm>> -> memref<5120x128xf32, #tpu.memory_space<hbm>>
          %dma_wait3A_105 = arith.constant 0 : i32
          %dma_wait3A_106 = tpu.memref_slice %dma_wait3A_104[%mul3A_92, %dma_wait3A_105] : memref<5120x128xf32, #tpu.memory_space<hbm>> -> memref<128x128xf32, #tpu.memory_space<hbm>>
          %dma_wait3A_107 = arith.constant 0 : i32
          %dma_wait3A_108 = tpu.memref_slice %arg9[%mul3A_90, %dma_wait3A_107] : memref<5120x128xf32, #tpu.memory_space<vmem_shared>> -> memref<128x128xf32, #tpu.memory_space<vmem_shared>>
          tpu.wait_dma2 semaphore(%run_scoped3A_93 : memref<!tpu.dma_semaphore, #tpu.memory_space<semaphore_mem>>) src(%dma_wait3A_108 : memref<128x128xf32, #tpu.memory_space<vmem_shared>>) dst(%dma_wait3A_106 : memref<128x128xf32, #tpu.memory_space<hbm>>)
          tpu.yield
        }) : () -> ()
      } else {
      }
    }
    %scan3A_84 = arith.constant 3 : i32
    return
  }
}

#map = affine_map<(d0, d1) -> (0, 0, 0, 0)>
#map1 = affine_map<(d0, d1) -> (0, 0)>
#map2 = affine_map<(d0, d1) -> (0, 0, 0)>
module attributes {stable_mosaic.version = 14 : i64} {
  func.func @_deg_body(%arg0: i32, %arg1: i32, %arg2: memref<2x16x160x128xi32, #tpu.memory_space<hbm>>, %arg3: memref<128x128xf32, #tpu.memory_space<hbm>>, %arg4: memref<128x128xf32, #tpu.memory_space<hbm>>, %arg5: memref<2x5120x128xf32, #tpu.memory_space<hbm>>, %arg6: memref<160x128xi32, #tpu.memory_space<vmem>>, %arg7: memref<128x128xf32, #tpu.memory_space<vmem>>, %arg8: memref<128x128xf32, #tpu.memory_space<vmem>>, %arg9: memref<5120x128xf32, #tpu.memory_space<vmem_shared>>) attributes {dimension_semantics = [#tpu.dimension_semantics<core_parallel>, #tpu.dimension_semantics<subcore_parallel>], iteration_bounds = array<i64: 2, 16>, scalar_prefetch = 0 : i64, scratch_operands = 4 : i64, tpu.core_type = #tpu.core_type<sc_vector_subcore>, window_params = [{transform_indices = #map}, {transform_indices = #map1}, {transform_indices = #map1}, {transform_indices = #map2}]} {
    "tpu.region"() ({
      %run_scoped3A = tpu.sem_alloc : memref<!tpu.dma_semaphore, #tpu.memory_space<semaphore_mem>>
      tpu.enqueue_dma source(%arg3 : memref<128x128xf32, #tpu.memory_space<hbm>>) target(%arg7 : memref<128x128xf32, #tpu.memory_space<vmem>>) target_semaphore(%run_scoped3A : memref<!tpu.dma_semaphore, #tpu.memory_space<semaphore_mem>>)
      tpu.wait_dma2 semaphore(%run_scoped3A : memref<!tpu.dma_semaphore, #tpu.memory_space<semaphore_mem>>) src(%arg3 : memref<128x128xf32, #tpu.memory_space<hbm>>) dst(%arg7 : memref<128x128xf32, #tpu.memory_space<vmem>>)
      tpu.yield
    }) : () -> ()
    "tpu.region"() ({
      %run_scoped3A = tpu.sem_alloc : memref<!tpu.dma_semaphore, #tpu.memory_space<semaphore_mem>>
      tpu.enqueue_dma source(%arg4 : memref<128x128xf32, #tpu.memory_space<hbm>>) target(%arg8 : memref<128x128xf32, #tpu.memory_space<vmem>>) target_semaphore(%run_scoped3A : memref<!tpu.dma_semaphore, #tpu.memory_space<semaphore_mem>>)
      tpu.wait_dma2 semaphore(%run_scoped3A : memref<!tpu.dma_semaphore, #tpu.memory_space<semaphore_mem>>) src(%arg4 : memref<128x128xf32, #tpu.memory_space<hbm>>) dst(%arg8 : memref<128x128xf32, #tpu.memory_space<vmem>>)
      tpu.yield
    }) : () -> ()
    %scan3A = arith.constant 0 : i32
    %scan3A_0 = arith.constant 0 : i32
    %scan3A_1 = arith.constant 3 : i32
    %scan3A_2 = arith.addi %scan3A_0, %scan3A_1 : i32
    %scan3A_3 = arith.constant 1 : i32
    scf.for %scan3A_18 = %scan3A_0 to %scan3A_2 step %scan3A_3  : i32 {
      %mul3A = arith.constant 16 : i32
      %mul3A_19 = arith.muli %mul3A, %scan3A_18 : i32
      %add3A = arith.addi %arg1, %mul3A_19 : i32
      %lt3A = arith.constant 40 : i32
      %lt3A_20 = arith.cmpi slt, %add3A, %lt3A : i32
      %convert_element_type3A = arith.extui %lt3A_20 : i1 to i32
      %cond3A = arith.constant 0 : i32
      %cond3A_21 = arith.cmpi ne, %convert_element_type3A, %cond3A : i32
      scf.if %cond3A_21 {
        %mul3A_22 = arith.constant 128 : i32
        %mul3A_23 = arith.muli %add3A, %mul3A_22 : i32
        "tpu.region"() ({
          %run_scoped3A = tpu.sem_alloc : memref<!tpu.dma_semaphore, #tpu.memory_space<semaphore_mem>>
          %dma_start3A = arith.constant 0 : i32
          %dma_start3A_24 = tpu.memref_slice %arg9[%mul3A_23, %dma_start3A] : memref<5120x128xf32, #tpu.memory_space<vmem_shared>> -> memref<128x128xf32, #tpu.memory_space<vmem_shared>>
          %dma_start3A_25 = arith.constant 0 : i32
          %dma_start3A_26 = tpu.memref_slice %arg9[%mul3A_23, %dma_start3A_25] : memref<5120x128xf32, #tpu.memory_space<vmem_shared>> -> memref<128x128xf32, #tpu.memory_space<vmem_shared>>
          tpu.enqueue_dma source(%arg8 : memref<128x128xf32, #tpu.memory_space<vmem>>) target(%dma_start3A_26 : memref<128x128xf32, #tpu.memory_space<vmem_shared>>) target_semaphore(%run_scoped3A : memref<!tpu.dma_semaphore, #tpu.memory_space<semaphore_mem>>)
          %dma_wait3A = arith.constant 0 : i32
          %dma_wait3A_27 = tpu.memref_slice %arg9[%mul3A_23, %dma_wait3A] : memref<5120x128xf32, #tpu.memory_space<vmem_shared>> -> memref<128x128xf32, #tpu.memory_space<vmem_shared>>
          %dma_wait3A_28 = arith.constant 0 : i32
          %dma_wait3A_29 = tpu.memref_slice %arg9[%mul3A_23, %dma_wait3A_28] : memref<5120x128xf32, #tpu.memory_space<vmem_shared>> -> memref<128x128xf32, #tpu.memory_space<vmem_shared>>
          tpu.wait_dma2 semaphore(%run_scoped3A : memref<!tpu.dma_semaphore, #tpu.memory_space<semaphore_mem>>) src(%arg8 : memref<128x128xf32, #tpu.memory_space<vmem>>) dst(%dma_wait3A_29 : memref<128x128xf32, #tpu.memory_space<vmem_shared>>)
          tpu.yield
        }) : () -> ()
      } else {
      }
    }
    %scan3A_4 = arith.constant 3 : i32
    "tpu.region"() ({
      %run_scoped3A = tpu.sem_alloc : memref<!tpu.dma_semaphore, #tpu.memory_space<semaphore_mem>>
      %dma_start3A = arith.constant 0 : i32
      %dma_start3A_18 = arith.constant 0 : i32
      %dma_start3A_19 = arith.constant 0 : i32
      %dma_start3A_20 = tpu.memref_slice %arg2[%arg0, %dma_start3A, %dma_start3A_18, %dma_start3A_19] : memref<2x16x160x128xi32, #tpu.memory_space<hbm>> -> memref<1x16x160x128xi32, #tpu.memory_space<hbm>>
      %dma_start3A_21 = tpu.memref_squeeze %dma_start3A_20 : memref<1x16x160x128xi32, #tpu.memory_space<hbm>> -> memref<16x160x128xi32, #tpu.memory_space<hbm>>
      %dma_start3A_22 = arith.constant 0 : i32
      %dma_start3A_23 = arith.constant 0 : i32
      %dma_start3A_24 = tpu.memref_slice %dma_start3A_21[%arg1, %dma_start3A_22, %dma_start3A_23] : memref<16x160x128xi32, #tpu.memory_space<hbm>> -> memref<1x160x128xi32, #tpu.memory_space<hbm>>
      %dma_start3A_25 = tpu.memref_squeeze %dma_start3A_24 : memref<1x160x128xi32, #tpu.memory_space<hbm>> -> memref<160x128xi32, #tpu.memory_space<hbm>>
      %dma_start3A_26 = arith.constant 0 : i32
      %dma_start3A_27 = arith.constant 0 : i32
      %dma_start3A_28 = arith.constant 0 : i32
      %dma_start3A_29 = tpu.memref_slice %arg2[%arg0, %dma_start3A_26, %dma_start3A_27, %dma_start3A_28] : memref<2x16x160x128xi32, #tpu.memory_space<hbm>> -> memref<1x16x160x128xi32, #tpu.memory_space<hbm>>
      %dma_start3A_30 = tpu.memref_squeeze %dma_start3A_29 : memref<1x16x160x128xi32, #tpu.memory_space<hbm>> -> memref<16x160x128xi32, #tpu.memory_space<hbm>>
      %dma_start3A_31 = arith.constant 0 : i32
      %dma_start3A_32 = arith.constant 0 : i32
      %dma_start3A_33 = tpu.memref_slice %dma_start3A_30[%arg1, %dma_start3A_31, %dma_start3A_32] : memref<16x160x128xi32, #tpu.memory_space<hbm>> -> memref<1x160x128xi32, #tpu.memory_space<hbm>>
      %dma_start3A_34 = tpu.memref_squeeze %dma_start3A_33 : memref<1x160x128xi32, #tpu.memory_space<hbm>> -> memref<160x128xi32, #tpu.memory_space<hbm>>
      tpu.enqueue_dma source(%dma_start3A_34 : memref<160x128xi32, #tpu.memory_space<hbm>>) target(%arg6 : memref<160x128xi32, #tpu.memory_space<vmem>>) target_semaphore(%run_scoped3A : memref<!tpu.dma_semaphore, #tpu.memory_space<semaphore_mem>>)
      %dma_wait3A = arith.constant 0 : i32
      %dma_wait3A_35 = arith.constant 0 : i32
      %dma_wait3A_36 = arith.constant 0 : i32
      %dma_wait3A_37 = tpu.memref_slice %arg2[%arg0, %dma_wait3A, %dma_wait3A_35, %dma_wait3A_36] : memref<2x16x160x128xi32, #tpu.memory_space<hbm>> -> memref<1x16x160x128xi32, #tpu.memory_space<hbm>>
      %dma_wait3A_38 = tpu.memref_squeeze %dma_wait3A_37 : memref<1x16x160x128xi32, #tpu.memory_space<hbm>> -> memref<16x160x128xi32, #tpu.memory_space<hbm>>
      %dma_wait3A_39 = arith.constant 0 : i32
      %dma_wait3A_40 = arith.constant 0 : i32
      %dma_wait3A_41 = tpu.memref_slice %dma_wait3A_38[%arg1, %dma_wait3A_39, %dma_wait3A_40] : memref<16x160x128xi32, #tpu.memory_space<hbm>> -> memref<1x160x128xi32, #tpu.memory_space<hbm>>
      %dma_wait3A_42 = tpu.memref_squeeze %dma_wait3A_41 : memref<1x160x128xi32, #tpu.memory_space<hbm>> -> memref<160x128xi32, #tpu.memory_space<hbm>>
      %dma_wait3A_43 = arith.constant 0 : i32
      %dma_wait3A_44 = arith.constant 0 : i32
      %dma_wait3A_45 = arith.constant 0 : i32
      %dma_wait3A_46 = tpu.memref_slice %arg2[%arg0, %dma_wait3A_43, %dma_wait3A_44, %dma_wait3A_45] : memref<2x16x160x128xi32, #tpu.memory_space<hbm>> -> memref<1x16x160x128xi32, #tpu.memory_space<hbm>>
      %dma_wait3A_47 = tpu.memref_squeeze %dma_wait3A_46 : memref<1x16x160x128xi32, #tpu.memory_space<hbm>> -> memref<16x160x128xi32, #tpu.memory_space<hbm>>
      %dma_wait3A_48 = arith.constant 0 : i32
      %dma_wait3A_49 = arith.constant 0 : i32
      %dma_wait3A_50 = tpu.memref_slice %dma_wait3A_47[%arg1, %dma_wait3A_48, %dma_wait3A_49] : memref<16x160x128xi32, #tpu.memory_space<hbm>> -> memref<1x160x128xi32, #tpu.memory_space<hbm>>
      %dma_wait3A_51 = tpu.memref_squeeze %dma_wait3A_50 : memref<1x160x128xi32, #tpu.memory_space<hbm>> -> memref<160x128xi32, #tpu.memory_space<hbm>>
      tpu.wait_dma2 semaphore(%run_scoped3A : memref<!tpu.dma_semaphore, #tpu.memory_space<semaphore_mem>>) src(%dma_wait3A_51 : memref<160x128xi32, #tpu.memory_space<hbm>>) dst(%arg6 : memref<160x128xi32, #tpu.memory_space<vmem>>)
      tpu.yield
    }) : () -> ()
    %barrier3A = arith.constant 0 : index
    tpu.barrier barrier_id(%barrier3A)
    %scan3A_5 = arith.constant 0 : i32
    %scan3A_6 = arith.constant 0 : i32
    %scan3A_7 = arith.constant 160 : i32
    %scan3A_8 = arith.addi %scan3A_6, %scan3A_7 : i32
    %scan3A_9 = arith.constant 1 : i32
    scf.for %scan3A_18 = %scan3A_6 to %scan3A_8 step %scan3A_9  : i32 {
      "tpu.region"() ({
        %run_scoped3A = tpu.sem_alloc : memref<!tpu.dma_semaphore, #tpu.memory_space<semaphore_mem>>
        %dma_start3A = arith.constant 0 : i32
        %dma_start3A_19 = tpu.memref_slice %arg6[%scan3A_18, %dma_start3A] : memref<160x128xi32, #tpu.memory_space<vmem>> -> memref<1x128xi32, #tpu.memory_space<vmem>>
        %dma_start3A_20 = tpu.memref_squeeze %dma_start3A_19 : memref<1x128xi32, #tpu.memory_space<vmem>> -> memref<128xi32, #tpu.memory_space<vmem>>
        %dma_start3A_21 = arith.constant 0 : i32
        %dma_start3A_22 = arith.constant 0 : i32
        %dma_start3A_23 = tpu.memref_slice %arg9[%dma_start3A_21, %dma_start3A_22] : memref<5120x128xf32, #tpu.memory_space<vmem_shared>> -> memref<5120x128xf32, #tpu.memory_space<vmem_shared>>
        tpu.enqueue_indirect_dma source(%arg7 : memref<128x128xf32, #tpu.memory_space<vmem>>) target(%dma_start3A_23 : memref<5120x128xf32, #tpu.memory_space<vmem_shared>>) offsets(%dma_start3A_20 : memref<128xi32, #tpu.memory_space<vmem>>) semaphore(%run_scoped3A : memref<!tpu.dma_semaphore, #tpu.memory_space<semaphore_mem>>) {add = true}
        %dma_wait3A = arith.constant 0 : i32
        %dma_wait3A_24 = tpu.memref_slice %arg6[%scan3A_18, %dma_wait3A] : memref<160x128xi32, #tpu.memory_space<vmem>> -> memref<1x128xi32, #tpu.memory_space<vmem>>
        %dma_wait3A_25 = tpu.memref_squeeze %dma_wait3A_24 : memref<1x128xi32, #tpu.memory_space<vmem>> -> memref<128xi32, #tpu.memory_space<vmem>>
        %dma_wait3A_26 = arith.constant 0 : i32
        %dma_wait3A_27 = arith.constant 0 : i32
        %dma_wait3A_28 = tpu.memref_slice %arg9[%dma_wait3A_26, %dma_wait3A_27] : memref<5120x128xf32, #tpu.memory_space<vmem_shared>> -> memref<5120x128xf32, #tpu.memory_space<vmem_shared>>
        tpu.wait_indirect_dma semaphore(%run_scoped3A : memref<!tpu.dma_semaphore, #tpu.memory_space<semaphore_mem>>) src(%arg7 : memref<128x128xf32, #tpu.memory_space<vmem>>) dst(%dma_wait3A_28 : memref<5120x128xf32, #tpu.memory_space<vmem_shared>>)
        tpu.yield
      }) : () -> ()
    }
    %scan3A_10 = arith.constant 160 : i32
    %barrier3A_11 = arith.constant 0 : index
    tpu.barrier barrier_id(%barrier3A_11)
    %scan3A_12 = arith.constant 0 : i32
    %scan3A_13 = arith.constant 0 : i32
    %scan3A_14 = arith.constant 3 : i32
    %scan3A_15 = arith.addi %scan3A_13, %scan3A_14 : i32
    %scan3A_16 = arith.constant 1 : i32
    scf.for %scan3A_18 = %scan3A_13 to %scan3A_15 step %scan3A_16  : i32 {
      %mul3A = arith.constant 16 : i32
      %mul3A_19 = arith.muli %mul3A, %scan3A_18 : i32
      %add3A = arith.addi %arg1, %mul3A_19 : i32
      %lt3A = arith.constant 40 : i32
      %lt3A_20 = arith.cmpi slt, %add3A, %lt3A : i32
      %convert_element_type3A = arith.extui %lt3A_20 : i1 to i32
      %cond3A = arith.constant 0 : i32
      %cond3A_21 = arith.cmpi ne, %convert_element_type3A, %cond3A : i32
      scf.if %cond3A_21 {
        %mul3A_22 = arith.constant 128 : i32
        %mul3A_23 = arith.muli %add3A, %mul3A_22 : i32
        %mul3A_24 = arith.constant 128 : i32
        %mul3A_25 = arith.muli %add3A, %mul3A_24 : i32
        "tpu.region"() ({
          %run_scoped3A = tpu.sem_alloc : memref<!tpu.dma_semaphore, #tpu.memory_space<semaphore_mem>>
          %dma_start3A = arith.constant 0 : i32
          %dma_start3A_26 = arith.constant 0 : i32
          %dma_start3A_27 = tpu.memref_slice %arg5[%arg0, %dma_start3A, %dma_start3A_26] : memref<2x5120x128xf32, #tpu.memory_space<hbm>> -> memref<1x5120x128xf32, #tpu.memory_space<hbm>>
          %dma_start3A_28 = tpu.memref_squeeze %dma_start3A_27 : memref<1x5120x128xf32, #tpu.memory_space<hbm>> -> memref<5120x128xf32, #tpu.memory_space<hbm>>
          %dma_start3A_29 = arith.constant 0 : i32
          %dma_start3A_30 = tpu.memref_slice %dma_start3A_28[%mul3A_25, %dma_start3A_29] : memref<5120x128xf32, #tpu.memory_space<hbm>> -> memref<128x128xf32, #tpu.memory_space<hbm>>
          %dma_start3A_31 = arith.constant 0 : i32
          %dma_start3A_32 = tpu.memref_slice %arg9[%mul3A_23, %dma_start3A_31] : memref<5120x128xf32, #tpu.memory_space<vmem_shared>> -> memref<128x128xf32, #tpu.memory_space<vmem_shared>>
          tpu.enqueue_dma source(%dma_start3A_32 : memref<128x128xf32, #tpu.memory_space<vmem_shared>>) target(%dma_start3A_30 : memref<128x128xf32, #tpu.memory_space<hbm>>) target_semaphore(%run_scoped3A : memref<!tpu.dma_semaphore, #tpu.memory_space<semaphore_mem>>)
          %dma_wait3A = arith.constant 0 : i32
          %dma_wait3A_33 = arith.constant 0 : i32
          %dma_wait3A_34 = tpu.memref_slice %arg5[%arg0, %dma_wait3A, %dma_wait3A_33] : memref<2x5120x128xf32, #tpu.memory_space<hbm>> -> memref<1x5120x128xf32, #tpu.memory_space<hbm>>
          %dma_wait3A_35 = tpu.memref_squeeze %dma_wait3A_34 : memref<1x5120x128xf32, #tpu.memory_space<hbm>> -> memref<5120x128xf32, #tpu.memory_space<hbm>>
          %dma_wait3A_36 = arith.constant 0 : i32
          %dma_wait3A_37 = tpu.memref_slice %dma_wait3A_35[%mul3A_25, %dma_wait3A_36] : memref<5120x128xf32, #tpu.memory_space<hbm>> -> memref<128x128xf32, #tpu.memory_space<hbm>>
          %dma_wait3A_38 = arith.constant 0 : i32
          %dma_wait3A_39 = tpu.memref_slice %arg9[%mul3A_23, %dma_wait3A_38] : memref<5120x128xf32, #tpu.memory_space<vmem_shared>> -> memref<128x128xf32, #tpu.memory_space<vmem_shared>>
          tpu.wait_dma2 semaphore(%run_scoped3A : memref<!tpu.dma_semaphore, #tpu.memory_space<semaphore_mem>>) src(%dma_wait3A_39 : memref<128x128xf32, #tpu.memory_space<vmem_shared>>) dst(%dma_wait3A_37 : memref<128x128xf32, #tpu.memory_space<hbm>>)
          tpu.yield
        }) : () -> ()
      } else {
      }
    }
    %scan3A_17 = arith.constant 3 : i32
    return
  }
}

#map = affine_map<(d0, d1) -> (0, 0)>
#map1 = affine_map<(d0, d1) -> (0, 0, 0, 0)>
#map2 = affine_map<(d0, d1) -> (0, 0, 0)>
module attributes {stable_mosaic.version = 14 : i64} {
  func.func @_agg_body(%arg0: i32, %arg1: i32, %arg2: memref<10240x128xf32, #tpu.memory_space<hbm>>, %arg3: memref<2x16x160x128xi32, #tpu.memory_space<hbm>>, %arg4: memref<2x16x160x128xi32, #tpu.memory_space<hbm>>, %arg5: memref<2x5120x128xf32, #tpu.memory_space<hbm>>, %arg6: memref<160x128xi32, #tpu.memory_space<vmem>>, %arg7: memref<160x128xi32, #tpu.memory_space<vmem>>, %arg8: memref<2x128x128xf32, #tpu.memory_space<vmem>>, %arg9: memref<5120x128xf32, #tpu.memory_space<vmem_shared>>, %arg10: memref<!tpu.dma_semaphore, #tpu.memory_space<semaphore_mem>>, %arg11: memref<!tpu.dma_semaphore, #tpu.memory_space<semaphore_mem>>) attributes {dimension_semantics = [#tpu.dimension_semantics<core_parallel>, #tpu.dimension_semantics<subcore_parallel>], iteration_bounds = array<i64: 2, 16>, scalar_prefetch = 0 : i64, scratch_operands = 6 : i64, tpu.core_type = #tpu.core_type<sc_vector_subcore>, window_params = [{transform_indices = #map}, {transform_indices = #map1}, {transform_indices = #map1}, {transform_indices = #map2}]} {
    %run_scoped3A = arith.constant 0 : i32
    "tpu.region"() ({
      %run_scoped3A_85 = tpu.sem_alloc : memref<!tpu.dma_semaphore, #tpu.memory_space<semaphore_mem>>
      %dma_start3A_86 = arith.constant 0 : i32
      %dma_start3A_87 = arith.constant 0 : i32
      %dma_start3A_88 = tpu.memref_slice %arg8[%run_scoped3A, %dma_start3A_86, %dma_start3A_87] : memref<2x128x128xf32, #tpu.memory_space<vmem>> -> memref<1x128x128xf32, #tpu.memory_space<vmem>>
      %dma_start3A_89 = tpu.memref_squeeze %dma_start3A_88 : memref<1x128x128xf32, #tpu.memory_space<vmem>> -> memref<128x128xf32, #tpu.memory_space<vmem>>
      %dma_start3A_90 = arith.constant 10112 : i32
      %dma_start3A_91 = arith.constant 0 : i32
      %dma_start3A_92 = tpu.memref_slice %arg2[%dma_start3A_90, %dma_start3A_91] : memref<10240x128xf32, #tpu.memory_space<hbm>> -> memref<128x128xf32, #tpu.memory_space<hbm>>
      %dma_start3A_93 = arith.constant 0 : i32
      %dma_start3A_94 = arith.constant 0 : i32
      %dma_start3A_95 = tpu.memref_slice %arg8[%run_scoped3A, %dma_start3A_93, %dma_start3A_94] : memref<2x128x128xf32, #tpu.memory_space<vmem>> -> memref<1x128x128xf32, #tpu.memory_space<vmem>>
      %dma_start3A_96 = tpu.memref_squeeze %dma_start3A_95 : memref<1x128x128xf32, #tpu.memory_space<vmem>> -> memref<128x128xf32, #tpu.memory_space<vmem>>
      %dma_start3A_97 = arith.constant 10112 : i32
      %dma_start3A_98 = arith.constant 0 : i32
      %dma_start3A_99 = tpu.memref_slice %arg2[%dma_start3A_97, %dma_start3A_98] : memref<10240x128xf32, #tpu.memory_space<hbm>> -> memref<128x128xf32, #tpu.memory_space<hbm>>
      tpu.enqueue_dma source(%dma_start3A_99 : memref<128x128xf32, #tpu.memory_space<hbm>>) target(%dma_start3A_96 : memref<128x128xf32, #tpu.memory_space<vmem>>) target_semaphore(%run_scoped3A_85 : memref<!tpu.dma_semaphore, #tpu.memory_space<semaphore_mem>>)
      %dma_wait3A = arith.constant 0 : i32
      %dma_wait3A_100 = arith.constant 0 : i32
      %dma_wait3A_101 = tpu.memref_slice %arg8[%run_scoped3A, %dma_wait3A, %dma_wait3A_100] : memref<2x128x128xf32, #tpu.memory_space<vmem>> -> memref<1x128x128xf32, #tpu.memory_space<vmem>>
      %dma_wait3A_102 = tpu.memref_squeeze %dma_wait3A_101 : memref<1x128x128xf32, #tpu.memory_space<vmem>> -> memref<128x128xf32, #tpu.memory_space<vmem>>
      %dma_wait3A_103 = arith.constant 10112 : i32
      %dma_wait3A_104 = arith.constant 0 : i32
      %dma_wait3A_105 = tpu.memref_slice %arg2[%dma_wait3A_103, %dma_wait3A_104] : memref<10240x128xf32, #tpu.memory_space<hbm>> -> memref<128x128xf32, #tpu.memory_space<hbm>>
      %dma_wait3A_106 = arith.constant 0 : i32
      %dma_wait3A_107 = arith.constant 0 : i32
      %dma_wait3A_108 = tpu.memref_slice %arg8[%run_scoped3A, %dma_wait3A_106, %dma_wait3A_107] : memref<2x128x128xf32, #tpu.memory_space<vmem>> -> memref<1x128x128xf32, #tpu.memory_space<vmem>>
      %dma_wait3A_109 = tpu.memref_squeeze %dma_wait3A_108 : memref<1x128x128xf32, #tpu.memory_space<vmem>> -> memref<128x128xf32, #tpu.memory_space<vmem>>
      %dma_wait3A_110 = arith.constant 10112 : i32
      %dma_wait3A_111 = arith.constant 0 : i32
      %dma_wait3A_112 = tpu.memref_slice %arg2[%dma_wait3A_110, %dma_wait3A_111] : memref<10240x128xf32, #tpu.memory_space<hbm>> -> memref<128x128xf32, #tpu.memory_space<hbm>>
      tpu.wait_dma2 semaphore(%run_scoped3A_85 : memref<!tpu.dma_semaphore, #tpu.memory_space<semaphore_mem>>) src(%dma_wait3A_112 : memref<128x128xf32, #tpu.memory_space<hbm>>) dst(%dma_wait3A_109 : memref<128x128xf32, #tpu.memory_space<vmem>>)
      tpu.yield
    }) : () -> ()
    %scan3A = arith.constant 0 : i32
    %scan3A_0 = arith.constant 0 : i32
    %scan3A_1 = arith.constant 3 : i32
    %scan3A_2 = arith.addi %scan3A_0, %scan3A_1 : i32
    %scan3A_3 = arith.constant 1 : i32
    scf.for %scan3A_85 = %scan3A_0 to %scan3A_2 step %scan3A_3  : i32 {
      %mul3A = arith.constant 16 : i32
      %mul3A_86 = arith.muli %mul3A, %scan3A_85 : i32
      %add3A = arith.addi %arg1, %mul3A_86 : i32
      %lt3A = arith.constant 40 : i32
      %lt3A_87 = arith.cmpi slt, %add3A, %lt3A : i32
      %convert_element_type3A = arith.extui %lt3A_87 : i1 to i32
      %cond3A = arith.constant 0 : i32
      %cond3A_88 = arith.cmpi ne, %convert_element_type3A, %cond3A : i32
      scf.if %cond3A_88 {
        %mul3A_89 = arith.constant 128 : i32
        %mul3A_90 = arith.muli %add3A, %mul3A_89 : i32
        %run_scoped3A_91 = arith.constant 0 : i32
        "tpu.region"() ({
          %run_scoped3A_92 = tpu.sem_alloc : memref<!tpu.dma_semaphore, #tpu.memory_space<semaphore_mem>>
          %dma_start3A_93 = arith.constant 0 : i32
          %dma_start3A_94 = arith.constant 0 : i32
          %dma_start3A_95 = tpu.memref_slice %arg8[%run_scoped3A_91, %dma_start3A_93, %dma_start3A_94] : memref<2x128x128xf32, #tpu.memory_space<vmem>> -> memref<1x128x128xf32, #tpu.memory_space<vmem>>
          %dma_start3A_96 = tpu.memref_squeeze %dma_start3A_95 : memref<1x128x128xf32, #tpu.memory_space<vmem>> -> memref<128x128xf32, #tpu.memory_space<vmem>>
          %dma_start3A_97 = arith.constant 0 : i32
          %dma_start3A_98 = tpu.memref_slice %arg9[%mul3A_90, %dma_start3A_97] : memref<5120x128xf32, #tpu.memory_space<vmem_shared>> -> memref<128x128xf32, #tpu.memory_space<vmem_shared>>
          %dma_start3A_99 = arith.constant 0 : i32
          %dma_start3A_100 = tpu.memref_slice %arg9[%mul3A_90, %dma_start3A_99] : memref<5120x128xf32, #tpu.memory_space<vmem_shared>> -> memref<128x128xf32, #tpu.memory_space<vmem_shared>>
          %dma_start3A_101 = arith.constant 0 : i32
          %dma_start3A_102 = arith.constant 0 : i32
          %dma_start3A_103 = tpu.memref_slice %arg8[%run_scoped3A_91, %dma_start3A_101, %dma_start3A_102] : memref<2x128x128xf32, #tpu.memory_space<vmem>> -> memref<1x128x128xf32, #tpu.memory_space<vmem>>
          %dma_start3A_104 = tpu.memref_squeeze %dma_start3A_103 : memref<1x128x128xf32, #tpu.memory_space<vmem>> -> memref<128x128xf32, #tpu.memory_space<vmem>>
          tpu.enqueue_dma source(%dma_start3A_104 : memref<128x128xf32, #tpu.memory_space<vmem>>) target(%dma_start3A_100 : memref<128x128xf32, #tpu.memory_space<vmem_shared>>) target_semaphore(%run_scoped3A_92 : memref<!tpu.dma_semaphore, #tpu.memory_space<semaphore_mem>>)
          %dma_wait3A = arith.constant 0 : i32
          %dma_wait3A_105 = arith.constant 0 : i32
          %dma_wait3A_106 = tpu.memref_slice %arg8[%run_scoped3A_91, %dma_wait3A, %dma_wait3A_105] : memref<2x128x128xf32, #tpu.memory_space<vmem>> -> memref<1x128x128xf32, #tpu.memory_space<vmem>>
          %dma_wait3A_107 = tpu.memref_squeeze %dma_wait3A_106 : memref<1x128x128xf32, #tpu.memory_space<vmem>> -> memref<128x128xf32, #tpu.memory_space<vmem>>
          %dma_wait3A_108 = arith.constant 0 : i32
          %dma_wait3A_109 = tpu.memref_slice %arg9[%mul3A_90, %dma_wait3A_108] : memref<5120x128xf32, #tpu.memory_space<vmem_shared>> -> memref<128x128xf32, #tpu.memory_space<vmem_shared>>
          %dma_wait3A_110 = arith.constant 0 : i32
          %dma_wait3A_111 = tpu.memref_slice %arg9[%mul3A_90, %dma_wait3A_110] : memref<5120x128xf32, #tpu.memory_space<vmem_shared>> -> memref<128x128xf32, #tpu.memory_space<vmem_shared>>
          %dma_wait3A_112 = arith.constant 0 : i32
          %dma_wait3A_113 = arith.constant 0 : i32
          %dma_wait3A_114 = tpu.memref_slice %arg8[%run_scoped3A_91, %dma_wait3A_112, %dma_wait3A_113] : memref<2x128x128xf32, #tpu.memory_space<vmem>> -> memref<1x128x128xf32, #tpu.memory_space<vmem>>
          %dma_wait3A_115 = tpu.memref_squeeze %dma_wait3A_114 : memref<1x128x128xf32, #tpu.memory_space<vmem>> -> memref<128x128xf32, #tpu.memory_space<vmem>>
          tpu.wait_dma2 semaphore(%run_scoped3A_92 : memref<!tpu.dma_semaphore, #tpu.memory_space<semaphore_mem>>) src(%dma_wait3A_115 : memref<128x128xf32, #tpu.memory_space<vmem>>) dst(%dma_wait3A_111 : memref<128x128xf32, #tpu.memory_space<vmem_shared>>)
          tpu.yield
        }) : () -> ()
      } else {
      }
    }
    %scan3A_4 = arith.constant 3 : i32
    "tpu.region"() ({
      %run_scoped3A_85 = tpu.sem_alloc : memref<!tpu.dma_semaphore, #tpu.memory_space<semaphore_mem>>
      %dma_start3A_86 = arith.constant 0 : i32
      %dma_start3A_87 = arith.constant 0 : i32
      %dma_start3A_88 = arith.constant 0 : i32
      %dma_start3A_89 = tpu.memref_slice %arg3[%arg0, %dma_start3A_86, %dma_start3A_87, %dma_start3A_88] : memref<2x16x160x128xi32, #tpu.memory_space<hbm>> -> memref<1x16x160x128xi32, #tpu.memory_space<hbm>>
      %dma_start3A_90 = tpu.memref_squeeze %dma_start3A_89 : memref<1x16x160x128xi32, #tpu.memory_space<hbm>> -> memref<16x160x128xi32, #tpu.memory_space<hbm>>
      %dma_start3A_91 = arith.constant 0 : i32
      %dma_start3A_92 = arith.constant 0 : i32
      %dma_start3A_93 = tpu.memref_slice %dma_start3A_90[%arg1, %dma_start3A_91, %dma_start3A_92] : memref<16x160x128xi32, #tpu.memory_space<hbm>> -> memref<1x160x128xi32, #tpu.memory_space<hbm>>
      %dma_start3A_94 = tpu.memref_squeeze %dma_start3A_93 : memref<1x160x128xi32, #tpu.memory_space<hbm>> -> memref<160x128xi32, #tpu.memory_space<hbm>>
      %dma_start3A_95 = arith.constant 0 : i32
      %dma_start3A_96 = arith.constant 0 : i32
      %dma_start3A_97 = arith.constant 0 : i32
      %dma_start3A_98 = tpu.memref_slice %arg3[%arg0, %dma_start3A_95, %dma_start3A_96, %dma_start3A_97] : memref<2x16x160x128xi32, #tpu.memory_space<hbm>> -> memref<1x16x160x128xi32, #tpu.memory_space<hbm>>
      %dma_start3A_99 = tpu.memref_squeeze %dma_start3A_98 : memref<1x16x160x128xi32, #tpu.memory_space<hbm>> -> memref<16x160x128xi32, #tpu.memory_space<hbm>>
      %dma_start3A_100 = arith.constant 0 : i32
      %dma_start3A_101 = arith.constant 0 : i32
      %dma_start3A_102 = tpu.memref_slice %dma_start3A_99[%arg1, %dma_start3A_100, %dma_start3A_101] : memref<16x160x128xi32, #tpu.memory_space<hbm>> -> memref<1x160x128xi32, #tpu.memory_space<hbm>>
      %dma_start3A_103 = tpu.memref_squeeze %dma_start3A_102 : memref<1x160x128xi32, #tpu.memory_space<hbm>> -> memref<160x128xi32, #tpu.memory_space<hbm>>
      tpu.enqueue_dma source(%dma_start3A_103 : memref<160x128xi32, #tpu.memory_space<hbm>>) target(%arg6 : memref<160x128xi32, #tpu.memory_space<vmem>>) target_semaphore(%run_scoped3A_85 : memref<!tpu.dma_semaphore, #tpu.memory_space<semaphore_mem>>)
      %dma_wait3A = arith.constant 0 : i32
      %dma_wait3A_104 = arith.constant 0 : i32
      %dma_wait3A_105 = arith.constant 0 : i32
      %dma_wait3A_106 = tpu.memref_slice %arg3[%arg0, %dma_wait3A, %dma_wait3A_104, %dma_wait3A_105] : memref<2x16x160x128xi32, #tpu.memory_space<hbm>> -> memref<1x16x160x128xi32, #tpu.memory_space<hbm>>
      %dma_wait3A_107 = tpu.memref_squeeze %dma_wait3A_106 : memref<1x16x160x128xi32, #tpu.memory_space<hbm>> -> memref<16x160x128xi32, #tpu.memory_space<hbm>>
      %dma_wait3A_108 = arith.constant 0 : i32
      %dma_wait3A_109 = arith.constant 0 : i32
      %dma_wait3A_110 = tpu.memref_slice %dma_wait3A_107[%arg1, %dma_wait3A_108, %dma_wait3A_109] : memref<16x160x128xi32, #tpu.memory_space<hbm>> -> memref<1x160x128xi32, #tpu.memory_space<hbm>>
      %dma_wait3A_111 = tpu.memref_squeeze %dma_wait3A_110 : memref<1x160x128xi32, #tpu.memory_space<hbm>> -> memref<160x128xi32, #tpu.memory_space<hbm>>
      %dma_wait3A_112 = arith.constant 0 : i32
      %dma_wait3A_113 = arith.constant 0 : i32
      %dma_wait3A_114 = arith.constant 0 : i32
      %dma_wait3A_115 = tpu.memref_slice %arg3[%arg0, %dma_wait3A_112, %dma_wait3A_113, %dma_wait3A_114] : memref<2x16x160x128xi32, #tpu.memory_space<hbm>> -> memref<1x16x160x128xi32, #tpu.memory_space<hbm>>
      %dma_wait3A_116 = tpu.memref_squeeze %dma_wait3A_115 : memref<1x16x160x128xi32, #tpu.memory_space<hbm>> -> memref<16x160x128xi32, #tpu.memory_space<hbm>>
      %dma_wait3A_117 = arith.constant 0 : i32
      %dma_wait3A_118 = arith.constant 0 : i32
      %dma_wait3A_119 = tpu.memref_slice %dma_wait3A_116[%arg1, %dma_wait3A_117, %dma_wait3A_118] : memref<16x160x128xi32, #tpu.memory_space<hbm>> -> memref<1x160x128xi32, #tpu.memory_space<hbm>>
      %dma_wait3A_120 = tpu.memref_squeeze %dma_wait3A_119 : memref<1x160x128xi32, #tpu.memory_space<hbm>> -> memref<160x128xi32, #tpu.memory_space<hbm>>
      tpu.wait_dma2 semaphore(%run_scoped3A_85 : memref<!tpu.dma_semaphore, #tpu.memory_space<semaphore_mem>>) src(%dma_wait3A_120 : memref<160x128xi32, #tpu.memory_space<hbm>>) dst(%arg6 : memref<160x128xi32, #tpu.memory_space<vmem>>)
      tpu.yield
    }) : () -> ()
    "tpu.region"() ({
      %run_scoped3A_85 = tpu.sem_alloc : memref<!tpu.dma_semaphore, #tpu.memory_space<semaphore_mem>>
      %dma_start3A_86 = arith.constant 0 : i32
      %dma_start3A_87 = arith.constant 0 : i32
      %dma_start3A_88 = arith.constant 0 : i32
      %dma_start3A_89 = tpu.memref_slice %arg4[%arg0, %dma_start3A_86, %dma_start3A_87, %dma_start3A_88] : memref<2x16x160x128xi32, #tpu.memory_space<hbm>> -> memref<1x16x160x128xi32, #tpu.memory_space<hbm>>
      %dma_start3A_90 = tpu.memref_squeeze %dma_start3A_89 : memref<1x16x160x128xi32, #tpu.memory_space<hbm>> -> memref<16x160x128xi32, #tpu.memory_space<hbm>>
      %dma_start3A_91 = arith.constant 0 : i32
      %dma_start3A_92 = arith.constant 0 : i32
      %dma_start3A_93 = tpu.memref_slice %dma_start3A_90[%arg1, %dma_start3A_91, %dma_start3A_92] : memref<16x160x128xi32, #tpu.memory_space<hbm>> -> memref<1x160x128xi32, #tpu.memory_space<hbm>>
      %dma_start3A_94 = tpu.memref_squeeze %dma_start3A_93 : memref<1x160x128xi32, #tpu.memory_space<hbm>> -> memref<160x128xi32, #tpu.memory_space<hbm>>
      %dma_start3A_95 = arith.constant 0 : i32
      %dma_start3A_96 = arith.constant 0 : i32
      %dma_start3A_97 = arith.constant 0 : i32
      %dma_start3A_98 = tpu.memref_slice %arg4[%arg0, %dma_start3A_95, %dma_start3A_96, %dma_start3A_97] : memref<2x16x160x128xi32, #tpu.memory_space<hbm>> -> memref<1x16x160x128xi32, #tpu.memory_space<hbm>>
      %dma_start3A_99 = tpu.memref_squeeze %dma_start3A_98 : memref<1x16x160x128xi32, #tpu.memory_space<hbm>> -> memref<16x160x128xi32, #tpu.memory_space<hbm>>
      %dma_start3A_100 = arith.constant 0 : i32
      %dma_start3A_101 = arith.constant 0 : i32
      %dma_start3A_102 = tpu.memref_slice %dma_start3A_99[%arg1, %dma_start3A_100, %dma_start3A_101] : memref<16x160x128xi32, #tpu.memory_space<hbm>> -> memref<1x160x128xi32, #tpu.memory_space<hbm>>
      %dma_start3A_103 = tpu.memref_squeeze %dma_start3A_102 : memref<1x160x128xi32, #tpu.memory_space<hbm>> -> memref<160x128xi32, #tpu.memory_space<hbm>>
      tpu.enqueue_dma source(%dma_start3A_103 : memref<160x128xi32, #tpu.memory_space<hbm>>) target(%arg7 : memref<160x128xi32, #tpu.memory_space<vmem>>) target_semaphore(%run_scoped3A_85 : memref<!tpu.dma_semaphore, #tpu.memory_space<semaphore_mem>>)
      %dma_wait3A = arith.constant 0 : i32
      %dma_wait3A_104 = arith.constant 0 : i32
      %dma_wait3A_105 = arith.constant 0 : i32
      %dma_wait3A_106 = tpu.memref_slice %arg4[%arg0, %dma_wait3A, %dma_wait3A_104, %dma_wait3A_105] : memref<2x16x160x128xi32, #tpu.memory_space<hbm>> -> memref<1x16x160x128xi32, #tpu.memory_space<hbm>>
      %dma_wait3A_107 = tpu.memref_squeeze %dma_wait3A_106 : memref<1x16x160x128xi32, #tpu.memory_space<hbm>> -> memref<16x160x128xi32, #tpu.memory_space<hbm>>
      %dma_wait3A_108 = arith.constant 0 : i32
      %dma_wait3A_109 = arith.constant 0 : i32
      %dma_wait3A_110 = tpu.memref_slice %dma_wait3A_107[%arg1, %dma_wait3A_108, %dma_wait3A_109] : memref<16x160x128xi32, #tpu.memory_space<hbm>> -> memref<1x160x128xi32, #tpu.memory_space<hbm>>
      %dma_wait3A_111 = tpu.memref_squeeze %dma_wait3A_110 : memref<1x160x128xi32, #tpu.memory_space<hbm>> -> memref<160x128xi32, #tpu.memory_space<hbm>>
      %dma_wait3A_112 = arith.constant 0 : i32
      %dma_wait3A_113 = arith.constant 0 : i32
      %dma_wait3A_114 = arith.constant 0 : i32
      %dma_wait3A_115 = tpu.memref_slice %arg4[%arg0, %dma_wait3A_112, %dma_wait3A_113, %dma_wait3A_114] : memref<2x16x160x128xi32, #tpu.memory_space<hbm>> -> memref<1x16x160x128xi32, #tpu.memory_space<hbm>>
      %dma_wait3A_116 = tpu.memref_squeeze %dma_wait3A_115 : memref<1x16x160x128xi32, #tpu.memory_space<hbm>> -> memref<16x160x128xi32, #tpu.memory_space<hbm>>
      %dma_wait3A_117 = arith.constant 0 : i32
      %dma_wait3A_118 = arith.constant 0 : i32
      %dma_wait3A_119 = tpu.memref_slice %dma_wait3A_116[%arg1, %dma_wait3A_117, %dma_wait3A_118] : memref<16x160x128xi32, #tpu.memory_space<hbm>> -> memref<1x160x128xi32, #tpu.memory_space<hbm>>
      %dma_wait3A_120 = tpu.memref_squeeze %dma_wait3A_119 : memref<1x160x128xi32, #tpu.memory_space<hbm>> -> memref<160x128xi32, #tpu.memory_space<hbm>>
      tpu.wait_dma2 semaphore(%run_scoped3A_85 : memref<!tpu.dma_semaphore, #tpu.memory_space<semaphore_mem>>) src(%dma_wait3A_120 : memref<160x128xi32, #tpu.memory_space<hbm>>) dst(%arg7 : memref<160x128xi32, #tpu.memory_space<vmem>>)
      tpu.yield
    }) : () -> ()
    %barrier3A = arith.constant 0 : index
    tpu.barrier barrier_id(%barrier3A)
    %dma_start3A = arith.constant 0 : i32
    %dma_start3A_5 = arith.constant 0 : i32
    %dma_start3A_6 = arith.constant 0 : i32
    %dma_start3A_7 = arith.constant 0 : i32
    %dma_start3A_8 = tpu.memref_slice %arg8[%dma_start3A_5, %dma_start3A_6, %dma_start3A_7] : memref<2x128x128xf32, #tpu.memory_space<vmem>> -> memref<1x128x128xf32, #tpu.memory_space<vmem>>
    %dma_start3A_9 = tpu.memref_squeeze %dma_start3A_8 : memref<1x128x128xf32, #tpu.memory_space<vmem>> -> memref<128x128xf32, #tpu.memory_space<vmem>>
    %dma_start3A_10 = arith.constant 0 : i32
    %dma_start3A_11 = arith.constant 0 : i32
    %dma_start3A_12 = tpu.memref_slice %dma_start3A_9[%dma_start3A_10, %dma_start3A_11] : memref<128x128xf32, #tpu.memory_space<vmem>> -> memref<64x128xf32, #tpu.memory_space<vmem>>
    %dma_start3A_13 = arith.constant 0 : i32
    %dma_start3A_14 = tpu.memref_slice %arg6[%dma_start3A, %dma_start3A_13] : memref<160x128xi32, #tpu.memory_space<vmem>> -> memref<1x128xi32, #tpu.memory_space<vmem>>
    %dma_start3A_15 = tpu.memref_squeeze %dma_start3A_14 : memref<1x128xi32, #tpu.memory_space<vmem>> -> memref<128xi32, #tpu.memory_space<vmem>>
    %dma_start3A_16 = arith.constant 0 : i32
    %dma_start3A_17 = tpu.memref_slice %dma_start3A_15[%dma_start3A_16] : memref<128xi32, #tpu.memory_space<vmem>> -> memref<64xi32, #tpu.memory_space<vmem>>
    %dma_start3A_18 = arith.constant 0 : i32
    %dma_start3A_19 = arith.constant 0 : i32
    %dma_start3A_20 = tpu.memref_slice %arg2[%dma_start3A_18, %dma_start3A_19] : memref<10240x128xf32, #tpu.memory_space<hbm>> -> memref<10240x128xf32, #tpu.memory_space<hbm>>
    tpu.enqueue_indirect_dma source(%dma_start3A_20 : memref<10240x128xf32, #tpu.memory_space<hbm>>) target(%dma_start3A_12 : memref<64x128xf32, #tpu.memory_space<vmem>>) offsets(%dma_start3A_17 : memref<64xi32, #tpu.memory_space<vmem>>) semaphore(%arg10 : memref<!tpu.dma_semaphore, #tpu.memory_space<semaphore_mem>>)
    %dma_start3A_21 = arith.constant 0 : i32
    %dma_start3A_22 = arith.constant 0 : i32
    %dma_start3A_23 = arith.constant 0 : i32
    %dma_start3A_24 = arith.constant 0 : i32
    %dma_start3A_25 = tpu.memref_slice %arg8[%dma_start3A_22, %dma_start3A_23, %dma_start3A_24] : memref<2x128x128xf32, #tpu.memory_space<vmem>> -> memref<1x128x128xf32, #tpu.memory_space<vmem>>
    %dma_start3A_26 = tpu.memref_squeeze %dma_start3A_25 : memref<1x128x128xf32, #tpu.memory_space<vmem>> -> memref<128x128xf32, #tpu.memory_space<vmem>>
    %dma_start3A_27 = arith.constant 64 : i32
    %dma_start3A_28 = arith.constant 0 : i32
    %dma_start3A_29 = tpu.memref_slice %dma_start3A_26[%dma_start3A_27, %dma_start3A_28] : memref<128x128xf32, #tpu.memory_space<vmem>> -> memref<64x128xf32, #tpu.memory_space<vmem>>
    %dma_start3A_30 = arith.constant 0 : i32
    %dma_start3A_31 = tpu.memref_slice %arg6[%dma_start3A_21, %dma_start3A_30] : memref<160x128xi32, #tpu.memory_space<vmem>> -> memref<1x128xi32, #tpu.memory_space<vmem>>
    %dma_start3A_32 = tpu.memref_squeeze %dma_start3A_31 : memref<1x128xi32, #tpu.memory_space<vmem>> -> memref<128xi32, #tpu.memory_space<vmem>>
    %dma_start3A_33 = arith.constant 64 : i32
    %dma_start3A_34 = tpu.memref_slice %dma_start3A_32[%dma_start3A_33] : memref<128xi32, #tpu.memory_space<vmem>> -> memref<64xi32, #tpu.memory_space<vmem>>
    %dma_start3A_35 = arith.constant 0 : i32
    %dma_start3A_36 = arith.constant 0 : i32
    %dma_start3A_37 = tpu.memref_slice %arg2[%dma_start3A_35, %dma_start3A_36] : memref<10240x128xf32, #tpu.memory_space<hbm>> -> memref<10240x128xf32, #tpu.memory_space<hbm>>
    tpu.enqueue_indirect_dma source(%dma_start3A_37 : memref<10240x128xf32, #tpu.memory_space<hbm>>) target(%dma_start3A_29 : memref<64x128xf32, #tpu.memory_space<vmem>>) offsets(%dma_start3A_34 : memref<64xi32, #tpu.memory_space<vmem>>) semaphore(%arg10 : memref<!tpu.dma_semaphore, #tpu.memory_space<semaphore_mem>>)
    %dma_start3A_38 = arith.constant 1 : i32
    %dma_start3A_39 = arith.constant 1 : i32
    %dma_start3A_40 = arith.constant 0 : i32
    %dma_start3A_41 = arith.constant 0 : i32
    %dma_start3A_42 = tpu.memref_slice %arg8[%dma_start3A_39, %dma_start3A_40, %dma_start3A_41] : memref<2x128x128xf32, #tpu.memory_space<vmem>> -> memref<1x128x128xf32, #tpu.memory_space<vmem>>
    %dma_start3A_43 = tpu.memref_squeeze %dma_start3A_42 : memref<1x128x128xf32, #tpu.memory_space<vmem>> -> memref<128x128xf32, #tpu.memory_space<vmem>>
    %dma_start3A_44 = arith.constant 0 : i32
    %dma_start3A_45 = arith.constant 0 : i32
    %dma_start3A_46 = tpu.memref_slice %dma_start3A_43[%dma_start3A_44, %dma_start3A_45] : memref<128x128xf32, #tpu.memory_space<vmem>> -> memref<64x128xf32, #tpu.memory_space<vmem>>
    %dma_start3A_47 = arith.constant 0 : i32
    %dma_start3A_48 = tpu.memref_slice %arg6[%dma_start3A_38, %dma_start3A_47] : memref<160x128xi32, #tpu.memory_space<vmem>> -> memref<1x128xi32, #tpu.memory_space<vmem>>
    %dma_start3A_49 = tpu.memref_squeeze %dma_start3A_48 : memref<1x128xi32, #tpu.memory_space<vmem>> -> memref<128xi32, #tpu.memory_space<vmem>>
    %dma_start3A_50 = arith.constant 0 : i32
    %dma_start3A_51 = tpu.memref_slice %dma_start3A_49[%dma_start3A_50] : memref<128xi32, #tpu.memory_space<vmem>> -> memref<64xi32, #tpu.memory_space<vmem>>
    %dma_start3A_52 = arith.constant 0 : i32
    %dma_start3A_53 = arith.constant 0 : i32
    %dma_start3A_54 = tpu.memref_slice %arg2[%dma_start3A_52, %dma_start3A_53] : memref<10240x128xf32, #tpu.memory_space<hbm>> -> memref<10240x128xf32, #tpu.memory_space<hbm>>
    tpu.enqueue_indirect_dma source(%dma_start3A_54 : memref<10240x128xf32, #tpu.memory_space<hbm>>) target(%dma_start3A_46 : memref<64x128xf32, #tpu.memory_space<vmem>>) offsets(%dma_start3A_51 : memref<64xi32, #tpu.memory_space<vmem>>) semaphore(%arg11 : memref<!tpu.dma_semaphore, #tpu.memory_space<semaphore_mem>>)
    %dma_start3A_55 = arith.constant 1 : i32
    %dma_start3A_56 = arith.constant 1 : i32
    %dma_start3A_57 = arith.constant 0 : i32
    %dma_start3A_58 = arith.constant 0 : i32
    %dma_start3A_59 = tpu.memref_slice %arg8[%dma_start3A_56, %dma_start3A_57, %dma_start3A_58] : memref<2x128x128xf32, #tpu.memory_space<vmem>> -> memref<1x128x128xf32, #tpu.memory_space<vmem>>
    %dma_start3A_60 = tpu.memref_squeeze %dma_start3A_59 : memref<1x128x128xf32, #tpu.memory_space<vmem>> -> memref<128x128xf32, #tpu.memory_space<vmem>>
    %dma_start3A_61 = arith.constant 64 : i32
    %dma_start3A_62 = arith.constant 0 : i32
    %dma_start3A_63 = tpu.memref_slice %dma_start3A_60[%dma_start3A_61, %dma_start3A_62] : memref<128x128xf32, #tpu.memory_space<vmem>> -> memref<64x128xf32, #tpu.memory_space<vmem>>
    %dma_start3A_64 = arith.constant 0 : i32
    %dma_start3A_65 = tpu.memref_slice %arg6[%dma_start3A_55, %dma_start3A_64] : memref<160x128xi32, #tpu.memory_space<vmem>> -> memref<1x128xi32, #tpu.memory_space<vmem>>
    %dma_start3A_66 = tpu.memref_squeeze %dma_start3A_65 : memref<1x128xi32, #tpu.memory_space<vmem>> -> memref<128xi32, #tpu.memory_space<vmem>>
    %dma_start3A_67 = arith.constant 64 : i32
    %dma_start3A_68 = tpu.memref_slice %dma_start3A_66[%dma_start3A_67] : memref<128xi32, #tpu.memory_space<vmem>> -> memref<64xi32, #tpu.memory_space<vmem>>
    %dma_start3A_69 = arith.constant 0 : i32
    %dma_start3A_70 = arith.constant 0 : i32
    %dma_start3A_71 = tpu.memref_slice %arg2[%dma_start3A_69, %dma_start3A_70] : memref<10240x128xf32, #tpu.memory_space<hbm>> -> memref<10240x128xf32, #tpu.memory_space<hbm>>
    tpu.enqueue_indirect_dma source(%dma_start3A_71 : memref<10240x128xf32, #tpu.memory_space<hbm>>) target(%dma_start3A_63 : memref<64x128xf32, #tpu.memory_space<vmem>>) offsets(%dma_start3A_68 : memref<64xi32, #tpu.memory_space<vmem>>) semaphore(%arg11 : memref<!tpu.dma_semaphore, #tpu.memory_space<semaphore_mem>>)
    %scan3A_72 = arith.constant 0 : i32
    %scan3A_73 = arith.constant 0 : i32
    %scan3A_74 = arith.constant 80 : i32
    %scan3A_75 = arith.addi %scan3A_73, %scan3A_74 : i32
    %scan3A_76 = arith.constant 1 : i32
    scf.for %scan3A_85 = %scan3A_73 to %scan3A_75 step %scan3A_76  : i32 {
      %mul3A = arith.constant 2 : i32
      %mul3A_86 = arith.muli %mul3A, %scan3A_85 : i32
      %add3A = arith.constant 0 : i32
      %add3A_87 = arith.addi %mul3A_86, %add3A : i32
      %dma_wait3A = arith.constant 0 : i32
      %dma_wait3A_88 = arith.constant 0 : i32
      %dma_wait3A_89 = arith.constant 0 : i32
      %dma_wait3A_90 = tpu.memref_slice %arg8[%dma_wait3A, %dma_wait3A_88, %dma_wait3A_89] : memref<2x128x128xf32, #tpu.memory_space<vmem>> -> memref<1x128x128xf32, #tpu.memory_space<vmem>>
      %dma_wait3A_91 = tpu.memref_squeeze %dma_wait3A_90 : memref<1x128x128xf32, #tpu.memory_space<vmem>> -> memref<128x128xf32, #tpu.memory_space<vmem>>
      %dma_wait3A_92 = arith.constant 0 : i32
      %dma_wait3A_93 = arith.constant 0 : i32
      %dma_wait3A_94 = tpu.memref_slice %arg2[%dma_wait3A_92, %dma_wait3A_93] : memref<10240x128xf32, #tpu.memory_space<hbm>> -> memref<128x128xf32, #tpu.memory_space<hbm>>
      %dma_wait3A_95 = arith.constant 0 : i32
      %dma_wait3A_96 = arith.constant 0 : i32
      %dma_wait3A_97 = tpu.memref_slice %arg8[%dma_wait3A, %dma_wait3A_95, %dma_wait3A_96] : memref<2x128x128xf32, #tpu.memory_space<vmem>> -> memref<1x128x128xf32, #tpu.memory_space<vmem>>
      %dma_wait3A_98 = tpu.memref_squeeze %dma_wait3A_97 : memref<1x128x128xf32, #tpu.memory_space<vmem>> -> memref<128x128xf32, #tpu.memory_space<vmem>>
      %dma_wait3A_99 = arith.constant 0 : i32
      %dma_wait3A_100 = arith.constant 0 : i32
      %dma_wait3A_101 = tpu.memref_slice %arg2[%dma_wait3A_99, %dma_wait3A_100] : memref<10240x128xf32, #tpu.memory_space<hbm>> -> memref<128x128xf32, #tpu.memory_space<hbm>>
      tpu.wait_dma2 semaphore(%arg10 : memref<!tpu.dma_semaphore, #tpu.memory_space<semaphore_mem>>) src(%dma_wait3A_101 : memref<128x128xf32, #tpu.memory_space<hbm>>) dst(%dma_wait3A_98 : memref<128x128xf32, #tpu.memory_space<vmem>>)
      %run_scoped3A_102 = arith.constant 0 : i32
      "tpu.region"() ({
        %run_scoped3A_134 = tpu.sem_alloc : memref<!tpu.dma_semaphore, #tpu.memory_space<semaphore_mem>>
        %dma_start3A_135 = arith.constant 0 : i32
        %dma_start3A_136 = arith.constant 0 : i32
        %dma_start3A_137 = tpu.memref_slice %arg8[%run_scoped3A_102, %dma_start3A_135, %dma_start3A_136] : memref<2x128x128xf32, #tpu.memory_space<vmem>> -> memref<1x128x128xf32, #tpu.memory_space<vmem>>
        %dma_start3A_138 = tpu.memref_squeeze %dma_start3A_137 : memref<1x128x128xf32, #tpu.memory_space<vmem>> -> memref<128x128xf32, #tpu.memory_space<vmem>>
        %dma_start3A_139 = arith.constant 0 : i32
        %dma_start3A_140 = tpu.memref_slice %arg7[%add3A_87, %dma_start3A_139] : memref<160x128xi32, #tpu.memory_space<vmem>> -> memref<1x128xi32, #tpu.memory_space<vmem>>
        %dma_start3A_141 = tpu.memref_squeeze %dma_start3A_140 : memref<1x128xi32, #tpu.memory_space<vmem>> -> memref<128xi32, #tpu.memory_space<vmem>>
        %dma_start3A_142 = arith.constant 0 : i32
        %dma_start3A_143 = arith.constant 0 : i32
        %dma_start3A_144 = tpu.memref_slice %arg9[%dma_start3A_142, %dma_start3A_143] : memref<5120x128xf32, #tpu.memory_space<vmem_shared>> -> memref<5120x128xf32, #tpu.memory_space<vmem_shared>>
        tpu.enqueue_indirect_dma source(%dma_start3A_138 : memref<128x128xf32, #tpu.memory_space<vmem>>) target(%dma_start3A_144 : memref<5120x128xf32, #tpu.memory_space<vmem_shared>>) offsets(%dma_start3A_141 : memref<128xi32, #tpu.memory_space<vmem>>) semaphore(%run_scoped3A_134 : memref<!tpu.dma_semaphore, #tpu.memory_space<semaphore_mem>>) {add = true}
        %dma_wait3A_145 = arith.constant 0 : i32
        %dma_wait3A_146 = arith.constant 0 : i32
        %dma_wait3A_147 = tpu.memref_slice %arg8[%run_scoped3A_102, %dma_wait3A_145, %dma_wait3A_146] : memref<2x128x128xf32, #tpu.memory_space<vmem>> -> memref<1x128x128xf32, #tpu.memory_space<vmem>>
        %dma_wait3A_148 = tpu.memref_squeeze %dma_wait3A_147 : memref<1x128x128xf32, #tpu.memory_space<vmem>> -> memref<128x128xf32, #tpu.memory_space<vmem>>
        %dma_wait3A_149 = arith.constant 0 : i32
        %dma_wait3A_150 = tpu.memref_slice %arg7[%add3A_87, %dma_wait3A_149] : memref<160x128xi32, #tpu.memory_space<vmem>> -> memref<1x128xi32, #tpu.memory_space<vmem>>
        %dma_wait3A_151 = tpu.memref_squeeze %dma_wait3A_150 : memref<1x128xi32, #tpu.memory_space<vmem>> -> memref<128xi32, #tpu.memory_space<vmem>>
        %dma_wait3A_152 = arith.constant 0 : i32
        %dma_wait3A_153 = arith.constant 0 : i32
        %dma_wait3A_154 = tpu.memref_slice %arg9[%dma_wait3A_152, %dma_wait3A_153] : memref<5120x128xf32, #tpu.memory_space<vmem_shared>> -> memref<5120x128xf32, #tpu.memory_space<vmem_shared>>
        tpu.wait_indirect_dma semaphore(%run_scoped3A_134 : memref<!tpu.dma_semaphore, #tpu.memory_space<semaphore_mem>>) src(%dma_wait3A_148 : memref<128x128xf32, #tpu.memory_space<vmem>>) dst(%dma_wait3A_154 : memref<5120x128xf32, #tpu.memory_space<vmem_shared>>)
        tpu.yield
      }) : () -> ()
      %add3A_103 = arith.constant 2 : i32
      %add3A_104 = arith.addi %add3A_87, %add3A_103 : i32
      %lt3A = arith.constant 160 : i32
      %lt3A_105 = arith.cmpi slt, %add3A_104, %lt3A : i32
      %convert_element_type3A = arith.extui %lt3A_105 : i1 to i32
      %cond3A = arith.constant 0 : i32
      %cond3A_106 = arith.cmpi ne, %convert_element_type3A, %cond3A : i32
      scf.if %cond3A_106 {
        %add3A_134 = arith.constant 2 : i32
        %add3A_135 = arith.addi %add3A_87, %add3A_134 : i32
        %dma_start3A_136 = arith.constant 0 : i32
        %dma_start3A_137 = arith.constant 0 : i32
        %dma_start3A_138 = arith.constant 0 : i32
        %dma_start3A_139 = tpu.memref_slice %arg8[%dma_start3A_136, %dma_start3A_137, %dma_start3A_138] : memref<2x128x128xf32, #tpu.memory_space<vmem>> -> memref<1x128x128xf32, #tpu.memory_space<vmem>>
        %dma_start3A_140 = tpu.memref_squeeze %dma_start3A_139 : memref<1x128x128xf32, #tpu.memory_space<vmem>> -> memref<128x128xf32, #tpu.memory_space<vmem>>
        %dma_start3A_141 = arith.constant 0 : i32
        %dma_start3A_142 = arith.constant 0 : i32
        %dma_start3A_143 = tpu.memref_slice %dma_start3A_140[%dma_start3A_141, %dma_start3A_142] : memref<128x128xf32, #tpu.memory_space<vmem>> -> memref<64x128xf32, #tpu.memory_space<vmem>>
        %dma_start3A_144 = arith.constant 0 : i32
        %dma_start3A_145 = tpu.memref_slice %arg6[%add3A_135, %dma_start3A_144] : memref<160x128xi32, #tpu.memory_space<vmem>> -> memref<1x128xi32, #tpu.memory_space<vmem>>
        %dma_start3A_146 = tpu.memref_squeeze %dma_start3A_145 : memref<1x128xi32, #tpu.memory_space<vmem>> -> memref<128xi32, #tpu.memory_space<vmem>>
        %dma_start3A_147 = arith.constant 0 : i32
        %dma_start3A_148 = tpu.memref_slice %dma_start3A_146[%dma_start3A_147] : memref<128xi32, #tpu.memory_space<vmem>> -> memref<64xi32, #tpu.memory_space<vmem>>
        %dma_start3A_149 = arith.constant 0 : i32
        %dma_start3A_150 = arith.constant 0 : i32
        %dma_start3A_151 = tpu.memref_slice %arg2[%dma_start3A_149, %dma_start3A_150] : memref<10240x128xf32, #tpu.memory_space<hbm>> -> memref<10240x128xf32, #tpu.memory_space<hbm>>
        tpu.enqueue_indirect_dma source(%dma_start3A_151 : memref<10240x128xf32, #tpu.memory_space<hbm>>) target(%dma_start3A_143 : memref<64x128xf32, #tpu.memory_space<vmem>>) offsets(%dma_start3A_148 : memref<64xi32, #tpu.memory_space<vmem>>) semaphore(%arg10 : memref<!tpu.dma_semaphore, #tpu.memory_space<semaphore_mem>>)
        %dma_start3A_152 = arith.constant 0 : i32
        %dma_start3A_153 = arith.constant 0 : i32
        %dma_start3A_154 = arith.constant 0 : i32
        %dma_start3A_155 = tpu.memref_slice %arg8[%dma_start3A_152, %dma_start3A_153, %dma_start3A_154] : memref<2x128x128xf32, #tpu.memory_space<vmem>> -> memref<1x128x128xf32, #tpu.memory_space<vmem>>
        %dma_start3A_156 = tpu.memref_squeeze %dma_start3A_155 : memref<1x128x128xf32, #tpu.memory_space<vmem>> -> memref<128x128xf32, #tpu.memory_space<vmem>>
        %dma_start3A_157 = arith.constant 64 : i32
        %dma_start3A_158 = arith.constant 0 : i32
        %dma_start3A_159 = tpu.memref_slice %dma_start3A_156[%dma_start3A_157, %dma_start3A_158] : memref<128x128xf32, #tpu.memory_space<vmem>> -> memref<64x128xf32, #tpu.memory_space<vmem>>
        %dma_start3A_160 = arith.constant 0 : i32
        %dma_start3A_161 = tpu.memref_slice %arg6[%add3A_135, %dma_start3A_160] : memref<160x128xi32, #tpu.memory_space<vmem>> -> memref<1x128xi32, #tpu.memory_space<vmem>>
        %dma_start3A_162 = tpu.memref_squeeze %dma_start3A_161 : memref<1x128xi32, #tpu.memory_space<vmem>> -> memref<128xi32, #tpu.memory_space<vmem>>
        %dma_start3A_163 = arith.constant 64 : i32
        %dma_start3A_164 = tpu.memref_slice %dma_start3A_162[%dma_start3A_163] : memref<128xi32, #tpu.memory_space<vmem>> -> memref<64xi32, #tpu.memory_space<vmem>>
        %dma_start3A_165 = arith.constant 0 : i32
        %dma_start3A_166 = arith.constant 0 : i32
        %dma_start3A_167 = tpu.memref_slice %arg2[%dma_start3A_165, %dma_start3A_166] : memref<10240x128xf32, #tpu.memory_space<hbm>> -> memref<10240x128xf32, #tpu.memory_space<hbm>>
        tpu.enqueue_indirect_dma source(%dma_start3A_167 : memref<10240x128xf32, #tpu.memory_space<hbm>>) target(%dma_start3A_159 : memref<64x128xf32, #tpu.memory_space<vmem>>) offsets(%dma_start3A_164 : memref<64xi32, #tpu.memory_space<vmem>>) semaphore(%arg10 : memref<!tpu.dma_semaphore, #tpu.memory_space<semaphore_mem>>)
      } else {
      }
      %mul3A_107 = arith.constant 2 : i32
      %mul3A_108 = arith.muli %mul3A_107, %scan3A_85 : i32
      %add3A_109 = arith.constant 1 : i32
      %add3A_110 = arith.addi %mul3A_108, %add3A_109 : i32
      %dma_wait3A_111 = arith.constant 1 : i32
      %dma_wait3A_112 = arith.constant 0 : i32
      %dma_wait3A_113 = arith.constant 0 : i32
      %dma_wait3A_114 = tpu.memref_slice %arg8[%dma_wait3A_111, %dma_wait3A_112, %dma_wait3A_113] : memref<2x128x128xf32, #tpu.memory_space<vmem>> -> memref<1x128x128xf32, #tpu.memory_space<vmem>>
      %dma_wait3A_115 = tpu.memref_squeeze %dma_wait3A_114 : memref<1x128x128xf32, #tpu.memory_space<vmem>> -> memref<128x128xf32, #tpu.memory_space<vmem>>
      %dma_wait3A_116 = arith.constant 0 : i32
      %dma_wait3A_117 = arith.constant 0 : i32
      %dma_wait3A_118 = tpu.memref_slice %arg2[%dma_wait3A_116, %dma_wait3A_117] : memref<10240x128xf32, #tpu.memory_space<hbm>> -> memref<128x128xf32, #tpu.memory_space<hbm>>
      %dma_wait3A_119 = arith.constant 0 : i32
      %dma_wait3A_120 = arith.constant 0 : i32
      %dma_wait3A_121 = tpu.memref_slice %arg8[%dma_wait3A_111, %dma_wait3A_119, %dma_wait3A_120] : memref<2x128x128xf32, #tpu.memory_space<vmem>> -> memref<1x128x128xf32, #tpu.memory_space<vmem>>
      %dma_wait3A_122 = tpu.memref_squeeze %dma_wait3A_121 : memref<1x128x128xf32, #tpu.memory_space<vmem>> -> memref<128x128xf32, #tpu.memory_space<vmem>>
      %dma_wait3A_123 = arith.constant 0 : i32
      %dma_wait3A_124 = arith.constant 0 : i32
      %dma_wait3A_125 = tpu.memref_slice %arg2[%dma_wait3A_123, %dma_wait3A_124] : memref<10240x128xf32, #tpu.memory_space<hbm>> -> memref<128x128xf32, #tpu.memory_space<hbm>>
      tpu.wait_dma2 semaphore(%arg11 : memref<!tpu.dma_semaphore, #tpu.memory_space<semaphore_mem>>) src(%dma_wait3A_125 : memref<128x128xf32, #tpu.memory_space<hbm>>) dst(%dma_wait3A_122 : memref<128x128xf32, #tpu.memory_space<vmem>>)
      %run_scoped3A_126 = arith.constant 1 : i32
      "tpu.region"() ({
        %run_scoped3A_134 = tpu.sem_alloc : memref<!tpu.dma_semaphore, #tpu.memory_space<semaphore_mem>>
        %dma_start3A_135 = arith.constant 0 : i32
        %dma_start3A_136 = arith.constant 0 : i32
        %dma_start3A_137 = tpu.memref_slice %arg8[%run_scoped3A_126, %dma_start3A_135, %dma_start3A_136] : memref<2x128x128xf32, #tpu.memory_space<vmem>> -> memref<1x128x128xf32, #tpu.memory_space<vmem>>
        %dma_start3A_138 = tpu.memref_squeeze %dma_start3A_137 : memref<1x128x128xf32, #tpu.memory_space<vmem>> -> memref<128x128xf32, #tpu.memory_space<vmem>>
        %dma_start3A_139 = arith.constant 0 : i32
        %dma_start3A_140 = tpu.memref_slice %arg7[%add3A_110, %dma_start3A_139] : memref<160x128xi32, #tpu.memory_space<vmem>> -> memref<1x128xi32, #tpu.memory_space<vmem>>
        %dma_start3A_141 = tpu.memref_squeeze %dma_start3A_140 : memref<1x128xi32, #tpu.memory_space<vmem>> -> memref<128xi32, #tpu.memory_space<vmem>>
        %dma_start3A_142 = arith.constant 0 : i32
        %dma_start3A_143 = arith.constant 0 : i32
        %dma_start3A_144 = tpu.memref_slice %arg9[%dma_start3A_142, %dma_start3A_143] : memref<5120x128xf32, #tpu.memory_space<vmem_shared>> -> memref<5120x128xf32, #tpu.memory_space<vmem_shared>>
        tpu.enqueue_indirect_dma source(%dma_start3A_138 : memref<128x128xf32, #tpu.memory_space<vmem>>) target(%dma_start3A_144 : memref<5120x128xf32, #tpu.memory_space<vmem_shared>>) offsets(%dma_start3A_141 : memref<128xi32, #tpu.memory_space<vmem>>) semaphore(%run_scoped3A_134 : memref<!tpu.dma_semaphore, #tpu.memory_space<semaphore_mem>>) {add = true}
        %dma_wait3A_145 = arith.constant 0 : i32
        %dma_wait3A_146 = arith.constant 0 : i32
        %dma_wait3A_147 = tpu.memref_slice %arg8[%run_scoped3A_126, %dma_wait3A_145, %dma_wait3A_146] : memref<2x128x128xf32, #tpu.memory_space<vmem>> -> memref<1x128x128xf32, #tpu.memory_space<vmem>>
        %dma_wait3A_148 = tpu.memref_squeeze %dma_wait3A_147 : memref<1x128x128xf32, #tpu.memory_space<vmem>> -> memref<128x128xf32, #tpu.memory_space<vmem>>
        %dma_wait3A_149 = arith.constant 0 : i32
        %dma_wait3A_150 = tpu.memref_slice %arg7[%add3A_110, %dma_wait3A_149] : memref<160x128xi32, #tpu.memory_space<vmem>> -> memref<1x128xi32, #tpu.memory_space<vmem>>
        %dma_wait3A_151 = tpu.memref_squeeze %dma_wait3A_150 : memref<1x128xi32, #tpu.memory_space<vmem>> -> memref<128xi32, #tpu.memory_space<vmem>>
        %dma_wait3A_152 = arith.constant 0 : i32
        %dma_wait3A_153 = arith.constant 0 : i32
        %dma_wait3A_154 = tpu.memref_slice %arg9[%dma_wait3A_152, %dma_wait3A_153] : memref<5120x128xf32, #tpu.memory_space<vmem_shared>> -> memref<5120x128xf32, #tpu.memory_space<vmem_shared>>
        tpu.wait_indirect_dma semaphore(%run_scoped3A_134 : memref<!tpu.dma_semaphore, #tpu.memory_space<semaphore_mem>>) src(%dma_wait3A_148 : memref<128x128xf32, #tpu.memory_space<vmem>>) dst(%dma_wait3A_154 : memref<5120x128xf32, #tpu.memory_space<vmem_shared>>)
        tpu.yield
      }) : () -> ()
      %add3A_127 = arith.constant 2 : i32
      %add3A_128 = arith.addi %add3A_110, %add3A_127 : i32
      %lt3A_129 = arith.constant 160 : i32
      %lt3A_130 = arith.cmpi slt, %add3A_128, %lt3A_129 : i32
      %convert_element_type3A_131 = arith.extui %lt3A_130 : i1 to i32
      %cond3A_132 = arith.constant 0 : i32
      %cond3A_133 = arith.cmpi ne, %convert_element_type3A_131, %cond3A_132 : i32
      scf.if %cond3A_133 {
        %add3A_134 = arith.constant 2 : i32
        %add3A_135 = arith.addi %add3A_110, %add3A_134 : i32
        %dma_start3A_136 = arith.constant 1 : i32
        %dma_start3A_137 = arith.constant 0 : i32
        %dma_start3A_138 = arith.constant 0 : i32
        %dma_start3A_139 = tpu.memref_slice %arg8[%dma_start3A_136, %dma_start3A_137, %dma_start3A_138] : memref<2x128x128xf32, #tpu.memory_space<vmem>> -> memref<1x128x128xf32, #tpu.memory_space<vmem>>
        %dma_start3A_140 = tpu.memref_squeeze %dma_start3A_139 : memref<1x128x128xf32, #tpu.memory_space<vmem>> -> memref<128x128xf32, #tpu.memory_space<vmem>>
        %dma_start3A_141 = arith.constant 0 : i32
        %dma_start3A_142 = arith.constant 0 : i32
        %dma_start3A_143 = tpu.memref_slice %dma_start3A_140[%dma_start3A_141, %dma_start3A_142] : memref<128x128xf32, #tpu.memory_space<vmem>> -> memref<64x128xf32, #tpu.memory_space<vmem>>
        %dma_start3A_144 = arith.constant 0 : i32
        %dma_start3A_145 = tpu.memref_slice %arg6[%add3A_135, %dma_start3A_144] : memref<160x128xi32, #tpu.memory_space<vmem>> -> memref<1x128xi32, #tpu.memory_space<vmem>>
        %dma_start3A_146 = tpu.memref_squeeze %dma_start3A_145 : memref<1x128xi32, #tpu.memory_space<vmem>> -> memref<128xi32, #tpu.memory_space<vmem>>
        %dma_start3A_147 = arith.constant 0 : i32
        %dma_start3A_148 = tpu.memref_slice %dma_start3A_146[%dma_start3A_147] : memref<128xi32, #tpu.memory_space<vmem>> -> memref<64xi32, #tpu.memory_space<vmem>>
        %dma_start3A_149 = arith.constant 0 : i32
        %dma_start3A_150 = arith.constant 0 : i32
        %dma_start3A_151 = tpu.memref_slice %arg2[%dma_start3A_149, %dma_start3A_150] : memref<10240x128xf32, #tpu.memory_space<hbm>> -> memref<10240x128xf32, #tpu.memory_space<hbm>>
        tpu.enqueue_indirect_dma source(%dma_start3A_151 : memref<10240x128xf32, #tpu.memory_space<hbm>>) target(%dma_start3A_143 : memref<64x128xf32, #tpu.memory_space<vmem>>) offsets(%dma_start3A_148 : memref<64xi32, #tpu.memory_space<vmem>>) semaphore(%arg11 : memref<!tpu.dma_semaphore, #tpu.memory_space<semaphore_mem>>)
        %dma_start3A_152 = arith.constant 1 : i32
        %dma_start3A_153 = arith.constant 0 : i32
        %dma_start3A_154 = arith.constant 0 : i32
        %dma_start3A_155 = tpu.memref_slice %arg8[%dma_start3A_152, %dma_start3A_153, %dma_start3A_154] : memref<2x128x128xf32, #tpu.memory_space<vmem>> -> memref<1x128x128xf32, #tpu.memory_space<vmem>>
        %dma_start3A_156 = tpu.memref_squeeze %dma_start3A_155 : memref<1x128x128xf32, #tpu.memory_space<vmem>> -> memref<128x128xf32, #tpu.memory_space<vmem>>
        %dma_start3A_157 = arith.constant 64 : i32
        %dma_start3A_158 = arith.constant 0 : i32
        %dma_start3A_159 = tpu.memref_slice %dma_start3A_156[%dma_start3A_157, %dma_start3A_158] : memref<128x128xf32, #tpu.memory_space<vmem>> -> memref<64x128xf32, #tpu.memory_space<vmem>>
        %dma_start3A_160 = arith.constant 0 : i32
        %dma_start3A_161 = tpu.memref_slice %arg6[%add3A_135, %dma_start3A_160] : memref<160x128xi32, #tpu.memory_space<vmem>> -> memref<1x128xi32, #tpu.memory_space<vmem>>
        %dma_start3A_162 = tpu.memref_squeeze %dma_start3A_161 : memref<1x128xi32, #tpu.memory_space<vmem>> -> memref<128xi32, #tpu.memory_space<vmem>>
        %dma_start3A_163 = arith.constant 64 : i32
        %dma_start3A_164 = tpu.memref_slice %dma_start3A_162[%dma_start3A_163] : memref<128xi32, #tpu.memory_space<vmem>> -> memref<64xi32, #tpu.memory_space<vmem>>
        %dma_start3A_165 = arith.constant 0 : i32
        %dma_start3A_166 = arith.constant 0 : i32
        %dma_start3A_167 = tpu.memref_slice %arg2[%dma_start3A_165, %dma_start3A_166] : memref<10240x128xf32, #tpu.memory_space<hbm>> -> memref<10240x128xf32, #tpu.memory_space<hbm>>
        tpu.enqueue_indirect_dma source(%dma_start3A_167 : memref<10240x128xf32, #tpu.memory_space<hbm>>) target(%dma_start3A_159 : memref<64x128xf32, #tpu.memory_space<vmem>>) offsets(%dma_start3A_164 : memref<64xi32, #tpu.memory_space<vmem>>) semaphore(%arg11 : memref<!tpu.dma_semaphore, #tpu.memory_space<semaphore_mem>>)
      } else {
      }
    }
    %scan3A_77 = arith.constant 80 : i32
    %barrier3A_78 = arith.constant 0 : index
    tpu.barrier barrier_id(%barrier3A_78)
    %scan3A_79 = arith.constant 0 : i32
    %scan3A_80 = arith.constant 0 : i32
    %scan3A_81 = arith.constant 3 : i32
    %scan3A_82 = arith.addi %scan3A_80, %scan3A_81 : i32
    %scan3A_83 = arith.constant 1 : i32
    scf.for %scan3A_85 = %scan3A_80 to %scan3A_82 step %scan3A_83  : i32 {
      %mul3A = arith.constant 16 : i32
      %mul3A_86 = arith.muli %mul3A, %scan3A_85 : i32
      %add3A = arith.addi %arg1, %mul3A_86 : i32
      %lt3A = arith.constant 40 : i32
      %lt3A_87 = arith.cmpi slt, %add3A, %lt3A : i32
      %convert_element_type3A = arith.extui %lt3A_87 : i1 to i32
      %cond3A = arith.constant 0 : i32
      %cond3A_88 = arith.cmpi ne, %convert_element_type3A, %cond3A : i32
      scf.if %cond3A_88 {
        %mul3A_89 = arith.constant 128 : i32
        %mul3A_90 = arith.muli %add3A, %mul3A_89 : i32
        %mul3A_91 = arith.constant 128 : i32
        %mul3A_92 = arith.muli %add3A, %mul3A_91 : i32
        "tpu.region"() ({
          %run_scoped3A_93 = tpu.sem_alloc : memref<!tpu.dma_semaphore, #tpu.memory_space<semaphore_mem>>
          %dma_start3A_94 = arith.constant 0 : i32
          %dma_start3A_95 = arith.constant 0 : i32
          %dma_start3A_96 = tpu.memref_slice %arg5[%arg0, %dma_start3A_94, %dma_start3A_95] : memref<2x5120x128xf32, #tpu.memory_space<hbm>> -> memref<1x5120x128xf32, #tpu.memory_space<hbm>>
          %dma_start3A_97 = tpu.memref_squeeze %dma_start3A_96 : memref<1x5120x128xf32, #tpu.memory_space<hbm>> -> memref<5120x128xf32, #tpu.memory_space<hbm>>
          %dma_start3A_98 = arith.constant 0 : i32
          %dma_start3A_99 = tpu.memref_slice %dma_start3A_97[%mul3A_92, %dma_start3A_98] : memref<5120x128xf32, #tpu.memory_space<hbm>> -> memref<128x128xf32, #tpu.memory_space<hbm>>
          %dma_start3A_100 = arith.constant 0 : i32
          %dma_start3A_101 = tpu.memref_slice %arg9[%mul3A_90, %dma_start3A_100] : memref<5120x128xf32, #tpu.memory_space<vmem_shared>> -> memref<128x128xf32, #tpu.memory_space<vmem_shared>>
          tpu.enqueue_dma source(%dma_start3A_101 : memref<128x128xf32, #tpu.memory_space<vmem_shared>>) target(%dma_start3A_99 : memref<128x128xf32, #tpu.memory_space<hbm>>) target_semaphore(%run_scoped3A_93 : memref<!tpu.dma_semaphore, #tpu.memory_space<semaphore_mem>>)
          %dma_wait3A = arith.constant 0 : i32
          %dma_wait3A_102 = arith.constant 0 : i32
          %dma_wait3A_103 = tpu.memref_slice %arg5[%arg0, %dma_wait3A, %dma_wait3A_102] : memref<2x5120x128xf32, #tpu.memory_space<hbm>> -> memref<1x5120x128xf32, #tpu.memory_space<hbm>>
          %dma_wait3A_104 = tpu.memref_squeeze %dma_wait3A_103 : memref<1x5120x128xf32, #tpu.memory_space<hbm>> -> memref<5120x128xf32, #tpu.memory_space<hbm>>
          %dma_wait3A_105 = arith.constant 0 : i32
          %dma_wait3A_106 = tpu.memref_slice %dma_wait3A_104[%mul3A_92, %dma_wait3A_105] : memref<5120x128xf32, #tpu.memory_space<hbm>> -> memref<128x128xf32, #tpu.memory_space<hbm>>
          %dma_wait3A_107 = arith.constant 0 : i32
          %dma_wait3A_108 = tpu.memref_slice %arg9[%mul3A_90, %dma_wait3A_107] : memref<5120x128xf32, #tpu.memory_space<vmem_shared>> -> memref<128x128xf32, #tpu.memory_space<vmem_shared>>
          tpu.wait_dma2 semaphore(%run_scoped3A_93 : memref<!tpu.dma_semaphore, #tpu.memory_space<semaphore_mem>>) src(%dma_wait3A_108 : memref<128x128xf32, #tpu.memory_space<vmem_shared>>) dst(%dma_wait3A_106 : memref<128x128xf32, #tpu.memory_space<hbm>>)
          tpu.yield
        }) : () -> ()
      } else {
      }
    }
    %scan3A_84 = arith.constant 3 : i32
    return
  }
}

module attributes {stable_mosaic.version = 14 : i64} {
  func.func @_mm1_body(%arg0: i32, %arg1: memref<128x128xf32, #tpu.memory_space<vmem>>, %arg2: memref<128x128xf32, #tpu.memory_space<vmem>>, %arg3: memref<1x128x128xf32, #tpu.memory_space<vmem>>, %arg4: memref<1x128x128xf32, #tpu.memory_space<vmem>>, %arg5: memref<128x128xf32, #tpu.memory_space<vmem>>, %arg6: memref<128x1xf32, #tpu.memory_space<vmem>>, %arg7: memref<128x1xf32, #tpu.memory_space<vmem>>) attributes {dimension_semantics = [#tpu.dimension_semantics<arbitrary>], iteration_bounds = array<i64: 80>, scalar_prefetch = 0 : i64, scratch_operands = 0 : i64, tpu.core_type = #tpu.core_type<tc>, window_params = [{transform_indices = @transform_0, window_bounds = array<i64: 128, 128>}, {pipeline_mode = #tpu.pipeline_mode<synchronous>, transform_indices = @transform_1, window_bounds = array<i64: 128, 128>}, {transform_indices = @transform_2, window_bounds = array<i64: 1, 128, 128>}, {transform_indices = @transform_3, window_bounds = array<i64: 1, 128, 128>}, {transform_indices = @transform_4, window_bounds = array<i64: 128, 128>}, {transform_indices = @transform_5, window_bounds = array<i64: 128, 1>}, {transform_indices = @transform_6, window_bounds = array<i64: 128, 1>}]} {
    %get3A = arith.constant 0 : index
    %get3A_0 = arith.constant 0 : index
    %get3A_1 = arith.constant 0 : index
    %get3A_2 = vector.load %arg3[%get3A, %get3A_0, %get3A_1] : memref<1x128x128xf32, #tpu.memory_space<vmem>>, vector<1x128x128xf32>
    %get3A_3 = vector.shape_cast %get3A_2 : vector<1x128x128xf32> to vector<128x128xf32>
    %slice3A = vector.extract_strided_slice %get3A_3 {offsets = [0, 0], sizes = [128, 1], strides = [1, 1]} : vector<128x128xf32> to vector<128x1xf32>
    %get3A_4 = arith.constant 0 : index
    %get3A_5 = arith.constant 0 : index
    %get3A_6 = arith.constant 0 : index
    %get3A_7 = vector.load %arg4[%get3A_4, %get3A_5, %get3A_6] : memref<1x128x128xf32, #tpu.memory_space<vmem>>, vector<1x128x128xf32>
    %get3A_8 = vector.shape_cast %get3A_7 : vector<1x128x128xf32> to vector<128x128xf32>
    %slice3A_9 = vector.extract_strided_slice %get3A_8 {offsets = [0, 0], sizes = [128, 1], strides = [1, 1]} : vector<128x128xf32> to vector<128x1xf32>
    %max3A = arith.constant 1.000000e+00 : f32
    %max3A_10 = vector.broadcast %max3A : f32 to vector<128x1xf32>
    %max3A_11 = arith.maximumf %slice3A, %max3A_10 : vector<128x1xf32>
    %rsqrt3A = math.rsqrt %max3A_11 : vector<128x1xf32>
    %max3A_12 = arith.constant 1.000000e+00 : f32
    %max3A_13 = vector.broadcast %max3A_12 : f32 to vector<128x1xf32>
    %max3A_14 = arith.maximumf %slice3A_9, %max3A_13 : vector<128x1xf32>
    %rsqrt3A_15 = math.rsqrt %max3A_14 : vector<128x1xf32>
    %get3A_16 = arith.constant 0 : index
    %get3A_17 = arith.constant 0 : index
    %get3A_18 = vector.load %arg1[%get3A_16, %get3A_17] : memref<128x128xf32, #tpu.memory_space<vmem>>, vector<128x128xf32>
    %get3A_19 = arith.constant 0 : index
    %get3A_20 = arith.constant 0 : index
    %get3A_21 = vector.load %arg2[%get3A_19, %get3A_20] : memref<128x128xf32, #tpu.memory_space<vmem>>, vector<128x128xf32>
    %dot_general3A = arith.constant dense<0.000000e+00> : vector<128x128xf32>
    %dot_general3A_22 = tpu.matmul %get3A_18, %get3A_21, %dot_general3A {dimension_numbers = #tpu.dot_dimension_numbers<[1], [0], [0], [1], [0, 0, 1, 1], [], []>, transpose_lhs_hint = false} : vector<128x128xf32>, vector<128x128xf32>, vector<128x128xf32> -> vector<128x128xf32>
    %mul3A = vector.broadcast %rsqrt3A : vector<128x1xf32> to vector<128x128xf32>
    %mul3A_23 = arith.mulf %dot_general3A_22, %mul3A : vector<128x128xf32>
    %swap3A = arith.constant 0 : index
    %swap3A_24 = arith.constant 0 : index
    %swap3A_25 = vector.load %arg5[%swap3A, %swap3A_24] : memref<128x128xf32, #tpu.memory_space<vmem>>, vector<128x128xf32>
    tpu.vector_store %arg5[%swap3A, %swap3A_24], %mul3A_23 {strides = array<i32>} : memref<128x128xf32, #tpu.memory_space<vmem>>, vector<128x128xf32>,
    %swap3A_26 = arith.constant 0 : index
    %swap3A_27 = arith.constant 0 : index
    %swap3A_28 = vector.load %arg6[%swap3A_26, %swap3A_27] : memref<128x1xf32, #tpu.memory_space<vmem>>, vector<128x1xf32>
    tpu.vector_store %arg6[%swap3A_26, %swap3A_27], %rsqrt3A {strides = array<i32>} : memref<128x1xf32, #tpu.memory_space<vmem>>, vector<128x1xf32>,
    %swap3A_29 = arith.constant 0 : index
    %swap3A_30 = arith.constant 0 : index
    %swap3A_31 = vector.load %arg7[%swap3A_29, %swap3A_30] : memref<128x1xf32, #tpu.memory_space<vmem>>, vector<128x1xf32>
    tpu.vector_store %arg7[%swap3A_29, %swap3A_30], %rsqrt3A_15 {strides = array<i32>} : memref<128x1xf32, #tpu.memory_space<vmem>>, vector<128x1xf32>,
    return
  }
  func.func @transform_0(%arg0: i32) -> (i32, i32) {
    %c0_i32 = arith.constant 0 : i32
    %c0_i32_0 = arith.constant 0 : i32
    return %arg0, %c0_i32 : i32, i32
  }
  func.func @transform_1(%arg0: i32) -> (i32, i32) {
    %c0_i32 = arith.constant 0 : i32
    %c0_i32_0 = arith.constant 0 : i32
    %c0_i32_1 = arith.constant 0 : i32
    return %c0_i32, %c0_i32_0 : i32, i32
  }
  func.func @transform_2(%arg0: i32) -> (i32, i32, i32) {
    %lt3A = arith.constant 39 : i32
    %lt3A_0 = arith.cmpi slt, %arg0, %lt3A : i32
    %jit3A = arith.constant 1 : i32
    %jit3A_1 = arith.constant 0 : i32
    %select_n3A = arith.select %lt3A_0, %jit3A, %jit3A_1 : i32
    %lt3A_2 = arith.constant 39 : i32
    %lt3A_3 = arith.cmpi slt, %arg0, %lt3A_2 : i32
    %sub3A = arith.constant 39 : i32
    %sub3A_4 = arith.subi %arg0, %sub3A : i32
    %min3A = arith.constant 39 : i32
    %min3A_5 = arith.minsi %sub3A_4, %min3A : i32
    %select_n3A_6 = arith.select %lt3A_3, %arg0, %min3A_5 : i32
    %c0_i32 = arith.constant 0 : i32
    %c0_i32_7 = arith.constant 0 : i32
    return %select_n3A, %select_n3A_6, %c0_i32 : i32, i32, i32
  }
  func.func @transform_3(%arg0: i32) -> (i32, i32, i32) {
    %lt3A = arith.constant 39 : i32
    %lt3A_0 = arith.cmpi slt, %arg0, %lt3A : i32
    %jit3A = arith.constant 1 : i32
    %jit3A_1 = arith.constant 0 : i32
    %select_n3A = arith.select %lt3A_0, %jit3A, %jit3A_1 : i32
    %lt3A_2 = arith.constant 39 : i32
    %lt3A_3 = arith.cmpi slt, %arg0, %lt3A_2 : i32
    %sub3A = arith.constant 39 : i32
    %sub3A_4 = arith.subi %arg0, %sub3A : i32
    %min3A = arith.constant 39 : i32
    %min3A_5 = arith.minsi %sub3A_4, %min3A : i32
    %select_n3A_6 = arith.select %lt3A_3, %arg0, %min3A_5 : i32
    %c0_i32 = arith.constant 0 : i32
    %c0_i32_7 = arith.constant 0 : i32
    return %select_n3A, %select_n3A_6, %c0_i32 : i32, i32, i32
  }
  func.func @transform_4(%arg0: i32) -> (i32, i32) {
    %c0_i32 = arith.constant 0 : i32
    %c0_i32_0 = arith.constant 0 : i32
    return %arg0, %c0_i32 : i32, i32
  }
  func.func @transform_5(%arg0: i32) -> (i32, i32) {
    %c0_i32 = arith.constant 0 : i32
    %c0_i32_0 = arith.constant 0 : i32
    return %arg0, %c0_i32 : i32, i32
  }
  func.func @transform_6(%arg0: i32) -> (i32, i32) {
    %c0_i32 = arith.constant 0 : i32
    %c0_i32_0 = arith.constant 0 : i32
    return %arg0, %c0_i32 : i32, i32
  }
}

module attributes {stable_mosaic.version = 14 : i64} {
  func.func @_mm2_body(%arg0: i32, %arg1: memref<1x128x128xf32, #tpu.memory_space<vmem>>, %arg2: memref<128x1xf32, #tpu.memory_space<vmem>>, %arg3: memref<128xf32, #tpu.memory_space<vmem>>, %arg4: memref<128x1xf32, #tpu.memory_space<vmem>>, %arg5: memref<128x128xf32, #tpu.memory_space<vmem>>, %arg6: memref<128x128xf32, #tpu.memory_space<vmem>>) attributes {dimension_semantics = [#tpu.dimension_semantics<arbitrary>], iteration_bounds = array<i64: 80>, scalar_prefetch = 0 : i64, scratch_operands = 0 : i64, tpu.core_type = #tpu.core_type<tc>, window_params = [{transform_indices = @transform_0, window_bounds = array<i64: 1, 128, 128>}, {transform_indices = @transform_1, window_bounds = array<i64: 128, 1>}, {pipeline_mode = #tpu.pipeline_mode<synchronous>, transform_indices = @transform_2, window_bounds = array<i64: 128>}, {transform_indices = @transform_3, window_bounds = array<i64: 128, 1>}, {pipeline_mode = #tpu.pipeline_mode<synchronous>, transform_indices = @transform_4, window_bounds = array<i64: 128, 128>}, {transform_indices = @transform_5, window_bounds = array<i64: 128, 128>}]} {
    %get3A = arith.constant 0 : index
    %get3A_0 = arith.constant 0 : index
    %get3A_1 = arith.constant 0 : index
    %get3A_2 = vector.load %arg1[%get3A, %get3A_0, %get3A_1] : memref<1x128x128xf32, #tpu.memory_space<vmem>>, vector<1x128x128xf32>
    %get3A_3 = vector.shape_cast %get3A_2 : vector<1x128x128xf32> to vector<128x128xf32>
    %get3A_4 = arith.constant 0 : index
    %get3A_5 = arith.constant 0 : index
    %get3A_6 = vector.load %arg2[%get3A_4, %get3A_5] : memref<128x1xf32, #tpu.memory_space<vmem>>, vector<128x1xf32>
    %mul3A = vector.broadcast %get3A_6 : vector<128x1xf32> to vector<128x128xf32>
    %mul3A_7 = arith.mulf %get3A_3, %mul3A : vector<128x128xf32>
    %get3A_8 = arith.constant 0 : index
    %get3A_9 = vector.load %arg3[%get3A_8] : memref<128xf32, #tpu.memory_space<vmem>>, vector<128xf32>
    %broadcast_in_dim3A = vector.shape_cast %get3A_9 : vector<128xf32> to vector<1x128xf32>
    %add3A = vector.broadcast %broadcast_in_dim3A : vector<1x128xf32> to vector<128x128xf32>
    %add3A_10 = arith.addf %mul3A_7, %add3A : vector<128x128xf32>
    %tanh3A = math.tanh %add3A_10 : vector<128x128xf32>
    %mul3A_11 = arith.constant 128 : i32
    %mul3A_12 = arith.muli %arg0, %mul3A_11 : i32
    %iota3A = tpu.iota {dimensions = array<i32: 0>} : vector<128x1xi32>
    %add3A_13 = vector.broadcast %mul3A_12 : i32 to vector<128x1xi32>
    %add3A_14 = arith.addi %add3A_13, %iota3A : vector<128x1xi32>
    %lt3A = arith.constant 10000 : i32
    %lt3A_15 = vector.broadcast %lt3A : i32 to vector<128x1xi32>
    %lt3A_16 = arith.cmpi slt, %add3A_14, %lt3A_15 : vector<128x1xi32>
    %jit3A = arith.constant 0.000000e+00 : f32
    %broadcast_in_dim3A_17 = vector.shape_cast %lt3A_16 : vector<128x1xi1> to vector<128x1xi1>
    %broadcast_in_dim3A_18 = vector.broadcast %broadcast_in_dim3A_17 : vector<128x1xi1> to vector<128x128xi1>
    %broadcast_in_dim3A_19 = vector.broadcast %jit3A : f32 to vector<128x128xf32>
    %select_n3A = arith.select %broadcast_in_dim3A_18, %tanh3A, %broadcast_in_dim3A_19 : vector<128x128xi1>, vector<128x128xf32>
    %get3A_20 = arith.constant 0 : index
    %get3A_21 = arith.constant 0 : index
    %get3A_22 = vector.load %arg4[%get3A_20, %get3A_21] : memref<128x1xf32, #tpu.memory_space<vmem>>, vector<128x1xf32>
    %mul3A_23 = vector.broadcast %get3A_22 : vector<128x1xf32> to vector<128x128xf32>
    %mul3A_24 = arith.mulf %select_n3A, %mul3A_23 : vector<128x128xf32>
    %get3A_25 = arith.constant 0 : index
    %get3A_26 = arith.constant 0 : index
    %get3A_27 = vector.load %arg5[%get3A_25, %get3A_26] : memref<128x128xf32, #tpu.memory_space<vmem>>, vector<128x128xf32>
    %dot_general3A = arith.constant dense<0.000000e+00> : vector<128x128xf32>
    %dot_general3A_28 = tpu.matmul %mul3A_24, %get3A_27, %dot_general3A {dimension_numbers = #tpu.dot_dimension_numbers<[1], [0], [0], [1], [0, 0, 1, 1], [], []>, transpose_lhs_hint = false} : vector<128x128xf32>, vector<128x128xf32>, vector<128x128xf32> -> vector<128x128xf32>
    %swap3A = arith.constant 0 : index
    %swap3A_29 = arith.constant 0 : index
    %swap3A_30 = vector.load %arg6[%swap3A, %swap3A_29] : memref<128x128xf32, #tpu.memory_space<vmem>>, vector<128x128xf32>
    tpu.vector_store %arg6[%swap3A, %swap3A_29], %dot_general3A_28 {strides = array<i32>} : memref<128x128xf32, #tpu.memory_space<vmem>>, vector<128x128xf32>,
    return
  }
  func.func @transform_0(%arg0: i32) -> (i32, i32, i32) {
    %jit3A = arith.constant 40 : i32
    %div3A = arith.divsi %arg0, %jit3A : i32
    %sign3A = arith.constant 0 : i32
    %sign3A_0 = arith.cmpi sgt, %arg0, %sign3A : i32
    %sign3A_1 = arith.extui %sign3A_0 : i1 to i32
    %sign3A_2 = arith.constant 0 : i32
    %sign3A_3 = arith.cmpi slt, %arg0, %sign3A_2 : i32
    %sign3A_4 = arith.extui %sign3A_3 : i1 to i32
    %sign3A_5 = arith.subi %sign3A_1, %sign3A_4 : i32
    %sign3A_6 = arith.constant 0 : i32
    %sign3A_7 = arith.cmpi sgt, %jit3A, %sign3A_6 : i32
    %sign3A_8 = arith.extui %sign3A_7 : i1 to i32
    %sign3A_9 = arith.constant 0 : i32
    %sign3A_10 = arith.cmpi slt, %jit3A, %sign3A_9 : i32
    %sign3A_11 = arith.extui %sign3A_10 : i1 to i32
    %sign3A_12 = arith.subi %sign3A_8, %sign3A_11 : i32
    %ne3A = arith.cmpi ne, %sign3A_5, %sign3A_12 : i32
    %rem3A = arith.remsi %arg0, %jit3A : i32
    %ne3A_13 = arith.constant 0 : i32
    %ne3A_14 = arith.cmpi ne, %rem3A, %ne3A_13 : i32
    %and3A = arith.andi %ne3A, %ne3A_14 : i1
    %sub3A = arith.constant 1 : i32
    %sub3A_15 = arith.subi %div3A, %sub3A : i32
    %select_n3A = arith.select %and3A, %sub3A_15, %div3A : i32
    %jit3A_16 = arith.constant 40 : i32
    %eq3A = arith.constant 0 : i32
    %eq3A_17 = arith.cmpi eq, %jit3A_16, %eq3A : i32
    %jit3A_18 = arith.constant 1 : i32
    %select_n3A_19 = arith.select %eq3A_17, %jit3A_18, %jit3A_16 : i32
    %rem3A_20 = arith.remsi %arg0, %select_n3A_19 : i32
    %ne3A_21 = arith.constant 0 : i32
    %ne3A_22 = arith.cmpi ne, %rem3A_20, %ne3A_21 : i32
    %lt3A = arith.constant 0 : i32
    %lt3A_23 = arith.cmpi slt, %rem3A_20, %lt3A : i32
    %lt3A_24 = arith.constant 0 : i32
    %lt3A_25 = arith.cmpi slt, %select_n3A_19, %lt3A_24 : i32
    %ne3A_26 = arith.xori %lt3A_23, %lt3A_25 : i1
    %and3A_27 = arith.andi %ne3A_26, %ne3A_22 : i1
    %add3A = arith.addi %rem3A_20, %select_n3A_19 : i32
    %select_n3A_28 = arith.select %and3A_27, %add3A, %rem3A_20 : i32
    %c0_i32 = arith.constant 0 : i32
    %c0_i32_29 = arith.constant 0 : i32
    return %select_n3A, %select_n3A_28, %c0_i32 : i32, i32, i32
  }
  func.func @transform_1(%arg0: i32) -> (i32, i32) {
    %c0_i32 = arith.constant 0 : i32
    %c0_i32_0 = arith.constant 0 : i32
    return %arg0, %c0_i32 : i32, i32
  }
  func.func @transform_2(%arg0: i32) -> i32 {
    %c0_i32 = arith.constant 0 : i32
    %c0_i32_0 = arith.constant 0 : i32
    return %c0_i32 : i32
  }
  func.func @transform_3(%arg0: i32) -> (i32, i32) {
    %c0_i32 = arith.constant 0 : i32
    %c0_i32_0 = arith.constant 0 : i32
    return %arg0, %c0_i32 : i32, i32
  }
  func.func @transform_4(%arg0: i32) -> (i32, i32) {
    %c0_i32 = arith.constant 0 : i32
    %c0_i32_0 = arith.constant 0 : i32
    %c0_i32_1 = arith.constant 0 : i32
    return %c0_i32, %c0_i32_0 : i32, i32
  }
  func.func @transform_5(%arg0: i32) -> (i32, i32) {
    %c0_i32 = arith.constant 0 : i32
    %c0_i32_0 = arith.constant 0 : i32
    return %arg0, %c0_i32 : i32, i32
  }
}

module attributes {stable_mosaic.version = 14 : i64} {
  func.func @_mm3_body(%arg0: i32, %arg1: memref<1x128x128xf32, #tpu.memory_space<vmem>>, %arg2: memref<128x1xf32, #tpu.memory_space<vmem>>, %arg3: memref<128xf32, #tpu.memory_space<vmem>>, %arg4: memref<128x128xf32, #tpu.memory_space<vmem>>) attributes {dimension_semantics = [#tpu.dimension_semantics<arbitrary>], iteration_bounds = array<i64: 80>, scalar_prefetch = 0 : i64, scratch_operands = 0 : i64, tpu.core_type = #tpu.core_type<tc>, window_params = [{transform_indices = @transform_0, window_bounds = array<i64: 1, 128, 128>}, {transform_indices = @transform_1, window_bounds = array<i64: 128, 1>}, {pipeline_mode = #tpu.pipeline_mode<synchronous>, transform_indices = @transform_2, window_bounds = array<i64: 128>}, {transform_indices = @transform_3, window_bounds = array<i64: 128, 128>}]} {
    %get3A = arith.constant 0 : index
    %get3A_0 = arith.constant 0 : index
    %get3A_1 = arith.constant 0 : index
    %get3A_2 = vector.load %arg1[%get3A, %get3A_0, %get3A_1] : memref<1x128x128xf32, #tpu.memory_space<vmem>>, vector<1x128x128xf32>
    %get3A_3 = vector.shape_cast %get3A_2 : vector<1x128x128xf32> to vector<128x128xf32>
    %get3A_4 = arith.constant 0 : index
    %get3A_5 = arith.constant 0 : index
    %get3A_6 = vector.load %arg2[%get3A_4, %get3A_5] : memref<128x1xf32, #tpu.memory_space<vmem>>, vector<128x1xf32>
    %mul3A = vector.broadcast %get3A_6 : vector<128x1xf32> to vector<128x128xf32>
    %mul3A_7 = arith.mulf %get3A_3, %mul3A : vector<128x128xf32>
    %get3A_8 = arith.constant 0 : index
    %get3A_9 = vector.load %arg3[%get3A_8] : memref<128xf32, #tpu.memory_space<vmem>>, vector<128xf32>
    %broadcast_in_dim3A = vector.shape_cast %get3A_9 : vector<128xf32> to vector<1x128xf32>
    %add3A = vector.broadcast %broadcast_in_dim3A : vector<1x128xf32> to vector<128x128xf32>
    %add3A_10 = arith.addf %mul3A_7, %add3A : vector<128x128xf32>
    %swap3A = arith.constant 0 : index
    %swap3A_11 = arith.constant 0 : index
    %swap3A_12 = vector.load %arg4[%swap3A, %swap3A_11] : memref<128x128xf32, #tpu.memory_space<vmem>>, vector<128x128xf32>
    tpu.vector_store %arg4[%swap3A, %swap3A_11], %add3A_10 {strides = array<i32>} : memref<128x128xf32, #tpu.memory_space<vmem>>, vector<128x128xf32>,
    return
  }
  func.func @transform_0(%arg0: i32) -> (i32, i32, i32) {
    %jit3A = arith.constant 40 : i32
    %div3A = arith.divsi %arg0, %jit3A : i32
    %sign3A = arith.constant 0 : i32
    %sign3A_0 = arith.cmpi sgt, %arg0, %sign3A : i32
    %sign3A_1 = arith.extui %sign3A_0 : i1 to i32
    %sign3A_2 = arith.constant 0 : i32
    %sign3A_3 = arith.cmpi slt, %arg0, %sign3A_2 : i32
    %sign3A_4 = arith.extui %sign3A_3 : i1 to i32
    %sign3A_5 = arith.subi %sign3A_1, %sign3A_4 : i32
    %sign3A_6 = arith.constant 0 : i32
    %sign3A_7 = arith.cmpi sgt, %jit3A, %sign3A_6 : i32
    %sign3A_8 = arith.extui %sign3A_7 : i1 to i32
    %sign3A_9 = arith.constant 0 : i32
    %sign3A_10 = arith.cmpi slt, %jit3A, %sign3A_9 : i32
    %sign3A_11 = arith.extui %sign3A_10 : i1 to i32
    %sign3A_12 = arith.subi %sign3A_8, %sign3A_11 : i32
    %ne3A = arith.cmpi ne, %sign3A_5, %sign3A_12 : i32
    %rem3A = arith.remsi %arg0, %jit3A : i32
    %ne3A_13 = arith.constant 0 : i32
    %ne3A_14 = arith.cmpi ne, %rem3A, %ne3A_13 : i32
    %and3A = arith.andi %ne3A, %ne3A_14 : i1
    %sub3A = arith.constant 1 : i32
    %sub3A_15 = arith.subi %div3A, %sub3A : i32
    %select_n3A = arith.select %and3A, %sub3A_15, %div3A : i32
    %jit3A_16 = arith.constant 40 : i32
    %eq3A = arith.constant 0 : i32
    %eq3A_17 = arith.cmpi eq, %jit3A_16, %eq3A : i32
    %jit3A_18 = arith.constant 1 : i32
    %select_n3A_19 = arith.select %eq3A_17, %jit3A_18, %jit3A_16 : i32
    %rem3A_20 = arith.remsi %arg0, %select_n3A_19 : i32
    %ne3A_21 = arith.constant 0 : i32
    %ne3A_22 = arith.cmpi ne, %rem3A_20, %ne3A_21 : i32
    %lt3A = arith.constant 0 : i32
    %lt3A_23 = arith.cmpi slt, %rem3A_20, %lt3A : i32
    %lt3A_24 = arith.constant 0 : i32
    %lt3A_25 = arith.cmpi slt, %select_n3A_19, %lt3A_24 : i32
    %ne3A_26 = arith.xori %lt3A_23, %lt3A_25 : i1
    %and3A_27 = arith.andi %ne3A_26, %ne3A_22 : i1
    %add3A = arith.addi %rem3A_20, %select_n3A_19 : i32
    %select_n3A_28 = arith.select %and3A_27, %add3A, %rem3A_20 : i32
    %c0_i32 = arith.constant 0 : i32
    %c0_i32_29 = arith.constant 0 : i32
    return %select_n3A, %select_n3A_28, %c0_i32 : i32, i32, i32
  }
  func.func @transform_1(%arg0: i32) -> (i32, i32) {
    %c0_i32 = arith.constant 0 : i32
    %c0_i32_0 = arith.constant 0 : i32
    return %arg0, %c0_i32 : i32, i32
  }
  func.func @transform_2(%arg0: i32) -> i32 {
    %c0_i32 = arith.constant 0 : i32
    %c0_i32_0 = arith.constant 0 : i32
    return %c0_i32 : i32
  }
  func.func @transform_3(%arg0: i32) -> (i32, i32) {
    %c0_i32 = arith.constant 0 : i32
    %c0_i32_0 = arith.constant 0 : i32
    return %arg0, %c0_i32 : i32, i32
  }
}

</mosaic_0001>

<sc_bundles>
// kernel: kernel.12.cloned.1.call-start
scs
__scs_entry_jumppad:
0x0: {  	(pc) =	sbr.rel $0x88, $3  }
0x1: {  	(tag) =	ssettag $0x0;
	lr =	simm.s32 $0x1  }
0x2: {  	[smem:$0x3F9B] =	sst lr;
	_ =	strace $0xD0000000  }
0x3: {  	_ = 	snop  }
0x4: {  	_ = 	snop  }
0x5: {  	_ = 	snop  }
0x6: {  	_ = 	snop  }
0x7: {  	_ = 	snop  }
__scs_overlays_trampoline_lowered:
0x8: {  	[smem:$0x3FAA] =	sst s0  }
0x9: {  	[smem:$0x3FAB] =	sst s1  }
0xa: {  	[smem:$0x3FAC] =	sst s2  }
0xb: {  	[smem:$0x3FAD] =	sst s3  }
0xc: {  	[smem:$0x3FAE] =	sst s4  }
0xd: {  	[smem:$0x3FAF] =	sst s5  }
0xe: {  	[smem:$0x3FB0] =	sst s6  }
0xf: {  	[smem:$0x3FB1] =	sst s7  }
0x10: {  	[smem:$0x3FB2] =	sst s8  }
0x11: {  	[smem:$0x3FB3] =	sst s9;
	s0 =	simm.s32 @!p0 $0x0  }
0x12: {  	s1 =	sld [smem:$0x3F99];
	s0 =	simm.s32 @p0 $0x1  }
0x13: {  	[smem:$0x3FB4] =	sst s0;
	s0 =	simm.s32 @!p1 $0x0  }
0x14: {  	s2 =	sld [smem:$0x3F98];
	s0 =	simm.s32 @p1 $0x1  }
0x15: {  	[smem:$0x3FB5] =	sst s0;
	s0 =	simm.s32 @!p2 $0x0  }
0x16: {  	s3 =	sld [smem:$0x3FDB];
	s0 =	simm.s32 @p2 $0x1  }
0x17: {  	s4 =	simm.s32 $0x1BF5;
	[smem:$0x3FB7] =	sst s0  }
0x18: {  	s0 =	sld [smem:$0x3F9A];
	_ =	swait.ge [sflag:s4], $0x0  }
0x19: {  	s7 =	sld [smem:$0x3F9B]  }
0x1a: {  	s8 =	sadd.s32 $0xFFFFE003, lr  }
0x1b: {  	s9 =	sadd.s32 $0xFFFFFEF7, lr;
	s5 =	simm.s32 $0xFFFFFFFF;
	p2 =	slt.u32 s8, $0xFFFFF086  }
0x1c: {  	p1 =	slt.u32 s9, $0xF7A;
	s5 =	simm.s32 @!p2 $0x0  }
0x1d: {  	s5 =	simm.s32 @p1 $0x1;
	p0 =	seq.s32 s7, s2  }
0x1e: {  	s7 =	smul.u32 @!p0 $0xF7A, s2;
	p2 =	seq.s32 @!p0 s5, $0x0  }
0x1f: {  	s9 =	smul.u32 $0xF7A, s1;
	s8 =	simm.s32 @!p0 $0x1BF5;
	p2 =	por !p2, p0  }
0x20: {  	[sflag:s8] =	ssyncset.s32 @!p0 $0xFFFFF086;
	s6 =	sadd.s32 @!p0 s3, s7;
	s7 =	simm.s32 @!p0 $0x108  }
0x21: {  	s3 =	sadd.s32 s3, s9;
	s6 =	sadd.s32 @!p0 $0x88, s6;
	s7 =	simm.s32 @p2 $0x1082  }
0x22: {  	[simem:s7], [sflag:s8] =	dma.local @!p0 [hbm:s6], $0xF7A  }
0x23: {  	s9 =	sor.u32 $0xD0000000, s2;
	s6 =	simm.s32 $0x108;
	_ =	swait.ge @!p0 [sflag:s8], $0x0  }
0x24: {  	s3 =	sadd.s32 $0x88, s3;
	s6 =	simm.s32 @!p1 $0x1082;
	[sflag:s4] =	ssyncset.s32 $0xFFFFF086  }
0x25: {  	[simem:s6], [sflag:s4] =	dma.local [hbm:s3], $0xF7A  }
0x26: {  	[smem:$0x3F9B] =	sst s1;
	(tag) =	ssettag s2;
	_ =	strace s9  }
0x27: {  	s1 =	sld [smem:$0x3FAB]  }
0x28: {  	s2 =	sld [smem:$0x3FAC]  }
0x29: {  	s4 =	sld [smem:$0x3FAE]  }
0x2a: {  	p0 =	seq.s32 s5, $0x0;
	s5 =	sld [smem:$0x3FAF]  }
0x2b: {  	s6 =	sld [smem:$0x3FB0]  }
0x2c: {  	s7 =	sld [smem:$0x3FB1]  }
0x2d: {  	s3 =	simm.s32 $0x108;
	s8 =	sld [smem:$0x3FB2]  }
0x2e: {  	s3 =	simm.s32 @!p0 $0x1082;
	s9 =	sld [smem:$0x3FB3]  }
0x2f: {  	lr =	sadd.s32 s0, s3;
	s0 =	sld [smem:$0x3FAA]  }
0x30: {  	s3 =	sld [smem:$0x3FAD]  }
0x31: {  	[smem:$0x3FB6] =	sst s10  }
0x32: {  	s10 =	sld [smem:$0x3FB4];
	_ =	sdelay $0x3  }
0x33: {  	p0 =	seq.s32 s10, $0x1;
	s10 =	sld [smem:$0x3FB6];
	_ =	sdelay $0x3  }
0x34: {  	[smem:$0x3FB6] =	sst s10  }
0x35: {  	s10 =	sld [smem:$0x3FB5];
	_ =	sdelay $0x3  }
0x36: {  	p1 =	seq.s32 s10, $0x1;
	s10 =	sld [smem:$0x3FB6];
	_ =	sdelay $0x3  }
0x37: {  	[smem:$0x3FB6] =	sst s10  }
0x38: {  	s10 =	sld [smem:$0x3FB7]  }
0x39: {  	_ = 	snop;
	(pc) =	sbr.ind lr, $3  }
0x3a: {  	_ = 	snop  }
0x3b: {  	_ = 	snop  }
0x3c: {  	p2 =	seq.s32 s10, $0x1;
	s10 =	sld [smem:$0x3FB6]  }
0x3d: {  	_ =	shalt  }
0x3e: {  	_ =	shalt  }
0x3f: {  	_ =	shalt  }
0x40: {  	_ =	shalt  }
0x41: {  	_ =	shalt  }
0x42: {  	_ =	shalt  }
0x43: {  	_ =	shalt  }
0x44: {  	_ =	shalt  }
0x45: {  	_ =	shalt  }
0x46: {  	_ =	shalt  }
0x47: {  	_ =	shalt  }
0x48: {  	_ =	shalt  }
0x49: {  	_ =	shalt  }
0x4a: {  	_ =	shalt  }
0x4b: {  	_ =	shalt  }
0x4c: {  	_ =	shalt  }
0x4d: {  	_ =	shalt  }
0x4e: {  	_ =	shalt  }
0x4f: {  	_ =	shalt  }
0x50: {  	_ =	shalt  }
0x51: {  	_ =	shalt  }
0x52: {  	_ =	shalt  }
0x53: {  	_ =	shalt  }
0x54: {  	_ =	shalt  }
0x55: {  	_ =	shalt  }
0x56: {  	_ =	shalt  }
0x57: {  	_ =	shalt  }
0x58: {  	_ =	shalt  }
0x59: {  	_ =	shalt  }
0x5a: {  	_ =	shalt  }
0x5b: {  	_ =	shalt  }
0x5c: {  	_ =	shalt  }
0x5d: {  	_ =	shalt  }
0x5e: {  	_ =	shalt  }
0x5f: {  	_ =	shalt  }
0x60: {  	_ =	shalt  }
0x61: {  	_ =	shalt  }
0x62: {  	_ =	shalt  }
0x63: {  	_ =	shalt  }
0x64: {  	_ =	shalt  }
0x65: {  	_ =	shalt  }
0x66: {  	_ =	shalt  }
0x67: {  	_ =	shalt  }
0x68: {  	_ =	shalt  }
0x69: {  	_ =	shalt  }
0x6a: {  	_ =	shalt  }
0x6b: {  	_ =	shalt  }
0x6c: {  	_ =	shalt  }
0x6d: {  	_ =	shalt  }
0x6e: {  	_ =	shalt  }
0x6f: {  	_ =	shalt  }
0x70: {  	_ =	shalt  }
0x71: {  	_ =	shalt  }
0x72: {  	_ =	shalt  }
0x73: {  	_ =	shalt  }
0x74: {  	_ =	shalt  }
0x75: {  	_ =	shalt  }
0x76: {  	_ =	shalt  }
0x77: {  	_ =	shalt  }
0x78: {  	_ =	shalt  }
0x79: {  	_ =	shalt  }
0x7a: {  	_ =	shalt  }
0x7b: {  	_ =	shalt  }
0x7c: {  	_ =	shalt  }
0x7d: {  	_ =	shalt  }
0x7e: {  	_ =	shalt  }
0x7f: {  	_ =	shalt  }
0x80: {  	_ =	shalt  }
0x81: {  	_ =	shalt  }
0x82: {  	_ =	shalt  }
0x83: {  	_ =	shalt  }
0x84: {  	_ =	shalt  }
0x85: {  	_ =	shalt  }
0x86: {  	_ =	shalt  }
0x87: {  	_ =	shalt  }
.Lfunc_end0:
.L_simem_size_0:
called_computation.1_lowered:
.L_overlay_start_0:
0x88: {  	s2 =	sld [smem:$0x3FD9]  }
0x89: {  	s3 =	sld [smem:$0x3FFE];
	_ =	sdelay $0x1  }
0x8a: {  	s1 =	srdreg.scid  }
0x8b: {  	s0 =	sand.u32 $0x1, s1  }
0x8c: {  	s17 =	sshll.u32 s0, $0xA;
	s2 =	sadd.s32 s3, s2  }
0x8d: {  	s2 =	sadd.s32 s2, s17  }
0x8e: {  	[smem:$0x3FC2] =	sst s2  }
0x8f: {  	_ = 	snop  }
0x90: {  	(tm) =	ssettm $0x1  }
0x91: {  	s18 =	sld [smem:$0x3FFB];
	_ =	sdelay $0x3  }
0x92: {  	_ =	strace s18  }
0x93: {  	s2 =	sld [smem:$0x3FFC];
	_ =	sdelay $0x3  }
0x94: {  	_ =	strace s2  }
0x95: {  	s2 =	sld [smem:$0x3FFD];
	_ =	sdelay $0x3  }
0x96: {  	_ =	strace s2  }
0x97: {  	_ =	strace $0x8FFFFFFF  }
0x98: {  	s19 =	sld [smem:$0x3FDB];
	_ =	sdelay $0x1  }
0x99: {  	s20 =	simm.s32 $_scs_section_size  }
0x9a: {  	s4 =	simm.s32 $_size__tile_overlayer_lowered;
	s5 =	simm.s32 $_tile_overlayer_lowered  }
0x9b: {  	s6 =	simm.s32 $0x1BFF;
	s21 =	sshll.u32 s5, $0x1;
	s3 =	sadd.s32 s20, s19  }
0x9c: {  	s22 =	simm.s32 $0x0;
	s4 =	sshll.u32 s4, $0x1;
	s5 =	sadd.s32 s21, s3  }
0x9d: {  	[timem:s22], [sflag:s6] =	dma.local [hbm:s5], s4  }
0x9e: {  	_ =	swait.ge [sflag:s6], s4  }
0x9f: {  	s4 =	ssub.s32 $0x0, s4;
	[sflag:s6] =	ssyncset.done $0x0  }
0xa0: {  	[sflag:s6] =	ssyncadd.s32 s4;
	_ =	sdelay $0x1  }
0xa1: {  	s23 =	simm.s32 $0x1B8B  }
0xa2: {  	_ =	swait.ge [sflag:s23], $0x1  }
0xa3: {  	[sflag:s23] =	ssyncset.done $0x0  }
0xa4: {  	[sflag:s23] =	ssyncadd.s32 $0xFFFFFFFF  }
0xa5: {  	s4 =	sld [smem:$0x0]  }
0xa6: {  	s5 =	sand.u32 $0xFFFFFFFE, s1  }
0xa7: {  	p0 =	sne.s32 s1, s5  }
0xa8: {  	s5 =	sshll.u32 @p0 s5, $0xE  }
0xa9: {  	s5 =	sadd.s32 @p0 $0x11B8D, s5;
	s6 =	sshll.u32 @p0 s4, $0x11  }
0xaa: {  	s5 =	sor.u32 @p0 s6, s5  }
0xab: {  	[sflag:s5] =	ssyncadd.remote.s32 @p0 $0x1;
	_ =	sdelay $0x1  }
0xac: {  	s5 =	simm.s32 @p0 $0x1B8D  }
0xad: {  	_ =	swait.eq @p0 [sflag:s5], $0x1  }
0xae: {  	[sflag:s5] =	ssyncadd.s32 @p0 $0xFFFFFFFF  }
0xaf: {  	s6 =	sshll.u32 @!p0 s1, $0xE  }
0xb0: {  	s6 =	sor.u32 @!p0 $0x4000, s6;
	s5 =	simm.s32 @!p0 $0x1B8D  }
0xb1: {  	s4 =	sshll.u32 @!p0 s4, $0x11;
	s6 =	sadd.s32 @!p0 $0x11B8D, s6;
	_ =	swait.eq @!p0 [sflag:s5], $0x1  }
0xb2: {  	s4 =	sor.u32 @!p0 s4, s6;
	[sflag:s5] =	ssyncadd.s32 @!p0 $0xFFFFFFFF  }
0xb3: {  	s25 =	simm.s32 $0x1B8E;
	s24 =	sld [smem:$0x3FFE];
	[sflag:s4] =	ssyncadd.remote.s32 @!p0 $0x1  }
0xb4: {  	s26 =	simm.s32 $execute0_lowered;
	[smem:$0x3FD2] =	sst s25  }
0xb5: {  	s5 =	sshll.u32 s26, $0x1;
	_ =	strace $0x80000049;
	[dreg:$0x1] =	wrdreg $0xFFFFFFFF  }
0xb6: {  	s28 =	simm.s32 $_size_execute0_lowered;
	s3 =	sadd.s32 s3, s5;
	[dreg:$0x0] =	wrdreg $0x0  }
0xb7: {  	s5 =	sshll.u32 s28, $0x1;
	[dreg:$0x2] =	wrdreg s3  }
0xb8: {  	[dreg:$0x3] =	wrdreg s5  }
0xb9: {  	[dreg:$0x4] =	wrdreg $0xC0  }
0xba: {  	_ =	task [dreg:s22], $0x5FFFF  }
0xbb: {  	[dreg:$0x1] =	wrdreg $0xFFFFFFFF  }
0xbc: {  	[dreg:$0x0] =	wrdreg $0x60  }
0xbd: {  	[dreg:$0x2] =	wrdreg s24  }
0xbe: {  	[dreg:$0x3] =	wrdreg $0xD0000  }
0xbf: {  	[dreg:$0x4] =	wrdreg $0xA  }
0xc0: {  	_ =	task.clear_ibuf [dreg:s22], $0x5FFFF;
	_ =	strace $0x90000049  }
0xc1: {  	s29 =	simm.s32 $0xA;
	_ =	strace $0x8000004B  }
0xc2: {  	_ =	swait.ge [sflag:s29], $0x1  }
0xc3: {  	[sflag:s29] =	ssyncadd.s32 $0xFFFFFFFF  }
0xc4: {  	_ =	strace $0x9000004B  }
0xc5: {  	_ =	sfence  }
0xc6: {  	s30 =	sld [smem:$0x0];
	_ =	sdelay $0x2  }
0xc7: {  	s31 =	sshll.u32 s1, $0xD;
	s1 =	sshrl.u32 s1, $0x2  }
0xc8: {  	s4 =	sand.u32 $0x4000, s31;
	s1 =	sadd.s32 s1, s30  }
0xc9: {  	s0 =	sor.u32 s4, s0;
	s1 =	sshll.u32 s1, $0x11  }
0xca: {  	s0 =	sor.u32 s1, s0  }
0xcb: {  	s0 =	sadd.s32 $0x8F2B, s0  }
0xcc: {  	[sflag:s0] =	ssyncadd.remote.s32 $0x1  }
0xcd: {  	_ =	sfence.sel $0xFFFF  }
0xce: {  	[dreg:$0x0] =	wrdreg $0xFFFFFFFF;
	(pc) =	sbr.abs _section_cstart, $3  }
0xcf: {  	[dreg:$0x1] =	wrdreg $0xFFFFFFFF  }
0xd0: {  	_ =	task.clear_ibuf [dreg:s22], $0x2FFFF;
	_ =	strace $0x9FFFFFFF  }
0xd1: {  	(tm) =	ssettm $0x7FFFFFFF  }
tec
execute0_lowered:
.L_overlay_start_1:
0x0: {  	(tag) =	ssettag $0x1  }
0x1: {  	s3 =	rddreg [dreg:$0x0]  }
0x2: {  	s1 =	rddreg [dreg:$0x1];
	s4 =	srdreg.scid  }
0x3: {  	s0 =	rddreg [dreg:$0x2];
	s2 =	simm.s32 $0x0;
	s4 =	sand.u32 $0x1, s4  }
0x4: {  	s12 =	simm.s32 $0x9000;
	s22 =	simm.s32 $0x0;
	s5 =	smul.u32 $0xA000, s4  }
0x5: {  	[smem:$0x7FF] =	sst s2;
	s7 =	smul.u32 $0x14000, s4;
	s8 =	ssub.s32 $0x2, s4  }
0x6: {  	_ =	strace $0x8000004A;
	s4 =	sadd.s32 $0x3000, s3;
	s9 =	sshrl.u32 s8, $0x1  }
0x7: {  	s6 =	sadd.s32 s5, s3;
	s5 =	sadd.s32 $0x2800, s3;
	s7 =	sadd.s32 s7, s3  }
0x8: {  	s3 =	stileid.u32;
	s8 =	ssub.s32 s8, s9;
	s13 =	sadd.s32 $0x2B800, s6  }
0x9: {  	s14 =	smul.u32 $0xA00, s3;
	s20 =	sadd.s32 $0x3F800, s7;
	s6 =	smax.u32 s8, $0x1  }
0xa: {  	s10 =	sor.u32 $0x10, s3;
	s11 =	sor.u32 $0x20, s3;
	s29 =	sshll.u32 s3, $0xE  }
0xb: {  	s15 =	sshll.u32 s3, $0xB;
	s16 =	sshll.u32 s3, $0x6;
	s30 =	sshll.u32 s10, $0xE  }
0xc: {  	s31 =	sshll.u32 s11, $0xE;
	s7 =	sadd.s32 s29, s1;
	s18 =	sshll.u32 s10, $0xB  }
0xd: {  	s21 =	sshll.u32 s11, $0xB;
	p0 =	sgt.u32 s11, $0x27;
	s10 =	simm.s32 $0x5000  }
0xe: {  	s11 =	simm.s32 $0x1;
	s15 =	sadd.s32 s15, s20;
	s16 =	sor.u32 $0x1C01, s16  }
0xf: {  	s8 =	sadd.s32 s30, s1;
	s9 =	sadd.s32 s31, s1;
	s13 =	sadd.s32 s14, s13  }
0x10: {  	s14 =	simm.s32 $0x80;
	s17 =	sshrl.u32 s7, $0x3;
	s18 =	sadd.s32 s18, s20  }
0x11: {  	s20 =	sadd.s32 @!p0 s21, s20;
	s19 =	sshrl.u32 s8, $0x3;
	s21 =	sshrl.u32 @!p0 s9, $0x3  }
.LBB2_1:
0x12: {  	[tilespmem:s10], [sflag:$0x1] =	stream.linear.gather [hbm4b:s4+s2], $0x4000, $0x38;
	[tilespmem:$0x17000] =	vst v63  }
0x13: {  	_ =	swait.ge [sflag:s11], $0x4000  }
0x14: {  	[sflag:s11] =	ssyncset.done $0x0  }
0x15: {  	[sflag:s11] =	ssyncadd.s32 $0xFFFFC000  }
0x16: {  	[tilespmem:s12], [sflag:$0x1] =	stream.linear.gather [hbm4b:s5+s2], $0x4000, $0x38;
	[tilespmem:$0x17000] =	vst v63  }
0x17: {  	_ =	swait.ge [sflag:s11], $0x4000  }
0x18: {  	[sflag:s11] =	ssyncset.done $0x0  }
0x19: {  	[sflag:s11] =	ssyncadd.s32 $0xFFFFC000  }
0x1a: {  	[spmem:s7] =	stream.linear.scatter [tilespmem:s12], [sflag:$0x1], $0x4000, $0x38;
	[tilespmem:$0x17000] =	vst v63  }
0x1b: {  	_ =	swait.ge [sflag:s11], $0x4000  }
0x1c: {  	[sflag:s11] =	ssyncset.done $0x0  }
0x1d: {  	[sflag:s11] =	ssyncadd.s32 $0xFFFFC000  }
0x1e: {  	[spmem:s8] =	stream.linear.scatter [tilespmem:s12], [sflag:$0x1], $0x4000, $0x38;
	[tilespmem:$0x17000] =	vst v63  }
0x1f: {  	_ =	swait.ge [sflag:s11], $0x4000  }
0x20: {  	[sflag:s11] =	ssyncset.done $0x0  }
0x21: {  	s23 =	simm.s32 @!p0 $0x9000;
	[sflag:s11] =	ssyncadd.s32 $0xFFFFC000  }
0x22: {  	[spmem:s9] =	stream.linear.scatter @!p0 [tilespmem:s23], [sflag:$0x1], $0x4000, $0x38;
	[tilespmem:$0x17000] =	vst v63  }
0x23: {  	s23 =	simm.s32 @!p0 $0x1  }
0x24: {  	_ =	swait.ge @!p0 [sflag:s23], $0x4000  }
0x25: {  	[sflag:s23] =	ssyncset.done @!p0 $0x0  }
0x26: {  	[sflag:s23] =	ssyncadd.s32 @!p0 $0xFFFFC000  }
0x27: {  	[tilespmem:s2], [sflag:$0x1] =	stream.linear.gather [hbm4b:s13+s2], $0x5000, $0x38;
	[tilespmem:$0x17000] =	vst v63  }
0x28: {  	_ =	swait.ge [sflag:s11], $0x5000  }
0x29: {  	[sflag:s11] =	ssyncset.done $0x0  }
0x2a: {  	[sflag:s11] =	ssyncadd.s32 $0xFFFFB000  }
0x2b: {  	s31 =	simm.s32 $0x0;
	[bflag:$0x0] =	sbarrier.arrive $0xFFFF  }
0x2c: {  	[spmem:s1] =	stream.indirect.scatter.add.f32 [tilespmem:s10], [sflag:$0x1], $0x80, s31, s14, $0xb8;
	[tilespmem:$0x17000] =	vst v63  }
0x2d: {  	_ =	swait.ge [sflag:s11], $0x4000  }
0x2e: {  	s23 =	simm.s32 $0x200;
	[sflag:s11] =	ssyncset.done $0x0  }
.LBB2_2:
0x2f: {  	s24 =	sshra.s32 s23, $0x2;
	[sflag:s11] =	ssyncadd.s32 $0xFFFFC000;
	p1 =	sne.s32 s23, $0x13E00  }
0x30: {  	[spmem:s1] =	stream.indirect.scatter.add.f32 [tilespmem:s10], [sflag:$0x1], $0x80, s24, s14, $0xb8;
	[tilespmem:$0x17000] =	vst v63  }
.Ltmp0:
0x31: {  	_ = 	snop;
	(pc) =	sbr.rel @p1 .LBB2_2-.Ltmp0, $4  }
0x32: {  	_ = 	snop  }
0x33: {  	s23 =	sadd.s32 $0x200, s23  }
0x34: {  	_ =	swait.ge [sflag:s11], $0x4000  }
0x35: {  	[sflag:s11] =	ssyncset.done $0x0  }
0x36: {  	[sflag:s11] =	ssyncadd.s32 $0xFFFFC000  }
0x37: {  	[bflag:$0x0] =	sbarrier.arrive $0xFFFF  }
0x38: {  	[hbm:s15], [sflag:s16] =	dma.local [spmem:s17], $0x800  }
0x39: {  	_ =	swait.ge [sflag:s11], $0x800  }
0x3a: {  	[sflag:s11] =	ssyncset.done $0x0  }
0x3b: {  	[sflag:s11] =	ssyncadd.s32 $0xFFFFF800  }
0x3c: {  	[hbm:s18], [sflag:s16] =	dma.local [spmem:s19], $0x800  }
0x3d: {  	s22 =	sadd.s32 $0x1, s22;
	_ =	swait.ge [sflag:s11], $0x800  }
0x3e: {  	p1 =	sne.s32 s22, s6;
	[sflag:s11] =	ssyncset.done $0x0  }
.Ltmp1:
0x3f: {  	s23 =	simm.s32 @!p0 $0x1;
	[sflag:s11] =	ssyncadd.s32 $0xFFFFF800;
	(pc) =	sbr.rel @p1 .LBB2_1-.Ltmp1, $4  }
0x40: {  	[hbm:s20], [sflag:s16] =	dma.local @!p0 [spmem:s21], $0x800  }
0x41: {  	_ =	swait.ge @!p0 [sflag:s23], $0x800  }
0x42: {  	[sflag:s23] =	ssyncset.done @!p0 $0x0  }
0x43: {  	[sflag:s23] =	ssyncadd.s32 @!p0 $0xFFFFF800  }
0x44: {  	_ =	sfence.sel $0x180000  }
0x45: {  	[bflag:$0x0] =	sbarrier.arrive $0xFFFF  }
0x46: {  	p0 =	sne.s32 s3, $0x0;
	_ =	strace $0x9000004A  }
0x47: {  	s0 =	sadd.s32 @!p0 $0x100000, s0;
	[bflag:$0x2] =	sbarrier.arrive $0xFFFF  }
0x48: {  	[sflag:s0] =	ssyncadd.tile.s32 @!p0 $0x1;
	_ =	shalt  }
.Lfunc_end2:
_tile_overlayer_lowered:
.L_overlay_start_2:
0x49: {  	(tag) =	ssettag $0x2  }
0x4a: {  	s0 =	rddreg [dreg:$0x0];
	s2 =	stileid.u32  }
0x4b: {  	s1 =	rddreg [dreg:$0x1];
	p0 =	sne.s32 s2, $0x0  }
0x4c: {  	s3 =	rddreg [dreg:$0x2];
	[bflag:$0x3] =	sbarrier.arrive $0xFFFF;
	s2 =	simm.s32 @!p0 $0x1C01  }
0x4d: {  	[timem:s3], [sflag:s2] =	dma.local @!p0 [hbm:s0], s1  }
0x4e: {  	s0 =	simm.s32 @!p0 $0x1  }
0x4f: {  	_ =	swait.ge @!p0 [sflag:s0], s1  }
0x50: {  	s1 =	ssub.s32 @!p0 $0x0, s1;
	[sflag:s0] =	ssyncset.done @!p0 $0x0  }
0x51: {  	[sflag:s0] =	ssyncadd.s32 @!p0 s1  }
0x52: {  	[bflag:$0x3] =	sbarrier.arrive $0xFFFF  }
0x53: {  	_ =	shalt  }

// kernel: kernel.15.cloned.1.call-start
scs
__scs_entry_jumppad:
0x0: {  	(pc) =	sbr.rel $0x88, $3  }
0x1: {  	(tag) =	ssettag $0x0;
	lr =	simm.s32 $0x1  }
0x2: {  	[smem:$0x3F9B] =	sst lr;
	_ =	strace $0xD0000000  }
0x3: {  	_ = 	snop  }
0x4: {  	_ = 	snop  }
0x5: {  	_ = 	snop  }
0x6: {  	_ = 	snop  }
0x7: {  	_ = 	snop  }
__scs_overlays_trampoline_lowered:
0x8: {  	[smem:$0x3FAA] =	sst s0  }
0x9: {  	[smem:$0x3FAB] =	sst s1  }
0xa: {  	[smem:$0x3FAC] =	sst s2  }
0xb: {  	[smem:$0x3FAD] =	sst s3  }
0xc: {  	[smem:$0x3FAE] =	sst s4  }
0xd: {  	[smem:$0x3FAF] =	sst s5  }
0xe: {  	[smem:$0x3FB0] =	sst s6  }
0xf: {  	[smem:$0x3FB1] =	sst s7  }
0x10: {  	[smem:$0x3FB2] =	sst s8  }
0x11: {  	[smem:$0x3FB3] =	sst s9;
	s0 =	simm.s32 @!p0 $0x0  }
0x12: {  	s1 =	sld [smem:$0x3F99];
	s0 =	simm.s32 @p0 $0x1  }
0x13: {  	[smem:$0x3FB4] =	sst s0;
	s0 =	simm.s32 @!p1 $0x0  }
0x14: {  	s2 =	sld [smem:$0x3F98];
	s0 =	simm.s32 @p1 $0x1  }
0x15: {  	[smem:$0x3FB5] =	sst s0;
	s0 =	simm.s32 @!p2 $0x0  }
0x16: {  	s3 =	sld [smem:$0x3FDB];
	s0 =	simm.s32 @p2 $0x1  }
0x17: {  	s4 =	simm.s32 $0x1BF5;
	[smem:$0x3FB7] =	sst s0  }
0x18: {  	s0 =	sld [smem:$0x3F9A];
	_ =	swait.ge [sflag:s4], $0x0  }
0x19: {  	s7 =	sld [smem:$0x3F9B]  }
0x1a: {  	s8 =	sadd.s32 $0xFFFFE003, lr  }
0x1b: {  	s9 =	sadd.s32 $0xFFFFFEF7, lr;
	s5 =	simm.s32 $0xFFFFFFFF;
	p2 =	slt.u32 s8, $0xFFFFF086  }
0x1c: {  	p1 =	slt.u32 s9, $0xF7A;
	s5 =	simm.s32 @!p2 $0x0  }
0x1d: {  	s5 =	simm.s32 @p1 $0x1;
	p0 =	seq.s32 s7, s2  }
0x1e: {  	s7 =	smul.u32 @!p0 $0xF7A, s2;
	p2 =	seq.s32 @!p0 s5, $0x0  }
0x1f: {  	s9 =	smul.u32 $0xF7A, s1;
	s8 =	simm.s32 @!p0 $0x1BF5;
	p2 =	por !p2, p0  }
0x20: {  	[sflag:s8] =	ssyncset.s32 @!p0 $0xFFFFF086;
	s6 =	sadd.s32 @!p0 s3, s7;
	s7 =	simm.s32 @!p0 $0x108  }
0x21: {  	s3 =	sadd.s32 s3, s9;
	s6 =	sadd.s32 @!p0 $0x88, s6;
	s7 =	simm.s32 @p2 $0x1082  }
0x22: {  	[simem:s7], [sflag:s8] =	dma.local @!p0 [hbm:s6], $0xF7A  }
0x23: {  	s9 =	sor.u32 $0xD0000000, s2;
	s6 =	simm.s32 $0x108;
	_ =	swait.ge @!p0 [sflag:s8], $0x0  }
0x24: {  	s3 =	sadd.s32 $0x88, s3;
	s6 =	simm.s32 @!p1 $0x1082;
	[sflag:s4] =	ssyncset.s32 $0xFFFFF086  }
0x25: {  	[simem:s6], [sflag:s4] =	dma.local [hbm:s3], $0xF7A  }
0x26: {  	[smem:$0x3F9B] =	sst s1;
	(tag) =	ssettag s2;
	_ =	strace s9  }
0x27: {  	s1 =	sld [smem:$0x3FAB]  }
0x28: {  	s2 =	sld [smem:$0x3FAC]  }
0x29: {  	s4 =	sld [smem:$0x3FAE]  }
0x2a: {  	p0 =	seq.s32 s5, $0x0;
	s5 =	sld [smem:$0x3FAF]  }
0x2b: {  	s6 =	sld [smem:$0x3FB0]  }
0x2c: {  	s7 =	sld [smem:$0x3FB1]  }
0x2d: {  	s3 =	simm.s32 $0x108;
	s8 =	sld [smem:$0x3FB2]  }
0x2e: {  	s3 =	simm.s32 @!p0 $0x1082;
	s9 =	sld [smem:$0x3FB3]  }
0x2f: {  	lr =	sadd.s32 s0, s3;
	s0 =	sld [smem:$0x3FAA]  }
0x30: {  	s3 =	sld [smem:$0x3FAD]  }
0x31: {  	[smem:$0x3FB6] =	sst s10  }
0x32: {  	s10 =	sld [smem:$0x3FB4];
	_ =	sdelay $0x3  }
0x33: {  	p0 =	seq.s32 s10, $0x1;
	s10 =	sld [smem:$0x3FB6];
	_ =	sdelay $0x3  }
0x34: {  	[smem:$0x3FB6] =	sst s10  }
0x35: {  	s10 =	sld [smem:$0x3FB5];
	_ =	sdelay $0x3  }
0x36: {  	p1 =	seq.s32 s10, $0x1;
	s10 =	sld [smem:$0x3FB6];
	_ =	sdelay $0x3  }
0x37: {  	[smem:$0x3FB6] =	sst s10  }
0x38: {  	s10 =	sld [smem:$0x3FB7]  }
0x39: {  	_ = 	snop;
	(pc) =	sbr.ind lr, $3  }
0x3a: {  	_ = 	snop  }
0x3b: {  	_ = 	snop  }
0x3c: {  	p2 =	seq.s32 s10, $0x1;
	s10 =	sld [smem:$0x3FB6]  }
0x3d: {  	_ =	shalt  }
0x3e: {  	_ =	shalt  }
0x3f: {  	_ =	shalt  }
0x40: {  	_ =	shalt  }
0x41: {  	_ =	shalt  }
0x42: {  	_ =	shalt  }
0x43: {  	_ =	shalt  }
0x44: {  	_ =	shalt  }
0x45: {  	_ =	shalt  }
0x46: {  	_ =	shalt  }
0x47: {  	_ =	shalt  }
0x48: {  	_ =	shalt  }
0x49: {  	_ =	shalt  }
0x4a: {  	_ =	shalt  }
0x4b: {  	_ =	shalt  }
0x4c: {  	_ =	shalt  }
0x4d: {  	_ =	shalt  }
0x4e: {  	_ =	shalt  }
0x4f: {  	_ =	shalt  }
0x50: {  	_ =	shalt  }
0x51: {  	_ =	shalt  }
0x52: {  	_ =	shalt  }
0x53: {  	_ =	shalt  }
0x54: {  	_ =	shalt  }
0x55: {  	_ =	shalt  }
0x56: {  	_ =	shalt  }
0x57: {  	_ =	shalt  }
0x58: {  	_ =	shalt  }
0x59: {  	_ =	shalt  }
0x5a: {  	_ =	shalt  }
0x5b: {  	_ =	shalt  }
0x5c: {  	_ =	shalt  }
0x5d: {  	_ =	shalt  }
0x5e: {  	_ =	shalt  }
0x5f: {  	_ =	shalt  }
0x60: {  	_ =	shalt  }
0x61: {  	_ =	shalt  }
0x62: {  	_ =	shalt  }
0x63: {  	_ =	shalt  }
0x64: {  	_ =	shalt  }
0x65: {  	_ =	shalt  }
0x66: {  	_ =	shalt  }
0x67: {  	_ =	shalt  }
0x68: {  	_ =	shalt  }
0x69: {  	_ =	shalt  }
0x6a: {  	_ =	shalt  }
0x6b: {  	_ =	shalt  }
0x6c: {  	_ =	shalt  }
0x6d: {  	_ =	shalt  }
0x6e: {  	_ =	shalt  }
0x6f: {  	_ =	shalt  }
0x70: {  	_ =	shalt  }
0x71: {  	_ =	shalt  }
0x72: {  	_ =	shalt  }
0x73: {  	_ =	shalt  }
0x74: {  	_ =	shalt  }
0x75: {  	_ =	shalt  }
0x76: {  	_ =	shalt  }
0x77: {  	_ =	shalt  }
0x78: {  	_ =	shalt  }
0x79: {  	_ =	shalt  }
0x7a: {  	_ =	shalt  }
0x7b: {  	_ =	shalt  }
0x7c: {  	_ =	shalt  }
0x7d: {  	_ =	shalt  }
0x7e: {  	_ =	shalt  }
0x7f: {  	_ =	shalt  }
0x80: {  	_ =	shalt  }
0x81: {  	_ =	shalt  }
0x82: {  	_ =	shalt  }
0x83: {  	_ =	shalt  }
0x84: {  	_ =	shalt  }
0x85: {  	_ =	shalt  }
0x86: {  	_ =	shalt  }
0x87: {  	_ =	shalt  }
.Lfunc_end0:
.L_simem_size_0:
called_computation.2_lowered:
.L_overlay_start_0:
0x88: {  	s2 =	sld [smem:$0x3FD9]  }
0x89: {  	s3 =	sld [smem:$0x3FFE];
	_ =	sdelay $0x1  }
0x8a: {  	s1 =	srdreg.scid  }
0x8b: {  	s0 =	sand.u32 $0x1, s1  }
0x8c: {  	s16 =	sshll.u32 s0, $0xA;
	s2 =	sadd.s32 s3, s2  }
0x8d: {  	s2 =	sadd.s32 s2, s16  }
0x8e: {  	[smem:$0x3FC2] =	sst s2  }
0x8f: {  	_ = 	snop  }
0x90: {  	(tm) =	ssettm $0x1  }
0x91: {  	s17 =	sld [smem:$0x3FFB];
	_ =	sdelay $0x3  }
0x92: {  	_ =	strace s17  }
0x93: {  	s2 =	sld [smem:$0x3FFC];
	_ =	sdelay $0x3  }
0x94: {  	_ =	strace s2  }
0x95: {  	s2 =	sld [smem:$0x3FFD];
	_ =	sdelay $0x3  }
0x96: {  	_ =	strace s2  }
0x97: {  	_ =	strace $0x8FFFFFFF  }
0x98: {  	s18 =	sld [smem:$0x3FDB];
	_ =	sdelay $0x1  }
0x99: {  	s19 =	simm.s32 $_scs_section_size  }
0x9a: {  	s4 =	simm.s32 $_size__tile_overlayer_lowered;
	s5 =	simm.s32 $_tile_overlayer_lowered  }
0x9b: {  	s22 =	simm.s32 $0x1BFF;
	s21 =	sshll.u32 s5, $0x1;
	s2 =	sadd.s32 s19, s18  }
0x9c: {  	s6 =	simm.s32 $0x0;
	s20 =	sshll.u32 s4, $0x1;
	s4 =	sadd.s32 s21, s2  }
0x9d: {  	[timem:s6], [sflag:s22] =	dma.local [hbm:s4], s20  }
0x9e: {  	_ =	swait.ge [sflag:s22], s20  }
0x9f: {  	s3 =	ssub.s32 $0x0, s20;
	[sflag:s22] =	ssyncset.done $0x0  }
0xa0: {  	[sflag:s22] =	ssyncadd.s32 s3;
	_ =	sdelay $0x1  }
0xa1: {  	s23 =	simm.s32 $0x1B8B  }
0xa2: {  	_ =	swait.ge [sflag:s23], $0x1  }
0xa3: {  	[sflag:s23] =	ssyncset.done $0x0  }
0xa4: {  	s25 =	simm.s32 $0x1B8E;
	s24 =	sld [smem:$0x3FFE];
	[sflag:s23] =	ssyncadd.s32 $0xFFFFFFFF  }
0xa5: {  	s26 =	simm.s32 $execute0_lowered;
	[smem:$0x3FD2] =	sst s25  }
0xa6: {  	s4 =	sshll.u32 s26, $0x1;
	_ =	strace $0x8000004C;
	[dreg:$0x1] =	wrdreg $0xFFFFFFFF  }
0xa7: {  	s28 =	simm.s32 $_size_execute0_lowered;
	s2 =	sadd.s32 s2, s4;
	[dreg:$0x0] =	wrdreg $0x0  }
0xa8: {  	s4 =	sshll.u32 s28, $0x1;
	[dreg:$0x2] =	wrdreg s2  }
0xa9: {  	[dreg:$0x3] =	wrdreg s4  }
0xaa: {  	[dreg:$0x4] =	wrdreg $0xC0  }
0xab: {  	_ =	task [dreg:s6], $0x5FFFF  }
0xac: {  	[dreg:$0x1] =	wrdreg $0xFFFFFFFF  }
0xad: {  	[dreg:$0x0] =	wrdreg $0x60  }
0xae: {  	[dreg:$0x2] =	wrdreg s24  }
0xaf: {  	[dreg:$0x3] =	wrdreg $0x120000  }
0xb0: {  	[dreg:$0x4] =	wrdreg $0x9  }
0xb1: {  	_ =	task.clear_ibuf [dreg:s6], $0x5FFFF;
	_ =	strace $0x9000004C  }
0xb2: {  	s29 =	simm.s32 $0x9;
	_ =	strace $0x8000004E  }
0xb3: {  	_ =	swait.ge [sflag:s29], $0x1  }
0xb4: {  	[sflag:s29] =	ssyncadd.s32 $0xFFFFFFFF  }
0xb5: {  	_ =	strace $0x9000004E  }
0xb6: {  	_ =	sfence  }
0xb7: {  	s30 =	sld [smem:$0x0];
	_ =	sdelay $0x2  }
0xb8: {  	s31 =	sshll.u32 s1, $0xD;
	s1 =	sshrl.u32 s1, $0x2  }
0xb9: {  	s3 =	sand.u32 $0x4000, s31;
	s1 =	sadd.s32 s1, s30  }
0xba: {  	s0 =	sor.u32 s3, s0;
	s1 =	sshll.u32 s1, $0x11  }
0xbb: {  	s0 =	sor.u32 s1, s0  }
0xbc: {  	s0 =	sadd.s32 $0x8F2B, s0  }
0xbd: {  	[sflag:s0] =	ssyncadd.remote.s32 $0x1  }
0xbe: {  	_ =	sfence.sel $0xFFFF  }
0xbf: {  	[dreg:$0x0] =	wrdreg $0xFFFFFFFF;
	(pc) =	sbr.abs _section_cstart, $3  }
0xc0: {  	[dreg:$0x1] =	wrdreg $0xFFFFFFFF  }
0xc1: {  	_ =	task.clear_ibuf [dreg:s6], $0x2FFFF;
	_ =	strace $0x9FFFFFFF  }
0xc2: {  	(tm) =	ssettm $0x7FFFFFFF  }
0xc3: {  	_ =	shalt  }
tec
execute0_lowered:
.L_overlay_start_1:
0x0: {  	(tag) =	ssettag $0x1  }
0x1: {  	s5 =	rddreg [dreg:$0x0];
	s0 =	srdreg.scid  }
0x2: {  	s1 =	rddreg [dreg:$0x1];
	s2 =	simm.s32 $0x0;
	s15 =	simm.s32 $0x40  }
0x3: {  	s16 =	simm.s32 $0xC000;
	s17 =	simm.s32 $0x80;
	s18 =	simm.s32 $0xE000  }
0x4: {  	s19 =	simm.s32 $0xC0;
	s20 =	simm.s32 $0x10000;
	s21 =	simm.s32 $0x1  }
0x5: {  	s28 =	simm.s32 $0x9F80;
	s29 =	simm.s32 $0x0;
	s4 =	sand.u32 $0x1, s0  }
0x6: {  	[smem:$0x7FF] =	sst s2;
	s3 =	sadd.s32 $0x2800, s5;
	s6 =	smul.u32 $0xA000, s4  }
0x7: {  	s7 =	smul.u32 $0x14000, s4;
	s8 =	ssub.s32 $0x2, s4;
	s4 =	stileid.u32  }
0x8: {  	_ =	strace $0x8000004D;
	s9 =	sshrl.u32 s8, $0x1;
	s13 =	smul.u32 $0xA00, s4  }
0x9: {  	s10 =	sor.u32 $0x10, s4;
	s26 =	sshll.u32 s4, $0xE;
	s11 =	sor.u32 $0x20, s4  }
0xa: {  	s22 =	sshll.u32 s4, $0xB;
	s6 =	sadd.s32 s6, s5;
	s7 =	sadd.s32 s7, s5  }
0xb: {  	s8 =	ssub.s32 s8, s9;
	s5 =	sadd.s32 $0x2A000, s5;
	s30 =	sshll.u32 s10, $0xE  }
0xc: {  	s31 =	sshll.u32 s11, $0xE;
	s23 =	sshll.u32 s10, $0xB;
	s25 =	sshll.u32 s11, $0xB  }
0xd: {  	p0 =	sgt.u32 s11, $0x27;
	s10 =	simm.s32 $0xA000;
	s11 =	simm.s32 $0x3  }
0xe: {  	s12 =	sadd.s32 $0x67800, s6;
	s14 =	sadd.s32 $0x7B800, s6;
	s24 =	sadd.s32 $0x2A800, s7  }
0xf: {  	s6 =	smax.u32 s8, $0x1;
	s7 =	sadd.s32 s26, s1;
	s8 =	sadd.s32 s30, s1  }
0x10: {  	s9 =	sadd.s32 s31, s1;
	s26 =	simm.s32 $0x9F00;
	s12 =	sadd.s32 s13, s12  }
0x11: {  	s13 =	sadd.s32 s13, s14;
	s14 =	simm.s32 $0x5000;
	s22 =	sadd.s32 s22, s24  }
0x12: {  	s23 =	sadd.s32 s23, s24;
	s24 =	sadd.s32 @!p0 s25, s24;
	s25 =	simm.s32 $0x2  }
.LBB2_1:
0x13: {  	[tilespmem:s10], [sflag:$0x3] =	stream.linear.gather [hbm4b:s5+s2], $0x4000, $0x38;
	[tilespmem:$0x1C000] =	vst v63  }
0x14: {  	_ =	swait.ge [sflag:s11], $0x4000  }
0x15: {  	[sflag:s11] =	ssyncset.done $0x0  }
0x16: {  	[sflag:s11] =	ssyncadd.s32 $0xFFFFC000  }
0x17: {  	[spmem:s7] =	stream.linear.scatter [tilespmem:s10], [sflag:$0x3], $0x4000, $0x38;
	[tilespmem:$0x1C000] =	vst v63  }
0x18: {  	_ =	swait.ge [sflag:s11], $0x4000  }
0x19: {  	[sflag:s11] =	ssyncset.done $0x0  }
0x1a: {  	[sflag:s11] =	ssyncadd.s32 $0xFFFFC000  }
0x1b: {  	[spmem:s8] =	stream.linear.scatter [tilespmem:s10], [sflag:$0x3], $0x4000, $0x38;
	[tilespmem:$0x1C000] =	vst v63  }
0x1c: {  	_ =	swait.ge [sflag:s11], $0x4000  }
0x1d: {  	[sflag:s11] =	ssyncset.done $0x0  }
0x1e: {  	s30 =	simm.s32 @!p0 $0xA000;
	[sflag:s11] =	ssyncadd.s32 $0xFFFFC000  }
0x1f: {  	[spmem:s9] =	stream.linear.scatter @!p0 [tilespmem:s30], [sflag:$0x3], $0x4000, $0x38;
	[tilespmem:$0x1C000] =	vst v63  }
0x20: {  	s30 =	simm.s32 @!p0 $0x3  }
0x21: {  	_ =	swait.ge @!p0 [sflag:s30], $0x4000  }
0x22: {  	[sflag:s30] =	ssyncset.done @!p0 $0x0  }
0x23: {  	[sflag:s30] =	ssyncadd.s32 @!p0 $0xFFFFC000  }
0x24: {  	[tilespmem:s2], [sflag:$0x3] =	stream.linear.gather [hbm4b:s12+s2], $0x5000, $0x38;
	[tilespmem:$0x1C000] =	vst v63  }
0x25: {  	_ =	swait.ge [sflag:s11], $0x5000  }
0x26: {  	[sflag:s11] =	ssyncset.done $0x0  }
0x27: {  	[sflag:s11] =	ssyncadd.s32 $0xFFFFB000  }
0x28: {  	[tilespmem:s14], [sflag:$0x3] =	stream.linear.gather [hbm4b:s13+s2], $0x5000, $0x38;
	[tilespmem:$0x1C000] =	vst v63  }
0x29: {  	_ =	swait.ge [sflag:s11], $0x5000  }
0x2a: {  	[sflag:s11] =	ssyncset.done $0x0  }
0x2b: {  	[sflag:s11] =	ssyncadd.s32 $0xFFFFB000  }
0x2c: {  	[bflag:$0x0] =	sbarrier.arrive $0xFFFF  }
0x2d: {  	[tilespmem:s10], [sflag:$0x1] =	stream.indirect.gather [hbm4b:s3+s15], $0x80, s2, s15, $0xb8;
	[tilespmem:$0x1C000] =	vst v63  }
0x2e: {  	_ = 	snop  }
0x2f: {  	[tilespmem:s16], [sflag:$0x1] =	stream.indirect.gather [hbm4b:s3+s15], $0x80, s15, s15, $0xb8;
	[tilespmem:$0x1C000] =	vst v63  }
0x30: {  	_ = 	snop  }
0x31: {  	[tilespmem:s18], [sflag:$0x2] =	stream.indirect.gather [hbm4b:s3+s15], $0x80, s17, s15, $0xb8;
	[tilespmem:$0x1C000] =	vst v63  }
0x32: {  	_ = 	snop  }
0x33: {  	[tilespmem:s20], [sflag:$0x2] =	stream.indirect.gather [hbm4b:s3+s15], $0x80, s19, s15, $0xb8;
	[tilespmem:$0x1C000] =	vst v63  }
0x34: {  	_ =	swait.ge [sflag:s21], $0x4000  }
0x35: {  	[sflag:s21] =	ssyncset.done $0x0  }
0x36: {  	s30 =	simm.s32 $0x5000;
	[sflag:s21] =	ssyncadd.s32 $0xFFFFC000  }
0x37: {  	[spmem:s1] =	stream.indirect.scatter.add.f32 [tilespmem:s10], [sflag:$0x3], $0x80, s30, s17, $0xb8;
	[tilespmem:$0x1C000] =	vst v63  }
0x38: {  	_ =	swait.ge [sflag:s11], $0x4000  }
0x39: {  	[sflag:s11] =	ssyncset.done $0x0  }
0x3a: {  	s30 =	simm.s32 $0x100;
	[sflag:s11] =	ssyncadd.s32 $0xFFFFC000  }
0x3b: {  	[tilespmem:s10], [sflag:$0x1] =	stream.indirect.gather [hbm4b:s3+s15], $0x80, s30, s15, $0xb8;
	[tilespmem:$0x1C000] =	vst v63  }
0x3c: {  	s30 =	simm.s32 $0x140  }
0x3d: {  	[tilespmem:s16], [sflag:$0x1] =	stream.indirect.gather [hbm4b:s3+s15], $0x80, s30, s15, $0xb8;
	[tilespmem:$0x1C000] =	vst v63  }
0x3e: {  	_ =	swait.ge [sflag:s25], $0x4000  }
0x3f: {  	[sflag:s25] =	ssyncset.done $0x0  }
0x40: {  	s30 =	simm.s32 $0x5080;
	[sflag:s25] =	ssyncadd.s32 $0xFFFFC000  }
0x41: {  	[spmem:s1] =	stream.indirect.scatter.add.f32 [tilespmem:s18], [sflag:$0x3], $0x80, s30, s17, $0xb8;
	[tilespmem:$0x1C000] =	vst v63  }
0x42: {  	_ =	swait.ge [sflag:s11], $0x4000  }
0x43: {  	[sflag:s11] =	ssyncset.done $0x0  }
0x44: {  	s30 =	simm.s32 $0x180;
	[sflag:s11] =	ssyncadd.s32 $0xFFFFC000  }
0x45: {  	[tilespmem:s18], [sflag:$0x2] =	stream.indirect.gather [hbm4b:s3+s15], $0x80, s30, s15, $0xb8;
	[tilespmem:$0x1C000] =	vst v63  }
0x46: {  	s31 =	simm.s32 $0x1C0;
	s30 =	simm.s32 $0x400  }
.LBB2_2:
0x47: {  	[tilespmem:s20], [sflag:$0x2] =	stream.indirect.gather [hbm4b:s3+s15], $0x80, s31, s15, $0xb8;
	[tilespmem:$0x1C000] =	vst v63  }
0x48: {  	s31 =	smov.u32 s30  }
0x49: {  	p1 =	sne.s32 s30, $0x13800;
	s30 =	sadd.s32 $0x400, s30;
	_ =	swait.ge [sflag:s21], $0x4000  }
0x4a: {  	s31 =	sshra.s32 s31, $0x2;
	[sflag:s21] =	ssyncset.done $0x0  }
0x4b: {  	s0 =	sadd.s32 $0x5000, s31;
	[sflag:s21] =	ssyncadd.s32 $0xFFFFC000  }
0x4c: {  	[spmem:s1] =	stream.indirect.scatter.add.f32 [tilespmem:s10], [sflag:$0x3], $0x80, s0, s17, $0xb8;
	[tilespmem:$0x1C000] =	vst v63  }
0x4d: {  	_ =	swait.ge [sflag:s11], $0x4000  }
0x4e: {  	[sflag:s11] =	ssyncset.done $0x0  }
0x4f: {  	s0 =	sadd.s32 $0x100, s31;
	[sflag:s11] =	ssyncadd.s32 $0xFFFFC000  }
0x50: {  	[tilespmem:s10], [sflag:$0x1] =	stream.indirect.gather [hbm4b:s3+s15], $0x80, s0, s15, $0xb8;
	[tilespmem:$0x1C000] =	vst v63  }
0x51: {  	s0 =	sadd.s32 $0x140, s31  }
0x52: {  	[tilespmem:s16], [sflag:$0x1] =	stream.indirect.gather [hbm4b:s3+s15], $0x80, s0, s15, $0xb8;
	[tilespmem:$0x1C000] =	vst v63  }
0x53: {  	_ =	swait.ge [sflag:s25], $0x4000  }
0x54: {  	[sflag:s25] =	ssyncset.done $0x0  }
0x55: {  	s0 =	sadd.s32 $0x5080, s31;
	[sflag:s25] =	ssyncadd.s32 $0xFFFFC000  }
0x56: {  	[spmem:s1] =	stream.indirect.scatter.add.f32 [tilespmem:s18], [sflag:$0x3], $0x80, s0, s17, $0xb8;
	[tilespmem:$0x1C000] =	vst v63  }
.Ltmp0:
0x57: {  	_ =	swait.ge [sflag:s11], $0x4000;
	(pc) =	sbr.rel @p1 .LBB2_2-.Ltmp0, $4  }
0x58: {  	[sflag:s11] =	ssyncset.done $0x0  }
0x59: {  	s0 =	sadd.s32 $0x180, s31;
	[sflag:s11] =	ssyncadd.s32 $0xFFFFC000  }
0x5a: {  	[tilespmem:s18], [sflag:$0x2] =	stream.indirect.gather [hbm4b:s3+s15], $0x80, s0, s15, $0xb8;
	[tilespmem:$0x1C000] =	vst v63  }
0x5b: {  	s31 =	sadd.s32 $0x1C0, s31  }
0x5c: {  	[tilespmem:s20], [sflag:$0x2] =	stream.indirect.gather [hbm4b:s3+s15], $0x80, s31, s15, $0xb8;
	[tilespmem:$0x1C000] =	vst v63  }
0x5d: {  	_ =	swait.ge [sflag:s21], $0x4000  }
0x5e: {  	[sflag:s21] =	ssyncset.done $0x0  }
0x5f: {  	[sflag:s21] =	ssyncadd.s32 $0xFFFFC000  }
0x60: {  	[spmem:s1] =	stream.indirect.scatter.add.f32 [tilespmem:s10], [sflag:$0x3], $0x80, s26, s17, $0xb8;
	[tilespmem:$0x1C000] =	vst v63  }
0x61: {  	_ =	swait.ge [sflag:s11], $0x4000  }
0x62: {  	[sflag:s11] =	ssyncset.done $0x0  }
0x63: {  	[sflag:s11] =	ssyncadd.s32 $0xFFFFC000  }
0x64: {  	_ =	swait.ge [sflag:s25], $0x4000  }
0x65: {  	[sflag:s25] =	ssyncset.done $0x0  }
0x66: {  	[sflag:s25] =	ssyncadd.s32 $0xFFFFC000  }
0x67: {  	[spmem:s1] =	stream.indirect.scatter.add.f32 [tilespmem:s18], [sflag:$0x3], $0x80, s28, s17, $0xb8;
	[tilespmem:$0x1C000] =	vst v63  }
0x68: {  	_ =	swait.ge [sflag:s11], $0x4000  }
0x69: {  	[sflag:s11] =	ssyncset.done $0x0  }
0x6a: {  	s0 =	sshll.u32 s4, $0x6;
	[sflag:s11] =	ssyncadd.s32 $0xFFFFC000  }
0x6b: {  	s30 =	sshrl.u32 s7, $0x3;
	s0 =	sor.u32 $0x1C03, s0;
	[bflag:$0x0] =	sbarrier.arrive $0xFFFF  }
0x6c: {  	[hbm:s22], [sflag:s0] =	dma.local [spmem:s30], $0x800  }
0x6d: {  	_ =	swait.ge [sflag:s11], $0x800  }
0x6e: {  	[sflag:s11] =	ssyncset.done $0x0  }
0x6f: {  	s31 =	sshrl.u32 s8, $0x3;
	[sflag:s11] =	ssyncadd.s32 $0xFFFFF800  }
0x70: {  	[hbm:s23], [sflag:s0] =	dma.local [spmem:s31], $0x800  }
0x71: {  	_ =	swait.ge [sflag:s11], $0x800  }
0x72: {  	s29 =	sadd.s32 $0x1, s29;
	[sflag:s11] =	ssyncset.done $0x0  }
0x73: {  	p1 =	sne.s32 s29, s6;
	s30 =	sshrl.u32 @!p0 s9, $0x3;
	[sflag:s11] =	ssyncadd.s32 $0xFFFFF800  }
0x74: {  	[hbm:s24], [sflag:s0] =	dma.local @!p0 [spmem:s30], $0x800  }
.Ltmp1:
0x75: {  	_ = 	snop;
	(pc) =	sbr.rel @p1 .LBB2_1-.Ltmp1, $4  }
0x76: {  	s0 =	simm.s32 @!p0 $0x3  }
0x77: {  	_ =	swait.ge @!p0 [sflag:s0], $0x800  }
0x78: {  	[sflag:s0] =	ssyncset.done @!p0 $0x0  }
0x79: {  	[sflag:s0] =	ssyncadd.s32 @!p0 $0xFFFFF800  }
0x7a: {  	_ =	sfence.sel $0x180000  }
0x7b: {  	[bflag:$0x0] =	sbarrier.arrive $0xFFFF  }
0x7c: {  	_ =	strace $0x9000004D  }
0x7d: {  	[bflag:$0x2] =	sbarrier.arrive $0xFFFF  }
0x7e: {  	p0 =	sne.s32 s4, $0x0;
	s0 =	rddreg [dreg:$0x2]  }
0x7f: {  	s0 =	sadd.s32 @!p0 $0x100000, s0  }
0x80: {  	[sflag:s0] =	ssyncadd.tile.s32 @!p0 $0x1;
	_ =	shalt  }
.Lfunc_end2:
_tile_overlayer_lowered:
.L_overlay_start_2:
0x81: {  	(tag) =	ssettag $0x2  }
0x82: {  	s0 =	rddreg [dreg:$0x0];
	s2 =	stileid.u32  }
0x83: {  	s1 =	rddreg [dreg:$0x1];
	p0 =	sne.s32 s2, $0x0  }
0x84: {  	s3 =	rddreg [dreg:$0x2];
	[bflag:$0x3] =	sbarrier.arrive $0xFFFF;
	s2 =	simm.s32 @!p0 $0x1C03  }
0x85: {  	[timem:s3], [sflag:s2] =	dma.local @!p0 [hbm:s0], s1  }
0x86: {  	s0 =	simm.s32 @!p0 $0x3  }
0x87: {  	_ =	swait.ge @!p0 [sflag:s0], s1  }
0x88: {  	s1 =	ssub.s32 @!p0 $0x0, s1;
	[sflag:s0] =	ssyncset.done @!p0 $0x0  }
0x89: {  	[sflag:s0] =	ssyncadd.s32 @!p0 s1  }
0x8a: {  	[bflag:$0x3] =	sbarrier.arrive $0xFFFF  }
0x8b: {  	_ =	shalt  }

// kernel: kernel.18.cloned.1.call-start
scs
__scs_entry_jumppad:
0x0: {  	(pc) =	sbr.rel $0x88, $3  }
0x1: {  	(tag) =	ssettag $0x0;
	lr =	simm.s32 $0x1  }
0x2: {  	[smem:$0x3F9B] =	sst lr;
	_ =	strace $0xD0000000  }
0x3: {  	_ = 	snop  }
0x4: {  	_ = 	snop  }
0x5: {  	_ = 	snop  }
0x6: {  	_ = 	snop  }
0x7: {  	_ = 	snop  }
__scs_overlays_trampoline_lowered:
0x8: {  	[smem:$0x3FAA] =	sst s0  }
0x9: {  	[smem:$0x3FAB] =	sst s1  }
0xa: {  	[smem:$0x3FAC] =	sst s2  }
0xb: {  	[smem:$0x3FAD] =	sst s3  }
0xc: {  	[smem:$0x3FAE] =	sst s4  }
0xd: {  	[smem:$0x3FAF] =	sst s5  }
0xe: {  	[smem:$0x3FB0] =	sst s6  }
0xf: {  	[smem:$0x3FB1] =	sst s7  }
0x10: {  	[smem:$0x3FB2] =	sst s8  }
0x11: {  	[smem:$0x3FB3] =	sst s9;
	s0 =	simm.s32 @!p0 $0x0  }
0x12: {  	s1 =	sld [smem:$0x3F99];
	s0 =	simm.s32 @p0 $0x1  }
0x13: {  	[smem:$0x3FB4] =	sst s0;
	s0 =	simm.s32 @!p1 $0x0  }
0x14: {  	s2 =	sld [smem:$0x3F98];
	s0 =	simm.s32 @p1 $0x1  }
0x15: {  	[smem:$0x3FB5] =	sst s0;
	s0 =	simm.s32 @!p2 $0x0  }
0x16: {  	s3 =	sld [smem:$0x3FDB];
	s0 =	simm.s32 @p2 $0x1  }
0x17: {  	s4 =	simm.s32 $0x1BF5;
	[smem:$0x3FB7] =	sst s0  }
0x18: {  	s0 =	sld [smem:$0x3F9A];
	_ =	swait.ge [sflag:s4], $0x0  }
0x19: {  	s7 =	sld [smem:$0x3F9B]  }
0x1a: {  	s8 =	sadd.s32 $0xFFFFE003, lr  }
0x1b: {  	s9 =	sadd.s32 $0xFFFFFEF7, lr;
	s5 =	simm.s32 $0xFFFFFFFF;
	p2 =	slt.u32 s8, $0xFFFFF086  }
0x1c: {  	p1 =	slt.u32 s9, $0xF7A;
	s5 =	simm.s32 @!p2 $0x0  }
0x1d: {  	s5 =	simm.s32 @p1 $0x1;
	p0 =	seq.s32 s7, s2  }
0x1e: {  	s7 =	smul.u32 @!p0 $0xF7A, s2;
	p2 =	seq.s32 @!p0 s5, $0x0  }
0x1f: {  	s9 =	smul.u32 $0xF7A, s1;
	s8 =	simm.s32 @!p0 $0x1BF5;
	p2 =	por !p2, p0  }
0x20: {  	[sflag:s8] =	ssyncset.s32 @!p0 $0xFFFFF086;
	s6 =	sadd.s32 @!p0 s3, s7;
	s7 =	simm.s32 @!p0 $0x108  }
0x21: {  	s3 =	sadd.s32 s3, s9;
	s6 =	sadd.s32 @!p0 $0x88, s6;
	s7 =	simm.s32 @p2 $0x1082  }
0x22: {  	[simem:s7], [sflag:s8] =	dma.local @!p0 [hbm:s6], $0xF7A  }
0x23: {  	s9 =	sor.u32 $0xD0000000, s2;
	s6 =	simm.s32 $0x108;
	_ =	swait.ge @!p0 [sflag:s8], $0x0  }
0x24: {  	s3 =	sadd.s32 $0x88, s3;
	s6 =	simm.s32 @!p1 $0x1082;
	[sflag:s4] =	ssyncset.s32 $0xFFFFF086  }
0x25: {  	[simem:s6], [sflag:s4] =	dma.local [hbm:s3], $0xF7A  }
0x26: {  	[smem:$0x3F9B] =	sst s1;
	(tag) =	ssettag s2;
	_ =	strace s9  }
0x27: {  	s1 =	sld [smem:$0x3FAB]  }
0x28: {  	s2 =	sld [smem:$0x3FAC]  }
0x29: {  	s4 =	sld [smem:$0x3FAE]  }
0x2a: {  	p0 =	seq.s32 s5, $0x0;
	s5 =	sld [smem:$0x3FAF]  }
0x2b: {  	s6 =	sld [smem:$0x3FB0]  }
0x2c: {  	s7 =	sld [smem:$0x3FB1]  }
0x2d: {  	s3 =	simm.s32 $0x108;
	s8 =	sld [smem:$0x3FB2]  }
0x2e: {  	s3 =	simm.s32 @!p0 $0x1082;
	s9 =	sld [smem:$0x3FB3]  }
0x2f: {  	lr =	sadd.s32 s0, s3;
	s0 =	sld [smem:$0x3FAA]  }
0x30: {  	s3 =	sld [smem:$0x3FAD]  }
0x31: {  	[smem:$0x3FB6] =	sst s10  }
0x32: {  	s10 =	sld [smem:$0x3FB4];
	_ =	sdelay $0x3  }
0x33: {  	p0 =	seq.s32 s10, $0x1;
	s10 =	sld [smem:$0x3FB6];
	_ =	sdelay $0x3  }
0x34: {  	[smem:$0x3FB6] =	sst s10  }
0x35: {  	s10 =	sld [smem:$0x3FB5];
	_ =	sdelay $0x3  }
0x36: {  	p1 =	seq.s32 s10, $0x1;
	s10 =	sld [smem:$0x3FB6];
	_ =	sdelay $0x3  }
0x37: {  	[smem:$0x3FB6] =	sst s10  }
0x38: {  	s10 =	sld [smem:$0x3FB7]  }
0x39: {  	_ = 	snop;
	(pc) =	sbr.ind lr, $3  }
0x3a: {  	_ = 	snop  }
0x3b: {  	_ = 	snop  }
0x3c: {  	p2 =	seq.s32 s10, $0x1;
	s10 =	sld [smem:$0x3FB6]  }
0x3d: {  	_ =	shalt  }
0x3e: {  	_ =	shalt  }
0x3f: {  	_ =	shalt  }
0x40: {  	_ =	shalt  }
0x41: {  	_ =	shalt  }
0x42: {  	_ =	shalt  }
0x43: {  	_ =	shalt  }
0x44: {  	_ =	shalt  }
0x45: {  	_ =	shalt  }
0x46: {  	_ =	shalt  }
0x47: {  	_ =	shalt  }
0x48: {  	_ =	shalt  }
0x49: {  	_ =	shalt  }
0x4a: {  	_ =	shalt  }
0x4b: {  	_ =	shalt  }
0x4c: {  	_ =	shalt  }
0x4d: {  	_ =	shalt  }
0x4e: {  	_ =	shalt  }
0x4f: {  	_ =	shalt  }
0x50: {  	_ =	shalt  }
0x51: {  	_ =	shalt  }
0x52: {  	_ =	shalt  }
0x53: {  	_ =	shalt  }
0x54: {  	_ =	shalt  }
0x55: {  	_ =	shalt  }
0x56: {  	_ =	shalt  }
0x57: {  	_ =	shalt  }
0x58: {  	_ =	shalt  }
0x59: {  	_ =	shalt  }
0x5a: {  	_ =	shalt  }
0x5b: {  	_ =	shalt  }
0x5c: {  	_ =	shalt  }
0x5d: {  	_ =	shalt  }
0x5e: {  	_ =	shalt  }
0x5f: {  	_ =	shalt  }
0x60: {  	_ =	shalt  }
0x61: {  	_ =	shalt  }
0x62: {  	_ =	shalt  }
0x63: {  	_ =	shalt  }
0x64: {  	_ =	shalt  }
0x65: {  	_ =	shalt  }
0x66: {  	_ =	shalt  }
0x67: {  	_ =	shalt  }
0x68: {  	_ =	shalt  }
0x69: {  	_ =	shalt  }
0x6a: {  	_ =	shalt  }
0x6b: {  	_ =	shalt  }
0x6c: {  	_ =	shalt  }
0x6d: {  	_ =	shalt  }
0x6e: {  	_ =	shalt  }
0x6f: {  	_ =	shalt  }
0x70: {  	_ =	shalt  }
0x71: {  	_ =	shalt  }
0x72: {  	_ =	shalt  }
0x73: {  	_ =	shalt  }
0x74: {  	_ =	shalt  }
0x75: {  	_ =	shalt  }
0x76: {  	_ =	shalt  }
0x77: {  	_ =	shalt  }
0x78: {  	_ =	shalt  }
0x79: {  	_ =	shalt  }
0x7a: {  	_ =	shalt  }
0x7b: {  	_ =	shalt  }
0x7c: {  	_ =	shalt  }
0x7d: {  	_ =	shalt  }
0x7e: {  	_ =	shalt  }
0x7f: {  	_ =	shalt  }
0x80: {  	_ =	shalt  }
0x81: {  	_ =	shalt  }
0x82: {  	_ =	shalt  }
0x83: {  	_ =	shalt  }
0x84: {  	_ =	shalt  }
0x85: {  	_ =	shalt  }
0x86: {  	_ =	shalt  }
0x87: {  	_ =	shalt  }
.Lfunc_end0:
.L_simem_size_0:
called_computation.3_lowered:
.L_overlay_start_0:
0x88: {  	s2 =	sld [smem:$0x3FD9]  }
0x89: {  	s3 =	sld [smem:$0x3FFE];
	_ =	sdelay $0x1  }
0x8a: {  	s1 =	srdreg.scid  }
0x8b: {  	s0 =	sand.u32 $0x1, s1  }
0x8c: {  	s16 =	sshll.u32 s0, $0xA;
	s2 =	sadd.s32 s3, s2  }
0x8d: {  	s2 =	sadd.s32 s2, s16  }
0x8e: {  	[smem:$0x3FC2] =	sst s2  }
0x8f: {  	_ = 	snop  }
0x90: {  	(tm) =	ssettm $0x1  }
0x91: {  	s17 =	sld [smem:$0x3FFB];
	_ =	sdelay $0x3  }
0x92: {  	_ =	strace s17  }
0x93: {  	s2 =	sld [smem:$0x3FFC];
	_ =	sdelay $0x3  }
0x94: {  	_ =	strace s2  }
0x95: {  	s2 =	sld [smem:$0x3FFD];
	_ =	sdelay $0x3  }
0x96: {  	_ =	strace s2  }
0x97: {  	_ =	strace $0x8FFFFFFF  }
0x98: {  	s18 =	sld [smem:$0x3FDB];
	_ =	sdelay $0x1  }
0x99: {  	s19 =	simm.s32 $_scs_section_size  }
0x9a: {  	s4 =	simm.s32 $_size__tile_overlayer_lowered;
	s5 =	simm.s32 $_tile_overlayer_lowered  }
0x9b: {  	s22 =	simm.s32 $0x1BFF;
	s21 =	sshll.u32 s5, $0x1;
	s2 =	sadd.s32 s19, s18  }
0x9c: {  	s6 =	simm.s32 $0x0;
	s20 =	sshll.u32 s4, $0x1;
	s4 =	sadd.s32 s21, s2  }
0x9d: {  	[timem:s6], [sflag:s22] =	dma.local [hbm:s4], s20  }
0x9e: {  	_ =	swait.ge [sflag:s22], s20  }
0x9f: {  	s3 =	ssub.s32 $0x0, s20;
	[sflag:s22] =	ssyncset.done $0x0  }
0xa0: {  	[sflag:s22] =	ssyncadd.s32 s3;
	_ =	sdelay $0x1  }
0xa1: {  	s23 =	simm.s32 $0x1B8B  }
0xa2: {  	_ =	swait.ge [sflag:s23], $0x1  }
0xa3: {  	[sflag:s23] =	ssyncset.done $0x0  }
0xa4: {  	s25 =	simm.s32 $0x1B8E;
	s24 =	sld [smem:$0x3FFE];
	[sflag:s23] =	ssyncadd.s32 $0xFFFFFFFF  }
0xa5: {  	s26 =	simm.s32 $execute0_lowered;
	[smem:$0x3FD2] =	sst s25  }
0xa6: {  	s4 =	sshll.u32 s26, $0x1;
	_ =	strace $0x8000004F;
	[dreg:$0x1] =	wrdreg $0xFFFFFFFF  }
0xa7: {  	s28 =	simm.s32 $_size_execute0_lowered;
	s2 =	sadd.s32 s2, s4;
	[dreg:$0x0] =	wrdreg $0x0  }
0xa8: {  	s4 =	sshll.u32 s28, $0x1;
	[dreg:$0x2] =	wrdreg s2  }
0xa9: {  	[dreg:$0x3] =	wrdreg s4  }
0xaa: {  	[dreg:$0x4] =	wrdreg $0xC0  }
0xab: {  	_ =	task [dreg:s6], $0x5FFFF  }
0xac: {  	[dreg:$0x1] =	wrdreg $0xFFFFFFFF  }
0xad: {  	[dreg:$0x0] =	wrdreg $0x60  }
0xae: {  	[dreg:$0x2] =	wrdreg s24  }
0xaf: {  	[dreg:$0x3] =	wrdreg $0x120000  }
0xb0: {  	[dreg:$0x4] =	wrdreg $0x9  }
0xb1: {  	_ =	task.clear_ibuf [dreg:s6], $0x5FFFF;
	_ =	strace $0x9000004F  }
0xb2: {  	s29 =	simm.s32 $0x9;
	_ =	strace $0x80000051  }
0xb3: {  	_ =	swait.ge [sflag:s29], $0x1  }
0xb4: {  	[sflag:s29] =	ssyncadd.s32 $0xFFFFFFFF  }
0xb5: {  	_ =	strace $0x90000051  }
0xb6: {  	_ =	sfence  }
0xb7: {  	s30 =	sld [smem:$0x0];
	_ =	sdelay $0x2  }
0xb8: {  	s31 =	sshll.u32 s1, $0xD;
	s1 =	sshrl.u32 s1, $0x2  }
0xb9: {  	s3 =	sand.u32 $0x4000, s31;
	s1 =	sadd.s32 s1, s30  }
0xba: {  	s0 =	sor.u32 s3, s0;
	s1 =	sshll.u32 s1, $0x11  }
0xbb: {  	s0 =	sor.u32 s1, s0  }
0xbc: {  	s0 =	sadd.s32 $0x8F2B, s0  }
0xbd: {  	[sflag:s0] =	ssyncadd.remote.s32 $0x1  }
0xbe: {  	_ =	sfence.sel $0xFFFF  }
0xbf: {  	[dreg:$0x0] =	wrdreg $0xFFFFFFFF;
	(pc) =	sbr.abs _section_cstart, $3  }
0xc0: {  	[dreg:$0x1] =	wrdreg $0xFFFFFFFF  }
0xc1: {  	_ =	task.clear_ibuf [dreg:s6], $0x2FFFF;
	_ =	strace $0x9FFFFFFF  }
0xc2: {  	(tm) =	ssettm $0x7FFFFFFF  }
0xc3: {  	_ =	shalt  }
tec
execute0_lowered:
.L_overlay_start_1:
0x0: {  	(tag) =	ssettag $0x1  }
0x1: {  	s5 =	rddreg [dreg:$0x0];
	s0 =	srdreg.scid  }
0x2: {  	s1 =	rddreg [dreg:$0x1];
	s2 =	simm.s32 $0x0;
	s15 =	simm.s32 $0x40  }
0x3: {  	s16 =	simm.s32 $0xC000;
	s17 =	simm.s32 $0x80;
	s18 =	simm.s32 $0xE000  }
0x4: {  	s19 =	simm.s32 $0xC0;
	s20 =	simm.s32 $0x10000;
	s21 =	simm.s32 $0x1  }
0x5: {  	s28 =	simm.s32 $0x9F80;
	s29 =	simm.s32 $0x0;
	s4 =	sand.u32 $0x1, s0  }
0x6: {  	[smem:$0x7FF] =	sst s2;
	s3 =	sadd.s32 $0x2800, s5;
	s6 =	smul.u32 $0xA000, s4  }
0x7: {  	s7 =	smul.u32 $0x14000, s4;
	s8 =	ssub.s32 $0x2, s4;
	s4 =	stileid.u32  }
0x8: {  	_ =	strace $0x80000050;
	s9 =	sshrl.u32 s8, $0x1;
	s13 =	smul.u32 $0xA00, s4  }
0x9: {  	s10 =	sor.u32 $0x10, s4;
	s26 =	sshll.u32 s4, $0xE;
	s11 =	sor.u32 $0x20, s4  }
0xa: {  	s22 =	sshll.u32 s4, $0xB;
	s6 =	sadd.s32 s6, s5;
	s7 =	sadd.s32 s7, s5  }
0xb: {  	s8 =	ssub.s32 s8, s9;
	s5 =	sadd.s32 $0x2A000, s5;
	s30 =	sshll.u32 s10, $0xE  }
0xc: {  	s31 =	sshll.u32 s11, $0xE;
	s23 =	sshll.u32 s10, $0xB;
	s25 =	sshll.u32 s11, $0xB  }
0xd: {  	p0 =	sgt.u32 s11, $0x27;
	s10 =	simm.s32 $0xA000;
	s11 =	simm.s32 $0x3  }
0xe: {  	s12 =	sadd.s32 $0x67800, s6;
	s14 =	sadd.s32 $0x7B800, s6;
	s24 =	sadd.s32 $0x2A800, s7  }
0xf: {  	s6 =	smax.u32 s8, $0x1;
	s7 =	sadd.s32 s26, s1;
	s8 =	sadd.s32 s30, s1  }
0x10: {  	s9 =	sadd.s32 s31, s1;
	s26 =	simm.s32 $0x9F00;
	s12 =	sadd.s32 s13, s12  }
0x11: {  	s13 =	sadd.s32 s13, s14;
	s14 =	simm.s32 $0x5000;
	s22 =	sadd.s32 s22, s24  }
0x12: {  	s23 =	sadd.s32 s23, s24;
	s24 =	sadd.s32 @!p0 s25, s24;
	s25 =	simm.s32 $0x2  }
.LBB2_1:
0x13: {  	[tilespmem:s10], [sflag:$0x3] =	stream.linear.gather [hbm4b:s5+s2], $0x4000, $0x38;
	[tilespmem:$0x1C000] =	vst v63  }
0x14: {  	_ =	swait.ge [sflag:s11], $0x4000  }
0x15: {  	[sflag:s11] =	ssyncset.done $0x0  }
0x16: {  	[sflag:s11] =	ssyncadd.s32 $0xFFFFC000  }
0x17: {  	[spmem:s7] =	stream.linear.scatter [tilespmem:s10], [sflag:$0x3], $0x4000, $0x38;
	[tilespmem:$0x1C000] =	vst v63  }
0x18: {  	_ =	swait.ge [sflag:s11], $0x4000  }
0x19: {  	[sflag:s11] =	ssyncset.done $0x0  }
0x1a: {  	[sflag:s11] =	ssyncadd.s32 $0xFFFFC000  }
0x1b: {  	[spmem:s8] =	stream.linear.scatter [tilespmem:s10], [sflag:$0x3], $0x4000, $0x38;
	[tilespmem:$0x1C000] =	vst v63  }
0x1c: {  	_ =	swait.ge [sflag:s11], $0x4000  }
0x1d: {  	[sflag:s11] =	ssyncset.done $0x0  }
0x1e: {  	s30 =	simm.s32 @!p0 $0xA000;
	[sflag:s11] =	ssyncadd.s32 $0xFFFFC000  }
0x1f: {  	[spmem:s9] =	stream.linear.scatter @!p0 [tilespmem:s30], [sflag:$0x3], $0x4000, $0x38;
	[tilespmem:$0x1C000] =	vst v63  }
0x20: {  	s30 =	simm.s32 @!p0 $0x3  }
0x21: {  	_ =	swait.ge @!p0 [sflag:s30], $0x4000  }
0x22: {  	[sflag:s30] =	ssyncset.done @!p0 $0x0  }
0x23: {  	[sflag:s30] =	ssyncadd.s32 @!p0 $0xFFFFC000  }
0x24: {  	[tilespmem:s2], [sflag:$0x3] =	stream.linear.gather [hbm4b:s12+s2], $0x5000, $0x38;
	[tilespmem:$0x1C000] =	vst v63  }
0x25: {  	_ =	swait.ge [sflag:s11], $0x5000  }
0x26: {  	[sflag:s11] =	ssyncset.done $0x0  }
0x27: {  	[sflag:s11] =	ssyncadd.s32 $0xFFFFB000  }
0x28: {  	[tilespmem:s14], [sflag:$0x3] =	stream.linear.gather [hbm4b:s13+s2], $0x5000, $0x38;
	[tilespmem:$0x1C000] =	vst v63  }
0x29: {  	_ =	swait.ge [sflag:s11], $0x5000  }
0x2a: {  	[sflag:s11] =	ssyncset.done $0x0  }
0x2b: {  	[sflag:s11] =	ssyncadd.s32 $0xFFFFB000  }
0x2c: {  	[bflag:$0x0] =	sbarrier.arrive $0xFFFF  }
0x2d: {  	[tilespmem:s10], [sflag:$0x1] =	stream.indirect.gather [hbm4b:s3+s15], $0x80, s2, s15, $0xb8;
	[tilespmem:$0x1C000] =	vst v63  }
0x2e: {  	_ = 	snop  }
0x2f: {  	[tilespmem:s16], [sflag:$0x1] =	stream.indirect.gather [hbm4b:s3+s15], $0x80, s15, s15, $0xb8;
	[tilespmem:$0x1C000] =	vst v63  }
0x30: {  	_ = 	snop  }
0x31: {  	[tilespmem:s18], [sflag:$0x2] =	stream.indirect.gather [hbm4b:s3+s15], $0x80, s17, s15, $0xb8;
	[tilespmem:$0x1C000] =	vst v63  }
0x32: {  	_ = 	snop  }
0x33: {  	[tilespmem:s20], [sflag:$0x2] =	stream.indirect.gather [hbm4b:s3+s15], $0x80, s19, s15, $0xb8;
	[tilespmem:$0x1C000] =	vst v63  }
0x34: {  	_ =	swait.ge [sflag:s21], $0x4000  }
0x35: {  	[sflag:s21] =	ssyncset.done $0x0  }
0x36: {  	s30 =	simm.s32 $0x5000;
	[sflag:s21] =	ssyncadd.s32 $0xFFFFC000  }
0x37: {  	[spmem:s1] =	stream.indirect.scatter.add.f32 [tilespmem:s10], [sflag:$0x3], $0x80, s30, s17, $0xb8;
	[tilespmem:$0x1C000] =	vst v63  }
0x38: {  	_ =	swait.ge [sflag:s11], $0x4000  }
0x39: {  	[sflag:s11] =	ssyncset.done $0x0  }
0x3a: {  	s30 =	simm.s32 $0x100;
	[sflag:s11] =	ssyncadd.s32 $0xFFFFC000  }
0x3b: {  	[tilespmem:s10], [sflag:$0x1] =	stream.indirect.gather [hbm4b:s3+s15], $0x80, s30, s15, $0xb8;
	[tilespmem:$0x1C000] =	vst v63  }
0x3c: {  	s30 =	simm.s32 $0x140  }
0x3d: {  	[tilespmem:s16], [sflag:$0x1] =	stream.indirect.gather [hbm4b:s3+s15], $0x80, s30, s15, $0xb8;
	[tilespmem:$0x1C000] =	vst v63  }
0x3e: {  	_ =	swait.ge [sflag:s25], $0x4000  }
0x3f: {  	[sflag:s25] =	ssyncset.done $0x0  }
0x40: {  	s30 =	simm.s32 $0x5080;
	[sflag:s25] =	ssyncadd.s32 $0xFFFFC000  }
0x41: {  	[spmem:s1] =	stream.indirect.scatter.add.f32 [tilespmem:s18], [sflag:$0x3], $0x80, s30, s17, $0xb8;
	[tilespmem:$0x1C000] =	vst v63  }
0x42: {  	_ =	swait.ge [sflag:s11], $0x4000  }
0x43: {  	[sflag:s11] =	ssyncset.done $0x0  }
0x44: {  	s30 =	simm.s32 $0x180;
	[sflag:s11] =	ssyncadd.s32 $0xFFFFC000  }
0x45: {  	[tilespmem:s18], [sflag:$0x2] =	stream.indirect.gather [hbm4b:s3+s15], $0x80, s30, s15, $0xb8;
	[tilespmem:$0x1C000] =	vst v63  }
0x46: {  	s31 =	simm.s32 $0x1C0;
	s30 =	simm.s32 $0x400  }
.LBB2_2:
0x47: {  	[tilespmem:s20], [sflag:$0x2] =	stream.indirect.gather [hbm4b:s3+s15], $0x80, s31, s15, $0xb8;
	[tilespmem:$0x1C000] =	vst v63  }
0x48: {  	s31 =	smov.u32 s30  }
0x49: {  	p1 =	sne.s32 s30, $0x13800;
	s30 =	sadd.s32 $0x400, s30;
	_ =	swait.ge [sflag:s21], $0x4000  }
0x4a: {  	s31 =	sshra.s32 s31, $0x2;
	[sflag:s21] =	ssyncset.done $0x0  }
0x4b: {  	s0 =	sadd.s32 $0x5000, s31;
	[sflag:s21] =	ssyncadd.s32 $0xFFFFC000  }
0x4c: {  	[spmem:s1] =	stream.indirect.scatter.add.f32 [tilespmem:s10], [sflag:$0x3], $0x80, s0, s17, $0xb8;
	[tilespmem:$0x1C000] =	vst v63  }
0x4d: {  	_ =	swait.ge [sflag:s11], $0x4000  }
0x4e: {  	[sflag:s11] =	ssyncset.done $0x0  }
0x4f: {  	s0 =	sadd.s32 $0x100, s31;
	[sflag:s11] =	ssyncadd.s32 $0xFFFFC000  }
0x50: {  	[tilespmem:s10], [sflag:$0x1] =	stream.indirect.gather [hbm4b:s3+s15], $0x80, s0, s15, $0xb8;
	[tilespmem:$0x1C000] =	vst v63  }
0x51: {  	s0 =	sadd.s32 $0x140, s31  }
0x52: {  	[tilespmem:s16], [sflag:$0x1] =	stream.indirect.gather [hbm4b:s3+s15], $0x80, s0, s15, $0xb8;
	[tilespmem:$0x1C000] =	vst v63  }
0x53: {  	_ =	swait.ge [sflag:s25], $0x4000  }
0x54: {  	[sflag:s25] =	ssyncset.done $0x0  }
0x55: {  	s0 =	sadd.s32 $0x5080, s31;
	[sflag:s25] =	ssyncadd.s32 $0xFFFFC000  }
0x56: {  	[spmem:s1] =	stream.indirect.scatter.add.f32 [tilespmem:s18], [sflag:$0x3], $0x80, s0, s17, $0xb8;
	[tilespmem:$0x1C000] =	vst v63  }
.Ltmp0:
0x57: {  	_ =	swait.ge [sflag:s11], $0x4000;
	(pc) =	sbr.rel @p1 .LBB2_2-.Ltmp0, $4  }
0x58: {  	[sflag:s11] =	ssyncset.done $0x0  }
0x59: {  	s0 =	sadd.s32 $0x180, s31;
	[sflag:s11] =	ssyncadd.s32 $0xFFFFC000  }
0x5a: {  	[tilespmem:s18], [sflag:$0x2] =	stream.indirect.gather [hbm4b:s3+s15], $0x80, s0, s15, $0xb8;
	[tilespmem:$0x1C000] =	vst v63  }
0x5b: {  	s31 =	sadd.s32 $0x1C0, s31  }
0x5c: {  	[tilespmem:s20], [sflag:$0x2] =	stream.indirect.gather [hbm4b:s3+s15], $0x80, s31, s15, $0xb8;
	[tilespmem:$0x1C000] =	vst v63  }
0x5d: {  	_ =	swait.ge [sflag:s21], $0x4000  }
0x5e: {  	[sflag:s21] =	ssyncset.done $0x0  }
0x5f: {  	[sflag:s21] =	ssyncadd.s32 $0xFFFFC000  }
0x60: {  	[spmem:s1] =	stream.indirect.scatter.add.f32 [tilespmem:s10], [sflag:$0x3], $0x80, s26, s17, $0xb8;
	[tilespmem:$0x1C000] =	vst v63  }
0x61: {  	_ =	swait.ge [sflag:s11], $0x4000  }
0x62: {  	[sflag:s11] =	ssyncset.done $0x0  }
0x63: {  	[sflag:s11] =	ssyncadd.s32 $0xFFFFC000  }
0x64: {  	_ =	swait.ge [sflag:s25], $0x4000  }
0x65: {  	[sflag:s25] =	ssyncset.done $0x0  }
0x66: {  	[sflag:s25] =	ssyncadd.s32 $0xFFFFC000  }
0x67: {  	[spmem:s1] =	stream.indirect.scatter.add.f32 [tilespmem:s18], [sflag:$0x3], $0x80, s28, s17, $0xb8;
	[tilespmem:$0x1C000] =	vst v63  }
0x68: {  	_ =	swait.ge [sflag:s11], $0x4000  }
0x69: {  	[sflag:s11] =	ssyncset.done $0x0  }
0x6a: {  	s0 =	sshll.u32 s4, $0x6;
	[sflag:s11] =	ssyncadd.s32 $0xFFFFC000  }
0x6b: {  	s30 =	sshrl.u32 s7, $0x3;
	s0 =	sor.u32 $0x1C03, s0;
	[bflag:$0x0] =	sbarrier.arrive $0xFFFF  }
0x6c: {  	[hbm:s22], [sflag:s0] =	dma.local [spmem:s30], $0x800  }
0x6d: {  	_ =	swait.ge [sflag:s11], $0x800  }
0x6e: {  	[sflag:s11] =	ssyncset.done $0x0  }
0x6f: {  	s31 =	sshrl.u32 s8, $0x3;
	[sflag:s11] =	ssyncadd.s32 $0xFFFFF800  }
0x70: {  	[hbm:s23], [sflag:s0] =	dma.local [spmem:s31], $0x800  }
0x71: {  	_ =	swait.ge [sflag:s11], $0x800  }
0x72: {  	s29 =	sadd.s32 $0x1, s29;
	[sflag:s11] =	ssyncset.done $0x0  }
0x73: {  	p1 =	sne.s32 s29, s6;
	s30 =	sshrl.u32 @!p0 s9, $0x3;
	[sflag:s11] =	ssyncadd.s32 $0xFFFFF800  }
0x74: {  	[hbm:s24], [sflag:s0] =	dma.local @!p0 [spmem:s30], $0x800  }
.Ltmp1:
0x75: {  	_ = 	snop;
	(pc) =	sbr.rel @p1 .LBB2_1-.Ltmp1, $4  }
0x76: {  	s0 =	simm.s32 @!p0 $0x3  }
0x77: {  	_ =	swait.ge @!p0 [sflag:s0], $0x800  }
0x78: {  	[sflag:s0] =	ssyncset.done @!p0 $0x0  }
0x79: {  	[sflag:s0] =	ssyncadd.s32 @!p0 $0xFFFFF800  }
0x7a: {  	_ =	sfence.sel $0x180000  }
0x7b: {  	[bflag:$0x0] =	sbarrier.arrive $0xFFFF  }
0x7c: {  	_ =	strace $0x90000050  }
0x7d: {  	[bflag:$0x2] =	sbarrier.arrive $0xFFFF  }
0x7e: {  	p0 =	sne.s32 s4, $0x0;
	s0 =	rddreg [dreg:$0x2]  }
0x7f: {  	s0 =	sadd.s32 @!p0 $0x100000, s0  }
0x80: {  	[sflag:s0] =	ssyncadd.tile.s32 @!p0 $0x1;
	_ =	shalt  }
.Lfunc_end2:
_tile_overlayer_lowered:
.L_overlay_start_2:
0x81: {  	(tag) =	ssettag $0x2  }
0x82: {  	s0 =	rddreg [dreg:$0x0];
	s2 =	stileid.u32  }
0x83: {  	s1 =	rddreg [dreg:$0x1];
	p0 =	sne.s32 s2, $0x0  }
0x84: {  	s3 =	rddreg [dreg:$0x2];
	[bflag:$0x3] =	sbarrier.arrive $0xFFFF;
	s2 =	simm.s32 @!p0 $0x1C03  }
0x85: {  	[timem:s3], [sflag:s2] =	dma.local @!p0 [hbm:s0], s1  }
0x86: {  	s0 =	simm.s32 @!p0 $0x3  }
0x87: {  	_ =	swait.ge @!p0 [sflag:s0], s1  }
0x88: {  	s1 =	ssub.s32 @!p0 $0x0, s1;
	[sflag:s0] =	ssyncset.done @!p0 $0x0  }
0x89: {  	[sflag:s0] =	ssyncadd.s32 @!p0 s1  }
0x8a: {  	[bflag:$0x3] =	sbarrier.arrive $0xFFFF  }
0x8b: {  	_ =	shalt  }

// kernel: kernel.9.cloned.1.call-start
scs
__scs_entry_jumppad:
0x0: {  	(pc) =	sbr.rel $0x88, $3  }
0x1: {  	(tag) =	ssettag $0x0;
	lr =	simm.s32 $0x1  }
0x2: {  	[smem:$0x3F9B] =	sst lr;
	_ =	strace $0xD0000000  }
0x3: {  	_ = 	snop  }
0x4: {  	_ = 	snop  }
0x5: {  	_ = 	snop  }
0x6: {  	_ = 	snop  }
0x7: {  	_ = 	snop  }
__scs_overlays_trampoline_lowered:
0x8: {  	[smem:$0x3FAA] =	sst s0  }
0x9: {  	[smem:$0x3FAB] =	sst s1  }
0xa: {  	[smem:$0x3FAC] =	sst s2  }
0xb: {  	[smem:$0x3FAD] =	sst s3  }
0xc: {  	[smem:$0x3FAE] =	sst s4  }
0xd: {  	[smem:$0x3FAF] =	sst s5  }
0xe: {  	[smem:$0x3FB0] =	sst s6  }
0xf: {  	[smem:$0x3FB1] =	sst s7  }
0x10: {  	[smem:$0x3FB2] =	sst s8  }
0x11: {  	[smem:$0x3FB3] =	sst s9;
	s0 =	simm.s32 @!p0 $0x0  }
0x12: {  	s1 =	sld [smem:$0x3F99];
	s0 =	simm.s32 @p0 $0x1  }
0x13: {  	[smem:$0x3FB4] =	sst s0;
	s0 =	simm.s32 @!p1 $0x0  }
0x14: {  	s2 =	sld [smem:$0x3F98];
	s0 =	simm.s32 @p1 $0x1  }
0x15: {  	[smem:$0x3FB5] =	sst s0;
	s0 =	simm.s32 @!p2 $0x0  }
0x16: {  	s3 =	sld [smem:$0x3FDB];
	s0 =	simm.s32 @p2 $0x1  }
0x17: {  	s4 =	simm.s32 $0x1BF5;
	[smem:$0x3FB7] =	sst s0  }
0x18: {  	s0 =	sld [smem:$0x3F9A];
	_ =	swait.ge [sflag:s4], $0x0  }
0x19: {  	s7 =	sld [smem:$0x3F9B]  }
0x1a: {  	s8 =	sadd.s32 $0xFFFFE003, lr  }
0x1b: {  	s9 =	sadd.s32 $0xFFFFFEF7, lr;
	s5 =	simm.s32 $0xFFFFFFFF;
	p2 =	slt.u32 s8, $0xFFFFF086  }
0x1c: {  	p1 =	slt.u32 s9, $0xF7A;
	s5 =	simm.s32 @!p2 $0x0  }
0x1d: {  	s5 =	simm.s32 @p1 $0x1;
	p0 =	seq.s32 s7, s2  }
0x1e: {  	s7 =	smul.u32 @!p0 $0xF7A, s2;
	p2 =	seq.s32 @!p0 s5, $0x0  }
0x1f: {  	s9 =	smul.u32 $0xF7A, s1;
	s8 =	simm.s32 @!p0 $0x1BF5;
	p2 =	por !p2, p0  }
0x20: {  	[sflag:s8] =	ssyncset.s32 @!p0 $0xFFFFF086;
	s6 =	sadd.s32 @!p0 s3, s7;
	s7 =	simm.s32 @!p0 $0x108  }
0x21: {  	s3 =	sadd.s32 s3, s9;
	s6 =	sadd.s32 @!p0 $0x88, s6;
	s7 =	simm.s32 @p2 $0x1082  }
0x22: {  	[simem:s7], [sflag:s8] =	dma.local @!p0 [hbm:s6], $0xF7A  }
0x23: {  	s9 =	sor.u32 $0xD0000000, s2;
	s6 =	simm.s32 $0x108;
	_ =	swait.ge @!p0 [sflag:s8], $0x0  }
0x24: {  	s3 =	sadd.s32 $0x88, s3;
	s6 =	simm.s32 @!p1 $0x1082;
	[sflag:s4] =	ssyncset.s32 $0xFFFFF086  }
0x25: {  	[simem:s6], [sflag:s4] =	dma.local [hbm:s3], $0xF7A  }
0x26: {  	[smem:$0x3F9B] =	sst s1;
	(tag) =	ssettag s2;
	_ =	strace s9  }
0x27: {  	s1 =	sld [smem:$0x3FAB]  }
0x28: {  	s2 =	sld [smem:$0x3FAC]  }
0x29: {  	s4 =	sld [smem:$0x3FAE]  }
0x2a: {  	p0 =	seq.s32 s5, $0x0;
	s5 =	sld [smem:$0x3FAF]  }
0x2b: {  	s6 =	sld [smem:$0x3FB0]  }
0x2c: {  	s7 =	sld [smem:$0x3FB1]  }
0x2d: {  	s3 =	simm.s32 $0x108;
	s8 =	sld [smem:$0x3FB2]  }
0x2e: {  	s3 =	simm.s32 @!p0 $0x1082;
	s9 =	sld [smem:$0x3FB3]  }
0x2f: {  	lr =	sadd.s32 s0, s3;
	s0 =	sld [smem:$0x3FAA]  }
0x30: {  	s3 =	sld [smem:$0x3FAD]  }
0x31: {  	[smem:$0x3FB6] =	sst s10  }
0x32: {  	s10 =	sld [smem:$0x3FB4];
	_ =	sdelay $0x3  }
0x33: {  	p0 =	seq.s32 s10, $0x1;
	s10 =	sld [smem:$0x3FB6];
	_ =	sdelay $0x3  }
0x34: {  	[smem:$0x3FB6] =	sst s10  }
0x35: {  	s10 =	sld [smem:$0x3FB5];
	_ =	sdelay $0x3  }
0x36: {  	p1 =	seq.s32 s10, $0x1;
	s10 =	sld [smem:$0x3FB6];
	_ =	sdelay $0x3  }
0x37: {  	[smem:$0x3FB6] =	sst s10  }
0x38: {  	s10 =	sld [smem:$0x3FB7]  }
0x39: {  	_ = 	snop;
	(pc) =	sbr.ind lr, $3  }
0x3a: {  	_ = 	snop  }
0x3b: {  	_ = 	snop  }
0x3c: {  	p2 =	seq.s32 s10, $0x1;
	s10 =	sld [smem:$0x3FB6]  }
0x3d: {  	_ =	shalt  }
0x3e: {  	_ =	shalt  }
0x3f: {  	_ =	shalt  }
0x40: {  	_ =	shalt  }
0x41: {  	_ =	shalt  }
0x42: {  	_ =	shalt  }
0x43: {  	_ =	shalt  }
0x44: {  	_ =	shalt  }
0x45: {  	_ =	shalt  }
0x46: {  	_ =	shalt  }
0x47: {  	_ =	shalt  }
0x48: {  	_ =	shalt  }
0x49: {  	_ =	shalt  }
0x4a: {  	_ =	shalt  }
0x4b: {  	_ =	shalt  }
0x4c: {  	_ =	shalt  }
0x4d: {  	_ =	shalt  }
0x4e: {  	_ =	shalt  }
0x4f: {  	_ =	shalt  }
0x50: {  	_ =	shalt  }
0x51: {  	_ =	shalt  }
0x52: {  	_ =	shalt  }
0x53: {  	_ =	shalt  }
0x54: {  	_ =	shalt  }
0x55: {  	_ =	shalt  }
0x56: {  	_ =	shalt  }
0x57: {  	_ =	shalt  }
0x58: {  	_ =	shalt  }
0x59: {  	_ =	shalt  }
0x5a: {  	_ =	shalt  }
0x5b: {  	_ =	shalt  }
0x5c: {  	_ =	shalt  }
0x5d: {  	_ =	shalt  }
0x5e: {  	_ =	shalt  }
0x5f: {  	_ =	shalt  }
0x60: {  	_ =	shalt  }
0x61: {  	_ =	shalt  }
0x62: {  	_ =	shalt  }
0x63: {  	_ =	shalt  }
0x64: {  	_ =	shalt  }
0x65: {  	_ =	shalt  }
0x66: {  	_ =	shalt  }
0x67: {  	_ =	shalt  }
0x68: {  	_ =	shalt  }
0x69: {  	_ =	shalt  }
0x6a: {  	_ =	shalt  }
0x6b: {  	_ =	shalt  }
0x6c: {  	_ =	shalt  }
0x6d: {  	_ =	shalt  }
0x6e: {  	_ =	shalt  }
0x6f: {  	_ =	shalt  }
0x70: {  	_ =	shalt  }
0x71: {  	_ =	shalt  }
0x72: {  	_ =	shalt  }
0x73: {  	_ =	shalt  }
0x74: {  	_ =	shalt  }
0x75: {  	_ =	shalt  }
0x76: {  	_ =	shalt  }
0x77: {  	_ =	shalt  }
0x78: {  	_ =	shalt  }
0x79: {  	_ =	shalt  }
0x7a: {  	_ =	shalt  }
0x7b: {  	_ =	shalt  }
0x7c: {  	_ =	shalt  }
0x7d: {  	_ =	shalt  }
0x7e: {  	_ =	shalt  }
0x7f: {  	_ =	shalt  }
0x80: {  	_ =	shalt  }
0x81: {  	_ =	shalt  }
0x82: {  	_ =	shalt  }
0x83: {  	_ =	shalt  }
0x84: {  	_ =	shalt  }
0x85: {  	_ =	shalt  }
0x86: {  	_ =	shalt  }
0x87: {  	_ =	shalt  }
.Lfunc_end0:
.L_simem_size_0:
called_computation_lowered:
.L_overlay_start_0:
0x88: {  	s2 =	sld [smem:$0x3FD9]  }
0x89: {  	s3 =	sld [smem:$0x3FFE];
	_ =	sdelay $0x1  }
0x8a: {  	s1 =	srdreg.scid  }
0x8b: {  	s0 =	sand.u32 $0x1, s1  }
0x8c: {  	s17 =	sshll.u32 s0, $0xA;
	s2 =	sadd.s32 s3, s2  }
0x8d: {  	s2 =	sadd.s32 s2, s17  }
0x8e: {  	[smem:$0x3FC2] =	sst s2  }
0x8f: {  	_ = 	snop  }
0x90: {  	s2 =	sld [smem:$0x3FD0];
	(tm) =	ssettm $0x1  }
0x91: {  	s18 =	sld [smem:$0x3FFB];
	_ =	sdelay $0x3  }
0x92: {  	_ =	strace s18  }
0x93: {  	s3 =	sld [smem:$0x3FFC];
	_ =	sdelay $0x3  }
0x94: {  	_ =	strace s3  }
0x95: {  	s3 =	sld [smem:$0x3FFD];
	_ =	sdelay $0x3  }
0x96: {  	_ =	strace s3  }
0x97: {  	_ =	strace $0x8FFFFFFF  }
0x98: {  	s19 =	sld [smem:$0x3FDB];
	_ =	sdelay $0x1  }
0x99: {  	s4 =	simm.s32 $_scs_section_size  }
0x9a: {  	s5 =	simm.s32 $_size__tile_overlayer_lowered;
	s6 =	simm.s32 $_tile_overlayer_lowered  }
0x9b: {  	s22 =	simm.s32 $0x1BFF;
	s21 =	sshll.u32 s6, $0x1;
	s3 =	sadd.s32 s4, s19  }
0x9c: {  	s7 =	simm.s32 $0x0;
	s20 =	sshll.u32 s5, $0x1;
	s5 =	sadd.s32 s21, s3  }
0x9d: {  	[timem:s7], [sflag:s22] =	dma.local [hbm:s5], s20  }
0x9e: {  	_ =	swait.ge [sflag:s22], s20  }
0x9f: {  	s4 =	ssub.s32 $0x0, s20;
	[sflag:s22] =	ssyncset.done $0x0  }
0xa0: {  	[sflag:s22] =	ssyncadd.s32 s4;
	_ =	sdelay $0x1  }
0xa1: {  	s23 =	simm.s32 $0x1B8B  }
0xa2: {  	_ =	swait.ge [sflag:s23], $0x1  }
0xa3: {  	[sflag:s23] =	ssyncset.done $0x0  }
0xa4: {  	s25 =	simm.s32 $0x1B8E;
	s24 =	sld [smem:$0x3FFE];
	[sflag:s23] =	ssyncadd.s32 $0xFFFFFFFF  }
0xa5: {  	s26 =	simm.s32 $execute0_lowered;
	[smem:$0x3FD2] =	sst s25  }
0xa6: {  	s5 =	sshll.u32 s26, $0x1;
	_ =	strace $0x80000046;
	[dreg:$0x1] =	wrdreg $0xFFFFFFFF  }
0xa7: {  	s28 =	simm.s32 $_size_execute0_lowered;
	s3 =	sadd.s32 s3, s5;
	[dreg:$0x0] =	wrdreg $0x0  }
0xa8: {  	s5 =	sshll.u32 s28, $0x1;
	[dreg:$0x2] =	wrdreg s3  }
0xa9: {  	[dreg:$0x3] =	wrdreg s5  }
0xaa: {  	[dreg:$0x4] =	wrdreg $0xC0  }
0xab: {  	_ =	task [dreg:s7], $0x5FFFF  }
0xac: {  	[dreg:$0x1] =	wrdreg $0xFFFFFFFF  }
0xad: {  	[dreg:$0x0] =	wrdreg $0x60  }
0xae: {  	[dreg:$0x2] =	wrdreg s2  }
0xaf: {  	[dreg:$0x3] =	wrdreg s24  }
0xb0: {  	[dreg:$0x4] =	wrdreg $0xD0000  }
0xb1: {  	[dreg:$0x5] =	wrdreg $0x9  }
0xb2: {  	_ =	task.clear_ibuf [dreg:s7], $0x6FFFF;
	_ =	strace $0x90000046  }
0xb3: {  	s29 =	simm.s32 $0x9;
	_ =	strace $0x80000048  }
0xb4: {  	_ =	swait.ge [sflag:s29], $0x1  }
0xb5: {  	[sflag:s29] =	ssyncadd.s32 $0xFFFFFFFF  }
0xb6: {  	_ =	strace $0x90000048  }
0xb7: {  	_ =	sfence  }
0xb8: {  	s30 =	sld [smem:$0x0];
	_ =	sdelay $0x2  }
0xb9: {  	s31 =	sshll.u32 s1, $0xD;
	s1 =	sshrl.u32 s1, $0x2  }
0xba: {  	s3 =	sand.u32 $0x4000, s31;
	s1 =	sadd.s32 s1, s30  }
0xbb: {  	s0 =	sor.u32 s3, s0;
	s1 =	sshll.u32 s1, $0x11  }
0xbc: {  	s0 =	sor.u32 s1, s0  }
0xbd: {  	s0 =	sadd.s32 $0x8F2B, s0  }
0xbe: {  	[sflag:s0] =	ssyncadd.remote.s32 $0x1  }
0xbf: {  	_ =	sfence.sel $0xFFFF  }
0xc0: {  	[dreg:$0x0] =	wrdreg $0xFFFFFFFF;
	(pc) =	sbr.abs _section_cstart, $3  }
0xc1: {  	[dreg:$0x1] =	wrdreg $0xFFFFFFFF  }
0xc2: {  	_ =	task.clear_ibuf [dreg:s7], $0x2FFFF;
	_ =	strace $0x9FFFFFFF  }
0xc3: {  	(tm) =	ssettm $0x7FFFFFFF  }
tec
execute0_lowered:
.L_overlay_start_1:
0x0: {  	(tag) =	ssettag $0x1  }
0x1: {  	s6 =	rddreg [dreg:$0x0]  }
0x2: {  	s4 =	rddreg [dreg:$0x1]  }
0x3: {  	s1 =	rddreg [dreg:$0x2]  }
0x4: {  	s0 =	rddreg [dreg:$0x3];
	s2 =	simm.s32 $0x0;
	s3 =	srdreg.scid  }
0x5: {  	s12 =	simm.s32 $0x9000;
	s22 =	simm.s32 $0x0;
	s7 =	sand.u32 $0x1, s3  }
0x6: {  	[smem:$0x7FF] =	sst s2;
	s3 =	sadd.s32 $0x3000, s4;
	s8 =	smul.u32 $0x14000, s7  }
0x7: {  	s5 =	sadd.s32 $0x2800, s4;
	s9 =	ssub.s32 $0x2, s7;
	s7 =	smul.u32 $0xA000, s7  }
0x8: {  	_ =	strace $0x80000047;
	s10 =	sshrl.u32 s9, $0x1;
	s8 =	sadd.s32 s8, s4  }
0x9: {  	s4 =	stileid.u32;
	s9 =	ssub.s32 s9, s10;
	s13 =	sadd.s32 s6, s7  }
0xa: {  	s10 =	simm.s32 $0x5000;
	s14 =	smul.u32 $0xA00, s4;
	s20 =	sadd.s32 $0x3800, s8  }
0xb: {  	s6 =	smax.u32 s9, $0x1;
	s28 =	sor.u32 $0x10, s4;
	s11 =	sor.u32 $0x20, s4  }
0xc: {  	s29 =	sshll.u32 s4, $0xE;
	s15 =	sshll.u32 s4, $0xB;
	s16 =	sshll.u32 s4, $0x6  }
0xd: {  	s30 =	sshll.u32 s28, $0xE;
	s31 =	sshll.u32 s11, $0xE;
	s7 =	sadd.s32 s29, s1  }
0xe: {  	s18 =	sshll.u32 s28, $0xB;
	s21 =	sshll.u32 s11, $0xB;
	p0 =	sgt.u32 s11, $0x27  }
0xf: {  	s11 =	simm.s32 $0x1;
	s15 =	sadd.s32 s15, s20;
	s16 =	sor.u32 $0x1C01, s16  }
0x10: {  	s8 =	sadd.s32 s30, s1;
	s9 =	sadd.s32 s31, s1;
	s13 =	sadd.s32 s14, s13  }
0x11: {  	s14 =	simm.s32 $0x80;
	s17 =	sshrl.u32 s7, $0x3;
	s18 =	sadd.s32 s18, s20  }
0x12: {  	s20 =	sadd.s32 @!p0 s21, s20;
	s19 =	sshrl.u32 s8, $0x3;
	s21 =	sshrl.u32 @!p0 s9, $0x3  }
.LBB2_1:
0x13: {  	[tilespmem:s10], [sflag:$0x1] =	stream.linear.gather [hbm4b:s3+s2], $0x4000, $0x38;
	[tilespmem:$0x17000] =	vst v63  }
0x14: {  	_ =	swait.ge [sflag:s11], $0x4000  }
0x15: {  	[sflag:s11] =	ssyncset.done $0x0  }
0x16: {  	[sflag:s11] =	ssyncadd.s32 $0xFFFFC000  }
0x17: {  	[tilespmem:s12], [sflag:$0x1] =	stream.linear.gather [hbm4b:s5+s2], $0x4000, $0x38;
	[tilespmem:$0x17000] =	vst v63  }
0x18: {  	_ =	swait.ge [sflag:s11], $0x4000  }
0x19: {  	[sflag:s11] =	ssyncset.done $0x0  }
0x1a: {  	[sflag:s11] =	ssyncadd.s32 $0xFFFFC000  }
0x1b: {  	[spmem:s7] =	stream.linear.scatter [tilespmem:s12], [sflag:$0x1], $0x4000, $0x38;
	[tilespmem:$0x17000] =	vst v63  }
0x1c: {  	_ =	swait.ge [sflag:s11], $0x4000  }
0x1d: {  	[sflag:s11] =	ssyncset.done $0x0  }
0x1e: {  	[sflag:s11] =	ssyncadd.s32 $0xFFFFC000  }
0x1f: {  	[spmem:s8] =	stream.linear.scatter [tilespmem:s12], [sflag:$0x1], $0x4000, $0x38;
	[tilespmem:$0x17000] =	vst v63  }
0x20: {  	_ =	swait.ge [sflag:s11], $0x4000  }
0x21: {  	[sflag:s11] =	ssyncset.done $0x0  }
0x22: {  	s23 =	simm.s32 @!p0 $0x9000;
	[sflag:s11] =	ssyncadd.s32 $0xFFFFC000  }
0x23: {  	[spmem:s9] =	stream.linear.scatter @!p0 [tilespmem:s23], [sflag:$0x1], $0x4000, $0x38;
	[tilespmem:$0x17000] =	vst v63  }
0x24: {  	s23 =	simm.s32 @!p0 $0x1  }
0x25: {  	_ =	swait.ge @!p0 [sflag:s23], $0x4000  }
0x26: {  	[sflag:s23] =	ssyncset.done @!p0 $0x0  }
0x27: {  	[sflag:s23] =	ssyncadd.s32 @!p0 $0xFFFFC000  }
0x28: {  	[tilespmem:s2], [sflag:$0x1] =	stream.linear.gather [hbm4b:s13+s2], $0x5000, $0x38;
	[tilespmem:$0x17000] =	vst v63  }
0x29: {  	_ =	swait.ge [sflag:s11], $0x5000  }
0x2a: {  	[sflag:s11] =	ssyncset.done $0x0  }
0x2b: {  	[sflag:s11] =	ssyncadd.s32 $0xFFFFB000  }
0x2c: {  	s31 =	simm.s32 $0x0;
	[bflag:$0x0] =	sbarrier.arrive $0xFFFF  }
0x2d: {  	[spmem:s1] =	stream.indirect.scatter.add.f32 [tilespmem:s10], [sflag:$0x1], $0x80, s31, s14, $0xb8;
	[tilespmem:$0x17000] =	vst v63  }
0x2e: {  	_ =	swait.ge [sflag:s11], $0x4000  }
0x2f: {  	s23 =	simm.s32 $0x200;
	[sflag:s11] =	ssyncset.done $0x0  }
.LBB2_2:
0x30: {  	s24 =	sshra.s32 s23, $0x2;
	[sflag:s11] =	ssyncadd.s32 $0xFFFFC000;
	p1 =	sne.s32 s23, $0x13E00  }
0x31: {  	[spmem:s1] =	stream.indirect.scatter.add.f32 [tilespmem:s10], [sflag:$0x1], $0x80, s24, s14, $0xb8;
	[tilespmem:$0x17000] =	vst v63  }
.Ltmp0:
0x32: {  	_ = 	snop;
	(pc) =	sbr.rel @p1 .LBB2_2-.Ltmp0, $4  }
0x33: {  	_ = 	snop  }
0x34: {  	s23 =	sadd.s32 $0x200, s23  }
0x35: {  	_ =	swait.ge [sflag:s11], $0x4000  }
0x36: {  	[sflag:s11] =	ssyncset.done $0x0  }
0x37: {  	[sflag:s11] =	ssyncadd.s32 $0xFFFFC000  }
0x38: {  	[bflag:$0x0] =	sbarrier.arrive $0xFFFF  }
0x39: {  	[hbm:s15], [sflag:s16] =	dma.local [spmem:s17], $0x800  }
0x3a: {  	_ =	swait.ge [sflag:s11], $0x800  }
0x3b: {  	[sflag:s11] =	ssyncset.done $0x0  }
0x3c: {  	[sflag:s11] =	ssyncadd.s32 $0xFFFFF800  }
0x3d: {  	[hbm:s18], [sflag:s16] =	dma.local [spmem:s19], $0x800  }
0x3e: {  	s22 =	sadd.s32 $0x1, s22;
	_ =	swait.ge [sflag:s11], $0x800  }
0x3f: {  	p1 =	sne.s32 s22, s6;
	[sflag:s11] =	ssyncset.done $0x0  }
.Ltmp1:
0x40: {  	s23 =	simm.s32 @!p0 $0x1;
	[sflag:s11] =	ssyncadd.s32 $0xFFFFF800;
	(pc) =	sbr.rel @p1 .LBB2_1-.Ltmp1, $4  }
0x41: {  	[hbm:s20], [sflag:s16] =	dma.local @!p0 [spmem:s21], $0x800  }
0x42: {  	_ =	swait.ge @!p0 [sflag:s23], $0x800  }
0x43: {  	[sflag:s23] =	ssyncset.done @!p0 $0x0  }
0x44: {  	[sflag:s23] =	ssyncadd.s32 @!p0 $0xFFFFF800  }
0x45: {  	_ =	sfence.sel $0x180000  }
0x46: {  	[bflag:$0x0] =	sbarrier.arrive $0xFFFF  }
0x47: {  	p0 =	sne.s32 s4, $0x0;
	_ =	strace $0x90000047  }
0x48: {  	s0 =	sadd.s32 @!p0 $0x100000, s0;
	[bflag:$0x2] =	sbarrier.arrive $0xFFFF  }
0x49: {  	[sflag:s0] =	ssyncadd.tile.s32 @!p0 $0x1;
	_ =	shalt  }
.Lfunc_end2:
_tile_overlayer_lowered:
.L_overlay_start_2:
0x4a: {  	(tag) =	ssettag $0x2  }
0x4b: {  	s0 =	rddreg [dreg:$0x0];
	s2 =	stileid.u32  }
0x4c: {  	s1 =	rddreg [dreg:$0x1];
	p0 =	sne.s32 s2, $0x0  }
0x4d: {  	s3 =	rddreg [dreg:$0x2];
	[bflag:$0x3] =	sbarrier.arrive $0xFFFF;
	s2 =	simm.s32 @!p0 $0x1C01  }
0x4e: {  	[timem:s3], [sflag:s2] =	dma.local @!p0 [hbm:s0], s1  }
0x4f: {  	s0 =	simm.s32 @!p0 $0x1  }
0x50: {  	_ =	swait.ge @!p0 [sflag:s0], s1  }
0x51: {  	s1 =	ssub.s32 @!p0 $0x0, s1;
	[sflag:s0] =	ssyncset.done @!p0 $0x0  }
0x52: {  	[sflag:s0] =	ssyncadd.s32 @!p0 s1  }
0x53: {  	[bflag:$0x3] =	sbarrier.arrive $0xFFFF  }
0x54: {  	_ =	shalt  }

</sc_bundles>
